<compile_context>
chip_gen: v7x
topology: tpu7x:2x2x1
jax: 0.10.2.dev20260603
libtpu: 0.0.44.dev20260713+nightly
codegen_flags: <defaults>
</compile_context>

<pallas_src>
import functools

import jax
import jax.numpy as jnp
from jax import lax
from jax.experimental import pallas as pl
from jax.experimental.pallas import tpu as pltpu, tpu_sc as plsc

VOCAB = 100000
EMBED_DIM = 64
BATCH = 4096
CTX = 50
XW = CTX + 1
XP = 128

NC, NS, LANES = 2, 16, 16
NW = NC * NS
B_PER_W = BATCH // NW
CB = 8
N_CHUNKS = B_PER_W // CB
ROWS_PER_CHUNK = CB * CTX
ROWS_PER_W = B_PER_W * CTX
IDX_CHUNK = 128
DIV50_MUL, DIV50_SHIFT = 20972, 20

CPAD = ROWS_PER_CHUNK + LANES
OW = B_PER_W + 1


def _body(x_hbm, wtab_hbm, ctab_hbm, out_hbm,
          xs_v, widx_v, cidx_v, wrows_v, crows_v, out_v, gsem):
    wid = lax.axis_index("s") * NC + lax.axis_index("c")
    lane_iota = lax.iota(jnp.int32, LANES)
    row0 = wid * B_PER_W

    pltpu.sync_copy(x_hbm.at[pl.ds(row0, B_PER_W)], xs_v)
    zvec = jnp.zeros((LANES,), jnp.int32)
    for k in range(B_PER_W // LANES):
        widx_v[pl.ds(k * LANES, LANES)] = plsc.load_gather(
            xs_v, [k * LANES + lane_iota, zvec])

    def extract_body(g2, _):
        o = g2 * LANES + lane_iota
        j = (o * DIV50_MUL) >> DIV50_SHIFT
        p1 = o - j * CTX + 1
        cidx_v[pl.ds(g2 * LANES, LANES)] = plsc.load_gather(xs_v, [j, p1])
        return ()

    lax.fori_loop(0, ROWS_PER_W // LANES, extract_body, (), unroll=False)

    def fire_gathers(k):
        p = lax.rem(k, 2)
        pltpu.async_copy(
            wtab_hbm.at[widx_v.at[pl.ds(k * CB, CB)]],
            wrows_v.at[pl.ds(p * CB, CB)], gsem)
        off = 0
        while off < ROWS_PER_CHUNK:
            n = min(IDX_CHUNK, ROWS_PER_CHUNK - off)
            pltpu.async_copy(
                ctab_hbm.at[cidx_v.at[pl.ds(k * ROWS_PER_CHUNK + off, n)]],
                crows_v.at[pl.ds(p * CPAD + off, n)], gsem)
            off += n

    def drain_gathers():
        pltpu.make_async_copy(ctab_hbm.at[pl.ds(0, ROWS_PER_CHUNK)],
                              crows_v.at[pl.ds(0, ROWS_PER_CHUNK)],
                              gsem).wait()
        pltpu.make_async_copy(wtab_hbm.at[pl.ds(0, CB)],
                              wrows_v.at[pl.ds(0, CB)], gsem).wait()

    fire_gathers(jnp.int32(0))

    def chunk_body(k, _):
        p = lax.rem(k, 2)

        @pl.when(k + 1 < N_CHUNKS)
        def _():
            fire_gathers(k + 1)

        drain_gathers()

        poff_c = p * CPAD
        poff_w = p * CB

        def batch_body(b, _):
            bvec = jnp.broadcast_to(poff_w + b, (LANES,)).astype(jnp.int32)
            bw = jnp.broadcast_to(k * CB + b, (LANES,)).astype(jnp.int32)
            rows = [poff_c + b * CTX + g * LANES + lane_iota for g in range(4)]
            accs = [jnp.zeros((LANES,), jnp.float32) for _ in range(4)]
            for d in range(EMBED_DIM):
                col = jnp.where(lane_iota >= EMBED_DIM - d,
                                lane_iota + (d - EMBED_DIM),
                                lane_iota + d)
                w_d = plsc.load_gather(wrows_v, [bvec, col])
                for g in range(4):
                    v = plsc.load_gather(crows_v, [rows[g], col])
                    accs[g] = accs[g] + v * w_d
            for g in range(4):
                sig = 1.0 / (1.0 + jnp.exp(-accs[g]))
                cvec = g * LANES + lane_iota
                if g * LANES + LANES <= CTX:
                    plsc.store_scatter(out_v, [cvec, bw], sig)
                else:
                    plsc.store_scatter(out_v, [cvec, bw], sig,
                                       mask=lane_iota < (CTX - g * LANES))
            return ()

        lax.fori_loop(0, CB, batch_body, (), unroll=False)
        return ()

    lax.fori_loop(0, N_CHUNKS, chunk_body, (), unroll=False)
    pltpu.sync_copy(out_v.at[:, pl.ds(0, B_PER_W)],
                    out_hbm.at[:, pl.ds(row0, B_PER_W)])


@functools.partial(
    pl.kernel,
    out_type=jax.ShapeDtypeStruct((CTX, BATCH), jnp.float32),
    mesh=plsc.VectorSubcoreMesh(core_axis_name="c", subcore_axis_name="s"),
    compiler_params=pltpu.CompilerParams(
        needs_layout_passes=False, use_tc_tiling_on_sc=False),
    scratch_types=[
        pltpu.VMEM((B_PER_W, XP), jnp.int32),
        pltpu.VMEM((B_PER_W,), jnp.int32),
        pltpu.VMEM((ROWS_PER_W,), jnp.int32),
        pltpu.VMEM((2 * CB, EMBED_DIM), jnp.float32),
        pltpu.VMEM((2 * CPAD, EMBED_DIM), jnp.float32),
        pltpu.VMEM((CTX, OW), jnp.float32),
        pltpu.SemaphoreType.DMA,
    ],
)
def _w2v_sc(x_hbm, wtab_hbm, ctab_hbm, out_hbm,
            xs_v, widx_v, cidx_v, wrows_v, crows_v, out_v, gsem):
    _body(x_hbm, wtab_hbm, ctab_hbm, out_hbm,
          xs_v, widx_v, cidx_v, wrows_v, crows_v, out_v, gsem)


def kernel(x, word_emb, ctx_emb):
    xp = jnp.pad(x, ((0, 0), (0, XP - XW)))
    out = _w2v_sc(xp, word_emb, ctx_emb)
    return out.T[:, :, None]

# --- scband reference (transcript-rebuilt; emitter-appended) ---
"""Pipeline reference for scband-word2-vec-classifier-12610023981796 (READ-ONLY COPY).

The authoritative reference and input builder live on the scoring server;
editing this copy changes nothing except your own understanding.
"""

import jax, jax.numpy as jnp
import numpy as np

VOCAB = 100000
EMBED_DIM = 64
BATCH = 4096
CTX = 50  # x has 1 center word + CTX context words


def setup_inputs(seed: int = 0) -> dict:
    key = jax.random.key(seed)
    k1, k2, k3 = jax.random.split(key, 3)
    x = jax.random.randint(k1, (BATCH, CTX + 1), 0, VOCAB, dtype=jnp.int32)
    word_emb = jax.random.normal(k2, (VOCAB, EMBED_DIM), dtype=jnp.float32) * 0.02
    ctx_emb = jax.random.normal(k3, (VOCAB, EMBED_DIM), dtype=jnp.float32) * 0.02
    return {"x": x, "word_emb": word_emb, "ctx_emb": ctx_emb}


def reference(x, word_emb, ctx_emb):
    # word = self.wordEmbeddings(x[:, 0].reshape(-1, 1)) -> [B, 1, D]
    word = jnp.take(word_emb, x[:, :1], axis=0)
    # embeds = self.contextEmbeddings(x[:, 1:]) -> [B, CTX, D]
    embeds = jnp.take(ctx_emb, x[:, 1:], axis=0)
    # sigmoid(embeds @ word^T) -> [B, CTX, 1]
    logits = jnp.matmul(embeds, jnp.transpose(word, (0, 2, 1)))
    return jax.nn.sigmoid(logits)

if __name__ == "__main__":
    import jax
    _d = setup_inputs()
    print(jax.jit(kernel)(*tuple(_d.values())))

</pallas_src>

<mosaic_0001>
#map = affine_map<(d0, d1) -> (0, 0)>
module attributes {stable_mosaic.version = 14 : i64} {
  func.func @_w2v_sc(%arg0: i32, %arg1: i32, %arg2: memref<4096x128xi32, #tpu.memory_space<hbm>>, %arg3: memref<100000x64xf32, #tpu.memory_space<hbm>>, %arg4: memref<100000x64xf32, #tpu.memory_space<hbm>>, %arg5: memref<50x4096xf32, #tpu.memory_space<hbm>>, %arg6: memref<128x128xi32, #tpu.memory_space<vmem>>, %arg7: memref<128xi32, #tpu.memory_space<vmem>>, %arg8: memref<6400xi32, #tpu.memory_space<vmem>>, %arg9: memref<16x64xf32, #tpu.memory_space<vmem>>, %arg10: memref<832x64xf32, #tpu.memory_space<vmem>>, %arg11: memref<50x129xf32, #tpu.memory_space<vmem>>, %arg12: memref<!tpu.dma_semaphore, #tpu.memory_space<semaphore_mem>>) attributes {dimension_semantics = [#tpu.dimension_semantics<core_parallel>, #tpu.dimension_semantics<subcore_parallel>], iteration_bounds = array<i64: 2, 16>, scalar_prefetch = 0 : i64, scratch_operands = 7 : i64, tpu.core_type = #tpu.core_type<sc_vector_subcore>, window_params = [{transform_indices = #map}, {transform_indices = #map}, {transform_indices = #map}, {transform_indices = #map}]} {
    %mul3A = arith.constant 2 : i32
    %mul3A_0 = arith.muli %arg1, %mul3A : i32
    %add3A = arith.addi %mul3A_0, %arg0 : i32
    %iota3A = tpu.iota {dimensions = array<i32: 0>} : vector<16xi32>
    %mul3A_1 = arith.constant 128 : i32
    %mul3A_2 = arith.muli %add3A, %mul3A_1 : i32
    "tpu.region"() ({
      %run_scoped3A = tpu.sem_alloc : memref<!tpu.dma_semaphore, #tpu.memory_space<semaphore_mem>>
      %dma_start3A_131 = arith.constant 0 : i32
      %dma_start3A_132 = tpu.memref_slice %arg2[%mul3A_2, %dma_start3A_131] : memref<4096x128xi32, #tpu.memory_space<hbm>> -> memref<128x128xi32, #tpu.memory_space<hbm>>
      %dma_start3A_133 = arith.constant 0 : i32
      %dma_start3A_134 = tpu.memref_slice %arg2[%mul3A_2, %dma_start3A_133] : memref<4096x128xi32, #tpu.memory_space<hbm>> -> memref<128x128xi32, #tpu.memory_space<hbm>>
      tpu.enqueue_dma source(%dma_start3A_134 : memref<128x128xi32, #tpu.memory_space<hbm>>) target(%arg6 : memref<128x128xi32, #tpu.memory_space<vmem>>) target_semaphore(%run_scoped3A : memref<!tpu.dma_semaphore, #tpu.memory_space<semaphore_mem>>)
      %dma_wait3A = arith.constant 0 : i32
      %dma_wait3A_135 = tpu.memref_slice %arg2[%mul3A_2, %dma_wait3A] : memref<4096x128xi32, #tpu.memory_space<hbm>> -> memref<128x128xi32, #tpu.memory_space<hbm>>
      %dma_wait3A_136 = arith.constant 0 : i32
      %dma_wait3A_137 = tpu.memref_slice %arg2[%mul3A_2, %dma_wait3A_136] : memref<4096x128xi32, #tpu.memory_space<hbm>> -> memref<128x128xi32, #tpu.memory_space<hbm>>
      tpu.wait_dma2 semaphore(%run_scoped3A : memref<!tpu.dma_semaphore, #tpu.memory_space<semaphore_mem>>) src(%dma_wait3A_137 : memref<128x128xi32, #tpu.memory_space<hbm>>) dst(%arg6 : memref<128x128xi32, #tpu.memory_space<vmem>>)
      tpu.yield
    }) : () -> ()
    %broadcast_in_dim3A = arith.constant 0 : i32
    %broadcast_in_dim3A_3 = vector.broadcast %broadcast_in_dim3A : i32 to vector<16xi32>
    %add3A_4 = arith.constant 0 : i32
    %add3A_5 = vector.broadcast %add3A_4 : i32 to vector<16xi32>
    %add3A_6 = arith.addi %add3A_5, %iota3A : vector<16xi32>
    %gather3A = tpu.vector_load_idx %arg6[%add3A_6, %broadcast_in_dim3A_3] : memref<128x128xi32, #tpu.memory_space<vmem>>[vector<16xi32>, vector<16xi32>], vector<16xi32>,
    %swap3A = arith.constant 0 : index
    %swap3A_7 = tpu.vector_load %arg7[%swap3A] {strides = array<i32>} : memref<128xi32, #tpu.memory_space<vmem>>, vector<16xi32>,
    tpu.vector_store %arg7[%swap3A], %gather3A {strides = array<i32>} : memref<128xi32, #tpu.memory_space<vmem>>, vector<16xi32>,
    %add3A_8 = arith.constant 16 : i32
    %add3A_9 = vector.broadcast %add3A_8 : i32 to vector<16xi32>
    %add3A_10 = arith.addi %add3A_9, %iota3A : vector<16xi32>
    %gather3A_11 = tpu.vector_load_idx %arg6[%add3A_10, %broadcast_in_dim3A_3] : memref<128x128xi32, #tpu.memory_space<vmem>>[vector<16xi32>, vector<16xi32>], vector<16xi32>,
    %swap3A_12 = arith.constant 16 : index
    %swap3A_13 = tpu.vector_load %arg7[%swap3A_12] {strides = array<i32>} : memref<128xi32, #tpu.memory_space<vmem>>, vector<16xi32>,
    tpu.vector_store %arg7[%swap3A_12], %gather3A_11 {strides = array<i32>} : memref<128xi32, #tpu.memory_space<vmem>>, vector<16xi32>,
    %add3A_14 = arith.constant 32 : i32
    %add3A_15 = vector.broadcast %add3A_14 : i32 to vector<16xi32>
    %add3A_16 = arith.addi %add3A_15, %iota3A : vector<16xi32>
    %gather3A_17 = tpu.vector_load_idx %arg6[%add3A_16, %broadcast_in_dim3A_3] : memref<128x128xi32, #tpu.memory_space<vmem>>[vector<16xi32>, vector<16xi32>], vector<16xi32>,
    %swap3A_18 = arith.constant 32 : index
    %swap3A_19 = tpu.vector_load %arg7[%swap3A_18] {strides = array<i32>} : memref<128xi32, #tpu.memory_space<vmem>>, vector<16xi32>,
    tpu.vector_store %arg7[%swap3A_18], %gather3A_17 {strides = array<i32>} : memref<128xi32, #tpu.memory_space<vmem>>, vector<16xi32>,
    %add3A_20 = arith.constant 48 : i32
    %add3A_21 = vector.broadcast %add3A_20 : i32 to vector<16xi32>
    %add3A_22 = arith.addi %add3A_21, %iota3A : vector<16xi32>
    %gather3A_23 = tpu.vector_load_idx %arg6[%add3A_22, %broadcast_in_dim3A_3] : memref<128x128xi32, #tpu.memory_space<vmem>>[vector<16xi32>, vector<16xi32>], vector<16xi32>,
    %swap3A_24 = arith.constant 48 : index
    %swap3A_25 = tpu.vector_load %arg7[%swap3A_24] {strides = array<i32>} : memref<128xi32, #tpu.memory_space<vmem>>, vector<16xi32>,
    tpu.vector_store %arg7[%swap3A_24], %gather3A_23 {strides = array<i32>} : memref<128xi32, #tpu.memory_space<vmem>>, vector<16xi32>,
    %add3A_26 = arith.constant 64 : i32
    %add3A_27 = vector.broadcast %add3A_26 : i32 to vector<16xi32>
    %add3A_28 = arith.addi %add3A_27, %iota3A : vector<16xi32>
    %gather3A_29 = tpu.vector_load_idx %arg6[%add3A_28, %broadcast_in_dim3A_3] : memref<128x128xi32, #tpu.memory_space<vmem>>[vector<16xi32>, vector<16xi32>], vector<16xi32>,
    %swap3A_30 = arith.constant 64 : index
    %swap3A_31 = tpu.vector_load %arg7[%swap3A_30] {strides = array<i32>} : memref<128xi32, #tpu.memory_space<vmem>>, vector<16xi32>,
    tpu.vector_store %arg7[%swap3A_30], %gather3A_29 {strides = array<i32>} : memref<128xi32, #tpu.memory_space<vmem>>, vector<16xi32>,
    %add3A_32 = arith.constant 80 : i32
    %add3A_33 = vector.broadcast %add3A_32 : i32 to vector<16xi32>
    %add3A_34 = arith.addi %add3A_33, %iota3A : vector<16xi32>
    %gather3A_35 = tpu.vector_load_idx %arg6[%add3A_34, %broadcast_in_dim3A_3] : memref<128x128xi32, #tpu.memory_space<vmem>>[vector<16xi32>, vector<16xi32>], vector<16xi32>,
    %swap3A_36 = arith.constant 80 : index
    %swap3A_37 = tpu.vector_load %arg7[%swap3A_36] {strides = array<i32>} : memref<128xi32, #tpu.memory_space<vmem>>, vector<16xi32>,
    tpu.vector_store %arg7[%swap3A_36], %gather3A_35 {strides = array<i32>} : memref<128xi32, #tpu.memory_space<vmem>>, vector<16xi32>,
    %add3A_38 = arith.constant 96 : i32
    %add3A_39 = vector.broadcast %add3A_38 : i32 to vector<16xi32>
    %add3A_40 = arith.addi %add3A_39, %iota3A : vector<16xi32>
    %gather3A_41 = tpu.vector_load_idx %arg6[%add3A_40, %broadcast_in_dim3A_3] : memref<128x128xi32, #tpu.memory_space<vmem>>[vector<16xi32>, vector<16xi32>], vector<16xi32>,
    %swap3A_42 = arith.constant 96 : index
    %swap3A_43 = tpu.vector_load %arg7[%swap3A_42] {strides = array<i32>} : memref<128xi32, #tpu.memory_space<vmem>>, vector<16xi32>,
    tpu.vector_store %arg7[%swap3A_42], %gather3A_41 {strides = array<i32>} : memref<128xi32, #tpu.memory_space<vmem>>, vector<16xi32>,
    %add3A_44 = arith.constant 112 : i32
    %add3A_45 = vector.broadcast %add3A_44 : i32 to vector<16xi32>
    %add3A_46 = arith.addi %add3A_45, %iota3A : vector<16xi32>
    %gather3A_47 = tpu.vector_load_idx %arg6[%add3A_46, %broadcast_in_dim3A_3] : memref<128x128xi32, #tpu.memory_space<vmem>>[vector<16xi32>, vector<16xi32>], vector<16xi32>,
    %swap3A_48 = arith.constant 112 : index
    %swap3A_49 = tpu.vector_load %arg7[%swap3A_48] {strides = array<i32>} : memref<128xi32, #tpu.memory_space<vmem>>, vector<16xi32>,
    tpu.vector_store %arg7[%swap3A_48], %gather3A_47 {strides = array<i32>} : memref<128xi32, #tpu.memory_space<vmem>>, vector<16xi32>,
    %scan3A = arith.constant 0 : i32
    %scan3A_50 = arith.constant 400 : i32
    %scan3A_51 = arith.addi %scan3A, %scan3A_50 : i32
    %scan3A_52 = arith.constant 1 : i32
    scf.for %scan3A_131 = %scan3A to %scan3A_51 step %scan3A_52  : i32 {
      %mul3A_132 = arith.constant 16 : i32
      %mul3A_133 = arith.muli %scan3A_131, %mul3A_132 : i32
      %add3A_134 = vector.broadcast %mul3A_133 : i32 to vector<16xi32>
      %add3A_135 = arith.addi %add3A_134, %iota3A : vector<16xi32>
      %mul3A_136 = arith.constant 20972 : i32
      %mul3A_137 = vector.broadcast %mul3A_136 : i32 to vector<16xi32>
      %mul3A_138 = arith.muli %add3A_135, %mul3A_137 : vector<16xi32>
      %shift_right_arithmetic3A = arith.constant 20 : i32
      %shift_right_arithmetic3A_139 = vector.broadcast %shift_right_arithmetic3A : i32 to vector<16xi32>
      %shift_right_arithmetic3A_140 = arith.shrsi %mul3A_138, %shift_right_arithmetic3A_139 : vector<16xi32>
      %mul3A_141 = arith.constant 50 : i32
      %mul3A_142 = vector.broadcast %mul3A_141 : i32 to vector<16xi32>
      %mul3A_143 = arith.muli %shift_right_arithmetic3A_140, %mul3A_142 : vector<16xi32>
      %sub3A = arith.subi %add3A_135, %mul3A_143 : vector<16xi32>
      %add3A_144 = arith.constant 1 : i32
      %add3A_145 = vector.broadcast %add3A_144 : i32 to vector<16xi32>
      %add3A_146 = arith.addi %sub3A, %add3A_145 : vector<16xi32>
      %gather3A_147 = tpu.vector_load_idx %arg6[%shift_right_arithmetic3A_140, %add3A_146] : memref<128x128xi32, #tpu.memory_space<vmem>>[vector<16xi32>, vector<16xi32>], vector<16xi32>,
      %mul3A_148 = arith.constant 16 : i32
      %mul3A_149 = arith.muli %scan3A_131, %mul3A_148 : i32
      %swap3A_150 = arith.index_cast %mul3A_149 : i32 to index
      %swap3A_151 = tpu.vector_load %arg8[%swap3A_150] {strides = array<i32>} : memref<6400xi32, #tpu.memory_space<vmem>>, vector<16xi32>,
      tpu.vector_store %arg8[%swap3A_150], %gather3A_147 {strides = array<i32>} : memref<6400xi32, #tpu.memory_space<vmem>>, vector<16xi32>,
    }
    %scan3A_53 = arith.constant 400 : i32
    %rem3A = arith.constant 0 : i32
    %rem3A_54 = arith.constant 2 : i32
    %rem3A_55 = arith.remsi %rem3A, %rem3A_54 : i32
    %mul3A_56 = arith.constant 0 : i32
    %mul3A_57 = arith.constant 8 : i32
    %mul3A_58 = arith.muli %mul3A_56, %mul3A_57 : i32
    %mul3A_59 = arith.constant 8 : i32
    %mul3A_60 = arith.muli %rem3A_55, %mul3A_59 : i32
    %dma_start3A = arith.constant 0 : i32
    %dma_start3A_61 = tpu.memref_slice %arg9[%mul3A_60, %dma_start3A] : memref<16x64xf32, #tpu.memory_space<vmem>> -> memref<8x64xf32, #tpu.memory_space<vmem>>
    %dma_start3A_62 = tpu.memref_slice %arg7[%mul3A_58] : memref<128xi32, #tpu.memory_space<vmem>> -> memref<8xi32, #tpu.memory_space<vmem>>
    %dma_start3A_63 = arith.constant 0 : i32
    %dma_start3A_64 = arith.constant 0 : i32
    %dma_start3A_65 = tpu.memref_slice %arg3[%dma_start3A_63, %dma_start3A_64] : memref<100000x64xf32, #tpu.memory_space<hbm>> -> memref<100000x64xf32, #tpu.memory_space<hbm>>
    tpu.enqueue_indirect_dma source(%dma_start3A_65 : memref<100000x64xf32, #tpu.memory_space<hbm>>) target(%dma_start3A_61 : memref<8x64xf32, #tpu.memory_space<vmem>>) offsets(%dma_start3A_62 : memref<8xi32, #tpu.memory_space<vmem>>) semaphore(%arg12 : memref<!tpu.dma_semaphore, #tpu.memory_space<semaphore_mem>>)
    %mul3A_66 = arith.constant 0 : i32
    %mul3A_67 = arith.constant 400 : i32
    %mul3A_68 = arith.muli %mul3A_66, %mul3A_67 : i32
    %add3A_69 = arith.constant 0 : i32
    %add3A_70 = arith.addi %mul3A_68, %add3A_69 : i32
    %mul3A_71 = arith.constant 416 : i32
    %mul3A_72 = arith.muli %rem3A_55, %mul3A_71 : i32
    %add3A_73 = arith.constant 0 : i32
    %add3A_74 = arith.addi %mul3A_72, %add3A_73 : i32
    %dma_start3A_75 = arith.constant 0 : i32
    %dma_start3A_76 = tpu.memref_slice %arg10[%add3A_74, %dma_start3A_75] : memref<832x64xf32, #tpu.memory_space<vmem>> -> memref<128x64xf32, #tpu.memory_space<vmem>>
    %dma_start3A_77 = tpu.memref_slice %arg8[%add3A_70] : memref<6400xi32, #tpu.memory_space<vmem>> -> memref<128xi32, #tpu.memory_space<vmem>>
    %dma_start3A_78 = arith.constant 0 : i32
    %dma_start3A_79 = arith.constant 0 : i32
    %dma_start3A_80 = tpu.memref_slice %arg4[%dma_start3A_78, %dma_start3A_79] : memref<100000x64xf32, #tpu.memory_space<hbm>> -> memref<100000x64xf32, #tpu.memory_space<hbm>>
    tpu.enqueue_indirect_dma source(%dma_start3A_80 : memref<100000x64xf32, #tpu.memory_space<hbm>>) target(%dma_start3A_76 : memref<128x64xf32, #tpu.memory_space<vmem>>) offsets(%dma_start3A_77 : memref<128xi32, #tpu.memory_space<vmem>>) semaphore(%arg12 : memref<!tpu.dma_semaphore, #tpu.memory_space<semaphore_mem>>)
    %mul3A_81 = arith.constant 0 : i32
    %mul3A_82 = arith.constant 400 : i32
    %mul3A_83 = arith.muli %mul3A_81, %mul3A_82 : i32
    %add3A_84 = arith.constant 128 : i32
    %add3A_85 = arith.addi %mul3A_83, %add3A_84 : i32
    %mul3A_86 = arith.constant 416 : i32
    %mul3A_87 = arith.muli %rem3A_55, %mul3A_86 : i32
    %add3A_88 = arith.constant 128 : i32
    %add3A_89 = arith.addi %mul3A_87, %add3A_88 : i32
    %dma_start3A_90 = arith.constant 0 : i32
    %dma_start3A_91 = tpu.memref_slice %arg10[%add3A_89, %dma_start3A_90] : memref<832x64xf32, #tpu.memory_space<vmem>> -> memref<128x64xf32, #tpu.memory_space<vmem>>
    %dma_start3A_92 = tpu.memref_slice %arg8[%add3A_85] : memref<6400xi32, #tpu.memory_space<vmem>> -> memref<128xi32, #tpu.memory_space<vmem>>
    %dma_start3A_93 = arith.constant 0 : i32
    %dma_start3A_94 = arith.constant 0 : i32
    %dma_start3A_95 = tpu.memref_slice %arg4[%dma_start3A_93, %dma_start3A_94] : memref<100000x64xf32, #tpu.memory_space<hbm>> -> memref<100000x64xf32, #tpu.memory_space<hbm>>
    tpu.enqueue_indirect_dma source(%dma_start3A_95 : memref<100000x64xf32, #tpu.memory_space<hbm>>) target(%dma_start3A_91 : memref<128x64xf32, #tpu.memory_space<vmem>>) offsets(%dma_start3A_92 : memref<128xi32, #tpu.memory_space<vmem>>) semaphore(%arg12 : memref<!tpu.dma_semaphore, #tpu.memory_space<semaphore_mem>>)
    %mul3A_96 = arith.constant 0 : i32
    %mul3A_97 = arith.constant 400 : i32
    %mul3A_98 = arith.muli %mul3A_96, %mul3A_97 : i32
    %add3A_99 = arith.constant 256 : i32
    %add3A_100 = arith.addi %mul3A_98, %add3A_99 : i32
    %mul3A_101 = arith.constant 416 : i32
    %mul3A_102 = arith.muli %rem3A_55, %mul3A_101 : i32
    %add3A_103 = arith.constant 256 : i32
    %add3A_104 = arith.addi %mul3A_102, %add3A_103 : i32
    %dma_start3A_105 = arith.constant 0 : i32
    %dma_start3A_106 = tpu.memref_slice %arg10[%add3A_104, %dma_start3A_105] : memref<832x64xf32, #tpu.memory_space<vmem>> -> memref<128x64xf32, #tpu.memory_space<vmem>>
    %dma_start3A_107 = tpu.memref_slice %arg8[%add3A_100] : memref<6400xi32, #tpu.memory_space<vmem>> -> memref<128xi32, #tpu.memory_space<vmem>>
    %dma_start3A_108 = arith.constant 0 : i32
    %dma_start3A_109 = arith.constant 0 : i32
    %dma_start3A_110 = tpu.memref_slice %arg4[%dma_start3A_108, %dma_start3A_109] : memref<100000x64xf32, #tpu.memory_space<hbm>> -> memref<100000x64xf32, #tpu.memory_space<hbm>>
    tpu.enqueue_indirect_dma source(%dma_start3A_110 : memref<100000x64xf32, #tpu.memory_space<hbm>>) target(%dma_start3A_106 : memref<128x64xf32, #tpu.memory_space<vmem>>) offsets(%dma_start3A_107 : memref<128xi32, #tpu.memory_space<vmem>>) semaphore(%arg12 : memref<!tpu.dma_semaphore, #tpu.memory_space<semaphore_mem>>)
    %mul3A_111 = arith.constant 0 : i32
    %mul3A_112 = arith.constant 400 : i32
    %mul3A_113 = arith.muli %mul3A_111, %mul3A_112 : i32
    %add3A_114 = arith.constant 384 : i32
    %add3A_115 = arith.addi %mul3A_113, %add3A_114 : i32
    %mul3A_116 = arith.constant 416 : i32
    %mul3A_117 = arith.muli %rem3A_55, %mul3A_116 : i32
    %add3A_118 = arith.constant 384 : i32
    %add3A_119 = arith.addi %mul3A_117, %add3A_118 : i32
    %dma_start3A_120 = arith.constant 0 : i32
    %dma_start3A_121 = tpu.memref_slice %arg10[%add3A_119, %dma_start3A_120] : memref<832x64xf32, #tpu.memory_space<vmem>> -> memref<16x64xf32, #tpu.memory_space<vmem>>
    %dma_start3A_122 = tpu.memref_slice %arg8[%add3A_115] : memref<6400xi32, #tpu.memory_space<vmem>> -> memref<16xi32, #tpu.memory_space<vmem>>
    %dma_start3A_123 = arith.constant 0 : i32
    %dma_start3A_124 = arith.constant 0 : i32
    %dma_start3A_125 = tpu.memref_slice %arg4[%dma_start3A_123, %dma_start3A_124] : memref<100000x64xf32, #tpu.memory_space<hbm>> -> memref<100000x64xf32, #tpu.memory_space<hbm>>
    tpu.enqueue_indirect_dma source(%dma_start3A_125 : memref<100000x64xf32, #tpu.memory_space<hbm>>) target(%dma_start3A_121 : memref<16x64xf32, #tpu.memory_space<vmem>>) offsets(%dma_start3A_122 : memref<16xi32, #tpu.memory_space<vmem>>) semaphore(%arg12 : memref<!tpu.dma_semaphore, #tpu.memory_space<semaphore_mem>>)
    %scan3A_126 = arith.constant 0 : i32
    %scan3A_127 = arith.constant 16 : i32
    %scan3A_128 = arith.addi %scan3A_126, %scan3A_127 : i32
    %scan3A_129 = arith.constant 1 : i32
    scf.for %scan3A_131 = %scan3A_126 to %scan3A_128 step %scan3A_129  : i32 {
      %rem3A_132 = arith.constant 2 : i32
      %rem3A_133 = arith.remsi %scan3A_131, %rem3A_132 : i32
      %add3A_134 = arith.constant 1 : i32
      %add3A_135 = arith.addi %scan3A_131, %add3A_134 : i32
      %lt3A = arith.constant 16 : i32
      %lt3A_136 = arith.cmpi slt, %add3A_135, %lt3A : i32
      %convert_element_type3A = arith.extui %lt3A_136 : i1 to i32
      %cond3A = arith.constant 0 : i32
      %cond3A_137 = arith.cmpi ne, %convert_element_type3A, %cond3A : i32
      scf.if %cond3A_137 {
        %add3A_170 = arith.constant 1 : i32
        %add3A_171 = arith.addi %scan3A_131, %add3A_170 : i32
        %rem3A_172 = arith.constant 2 : i32
        %rem3A_173 = arith.remsi %add3A_171, %rem3A_172 : i32
        %mul3A_174 = arith.constant 8 : i32
        %mul3A_175 = arith.muli %add3A_171, %mul3A_174 : i32
        %mul3A_176 = arith.constant 8 : i32
        %mul3A_177 = arith.muli %rem3A_173, %mul3A_176 : i32
        %dma_start3A_178 = arith.constant 0 : i32
        %dma_start3A_179 = tpu.memref_slice %arg9[%mul3A_177, %dma_start3A_178] : memref<16x64xf32, #tpu.memory_space<vmem>> -> memref<8x64xf32, #tpu.memory_space<vmem>>
        %dma_start3A_180 = tpu.memref_slice %arg7[%mul3A_175] : memref<128xi32, #tpu.memory_space<vmem>> -> memref<8xi32, #tpu.memory_space<vmem>>
        %dma_start3A_181 = arith.constant 0 : i32
        %dma_start3A_182 = arith.constant 0 : i32
        %dma_start3A_183 = tpu.memref_slice %arg3[%dma_start3A_181, %dma_start3A_182] : memref<100000x64xf32, #tpu.memory_space<hbm>> -> memref<100000x64xf32, #tpu.memory_space<hbm>>
        tpu.enqueue_indirect_dma source(%dma_start3A_183 : memref<100000x64xf32, #tpu.memory_space<hbm>>) target(%dma_start3A_179 : memref<8x64xf32, #tpu.memory_space<vmem>>) offsets(%dma_start3A_180 : memref<8xi32, #tpu.memory_space<vmem>>) semaphore(%arg12 : memref<!tpu.dma_semaphore, #tpu.memory_space<semaphore_mem>>)
        %mul3A_184 = arith.constant 400 : i32
        %mul3A_185 = arith.muli %add3A_171, %mul3A_184 : i32
        %add3A_186 = arith.constant 0 : i32
        %add3A_187 = arith.addi %mul3A_185, %add3A_186 : i32
        %mul3A_188 = arith.constant 416 : i32
        %mul3A_189 = arith.muli %rem3A_173, %mul3A_188 : i32
        %add3A_190 = arith.constant 0 : i32
        %add3A_191 = arith.addi %mul3A_189, %add3A_190 : i32
        %dma_start3A_192 = arith.constant 0 : i32
        %dma_start3A_193 = tpu.memref_slice %arg10[%add3A_191, %dma_start3A_192] : memref<832x64xf32, #tpu.memory_space<vmem>> -> memref<128x64xf32, #tpu.memory_space<vmem>>
        %dma_start3A_194 = tpu.memref_slice %arg8[%add3A_187] : memref<6400xi32, #tpu.memory_space<vmem>> -> memref<128xi32, #tpu.memory_space<vmem>>
        %dma_start3A_195 = arith.constant 0 : i32
        %dma_start3A_196 = arith.constant 0 : i32
        %dma_start3A_197 = tpu.memref_slice %arg4[%dma_start3A_195, %dma_start3A_196] : memref<100000x64xf32, #tpu.memory_space<hbm>> -> memref<100000x64xf32, #tpu.memory_space<hbm>>
        tpu.enqueue_indirect_dma source(%dma_start3A_197 : memref<100000x64xf32, #tpu.memory_space<hbm>>) target(%dma_start3A_193 : memref<128x64xf32, #tpu.memory_space<vmem>>) offsets(%dma_start3A_194 : memref<128xi32, #tpu.memory_space<vmem>>) semaphore(%arg12 : memref<!tpu.dma_semaphore, #tpu.memory_space<semaphore_mem>>)
        %mul3A_198 = arith.constant 400 : i32
        %mul3A_199 = arith.muli %add3A_171, %mul3A_198 : i32
        %add3A_200 = arith.constant 128 : i32
        %add3A_201 = arith.addi %mul3A_199, %add3A_200 : i32
        %mul3A_202 = arith.constant 416 : i32
        %mul3A_203 = arith.muli %rem3A_173, %mul3A_202 : i32
        %add3A_204 = arith.constant 128 : i32
        %add3A_205 = arith.addi %mul3A_203, %add3A_204 : i32
        %dma_start3A_206 = arith.constant 0 : i32
        %dma_start3A_207 = tpu.memref_slice %arg10[%add3A_205, %dma_start3A_206] : memref<832x64xf32, #tpu.memory_space<vmem>> -> memref<128x64xf32, #tpu.memory_space<vmem>>
        %dma_start3A_208 = tpu.memref_slice %arg8[%add3A_201] : memref<6400xi32, #tpu.memory_space<vmem>> -> memref<128xi32, #tpu.memory_space<vmem>>
        %dma_start3A_209 = arith.constant 0 : i32
        %dma_start3A_210 = arith.constant 0 : i32
        %dma_start3A_211 = tpu.memref_slice %arg4[%dma_start3A_209, %dma_start3A_210] : memref<100000x64xf32, #tpu.memory_space<hbm>> -> memref<100000x64xf32, #tpu.memory_space<hbm>>
        tpu.enqueue_indirect_dma source(%dma_start3A_211 : memref<100000x64xf32, #tpu.memory_space<hbm>>) target(%dma_start3A_207 : memref<128x64xf32, #tpu.memory_space<vmem>>) offsets(%dma_start3A_208 : memref<128xi32, #tpu.memory_space<vmem>>) semaphore(%arg12 : memref<!tpu.dma_semaphore, #tpu.memory_space<semaphore_mem>>)
        %mul3A_212 = arith.constant 400 : i32
        %mul3A_213 = arith.muli %add3A_171, %mul3A_212 : i32
        %add3A_214 = arith.constant 256 : i32
        %add3A_215 = arith.addi %mul3A_213, %add3A_214 : i32
        %mul3A_216 = arith.constant 416 : i32
        %mul3A_217 = arith.muli %rem3A_173, %mul3A_216 : i32
        %add3A_218 = arith.constant 256 : i32
        %add3A_219 = arith.addi %mul3A_217, %add3A_218 : i32
        %dma_start3A_220 = arith.constant 0 : i32
        %dma_start3A_221 = tpu.memref_slice %arg10[%add3A_219, %dma_start3A_220] : memref<832x64xf32, #tpu.memory_space<vmem>> -> memref<128x64xf32, #tpu.memory_space<vmem>>
        %dma_start3A_222 = tpu.memref_slice %arg8[%add3A_215] : memref<6400xi32, #tpu.memory_space<vmem>> -> memref<128xi32, #tpu.memory_space<vmem>>
        %dma_start3A_223 = arith.constant 0 : i32
        %dma_start3A_224 = arith.constant 0 : i32
        %dma_start3A_225 = tpu.memref_slice %arg4[%dma_start3A_223, %dma_start3A_224] : memref<100000x64xf32, #tpu.memory_space<hbm>> -> memref<100000x64xf32, #tpu.memory_space<hbm>>
        tpu.enqueue_indirect_dma source(%dma_start3A_225 : memref<100000x64xf32, #tpu.memory_space<hbm>>) target(%dma_start3A_221 : memref<128x64xf32, #tpu.memory_space<vmem>>) offsets(%dma_start3A_222 : memref<128xi32, #tpu.memory_space<vmem>>) semaphore(%arg12 : memref<!tpu.dma_semaphore, #tpu.memory_space<semaphore_mem>>)
        %mul3A_226 = arith.constant 400 : i32
        %mul3A_227 = arith.muli %add3A_171, %mul3A_226 : i32
        %add3A_228 = arith.constant 384 : i32
        %add3A_229 = arith.addi %mul3A_227, %add3A_228 : i32
        %mul3A_230 = arith.constant 416 : i32
        %mul3A_231 = arith.muli %rem3A_173, %mul3A_230 : i32
        %add3A_232 = arith.constant 384 : i32
        %add3A_233 = arith.addi %mul3A_231, %add3A_232 : i32
        %dma_start3A_234 = arith.constant 0 : i32
        %dma_start3A_235 = tpu.memref_slice %arg10[%add3A_233, %dma_start3A_234] : memref<832x64xf32, #tpu.memory_space<vmem>> -> memref<16x64xf32, #tpu.memory_space<vmem>>
        %dma_start3A_236 = tpu.memref_slice %arg8[%add3A_229] : memref<6400xi32, #tpu.memory_space<vmem>> -> memref<16xi32, #tpu.memory_space<vmem>>
        %dma_start3A_237 = arith.constant 0 : i32
        %dma_start3A_238 = arith.constant 0 : i32
        %dma_start3A_239 = tpu.memref_slice %arg4[%dma_start3A_237, %dma_start3A_238] : memref<100000x64xf32, #tpu.memory_space<hbm>> -> memref<100000x64xf32, #tpu.memory_space<hbm>>
        tpu.enqueue_indirect_dma source(%dma_start3A_239 : memref<100000x64xf32, #tpu.memory_space<hbm>>) target(%dma_start3A_235 : memref<16x64xf32, #tpu.memory_space<vmem>>) offsets(%dma_start3A_236 : memref<16xi32, #tpu.memory_space<vmem>>) semaphore(%arg12 : memref<!tpu.dma_semaphore, #tpu.memory_space<semaphore_mem>>)
      } else {
      }
      %dma_wait3A = arith.constant 0 : i32
      %dma_wait3A_138 = arith.constant 0 : i32
      %dma_wait3A_139 = tpu.memref_slice %arg10[%dma_wait3A, %dma_wait3A_138] : memref<832x64xf32, #tpu.memory_space<vmem>> -> memref<400x64xf32, #tpu.memory_space<vmem>>
      %dma_wait3A_140 = arith.constant 0 : i32
      %dma_wait3A_141 = arith.constant 0 : i32
      %dma_wait3A_142 = tpu.memref_slice %arg4[%dma_wait3A_140, %dma_wait3A_141] : memref<100000x64xf32, #tpu.memory_space<hbm>> -> memref<400x64xf32, #tpu.memory_space<hbm>>
      %dma_wait3A_143 = arith.constant 0 : i32
      %dma_wait3A_144 = arith.constant 0 : i32
      %dma_wait3A_145 = tpu.memref_slice %arg10[%dma_wait3A_143, %dma_wait3A_144] : memref<832x64xf32, #tpu.memory_space<vmem>> -> memref<400x64xf32, #tpu.memory_space<vmem>>
      %dma_wait3A_146 = arith.constant 0 : i32
      %dma_wait3A_147 = arith.constant 0 : i32
      %dma_wait3A_148 = tpu.memref_slice %arg4[%dma_wait3A_146, %dma_wait3A_147] : memref<100000x64xf32, #tpu.memory_space<hbm>> -> memref<400x64xf32, #tpu.memory_space<hbm>>
      tpu.wait_dma2 semaphore(%arg12 : memref<!tpu.dma_semaphore, #tpu.memory_space<semaphore_mem>>) src(%dma_wait3A_148 : memref<400x64xf32, #tpu.memory_space<hbm>>) dst(%dma_wait3A_145 : memref<400x64xf32, #tpu.memory_space<vmem>>)
      %dma_wait3A_149 = arith.constant 0 : i32
      %dma_wait3A_150 = arith.constant 0 : i32
      %dma_wait3A_151 = tpu.memref_slice %arg9[%dma_wait3A_149, %dma_wait3A_150] : memref<16x64xf32, #tpu.memory_space<vmem>> -> memref<8x64xf32, #tpu.memory_space<vmem>>
      %dma_wait3A_152 = arith.constant 0 : i32
      %dma_wait3A_153 = arith.constant 0 : i32
      %dma_wait3A_154 = tpu.memref_slice %arg3[%dma_wait3A_152, %dma_wait3A_153] : memref<100000x64xf32, #tpu.memory_space<hbm>> -> memref<8x64xf32, #tpu.memory_space<hbm>>
      %dma_wait3A_155 = arith.constant 0 : i32
      %dma_wait3A_156 = arith.constant 0 : i32
      %dma_wait3A_157 = tpu.memref_slice %arg9[%dma_wait3A_155, %dma_wait3A_156] : memref<16x64xf32, #tpu.memory_space<vmem>> -> memref<8x64xf32, #tpu.memory_space<vmem>>
      %dma_wait3A_158 = arith.constant 0 : i32
      %dma_wait3A_159 = arith.constant 0 : i32
      %dma_wait3A_160 = tpu.memref_slice %arg3[%dma_wait3A_158, %dma_wait3A_159] : memref<100000x64xf32, #tpu.memory_space<hbm>> -> memref<8x64xf32, #tpu.memory_space<hbm>>
      tpu.wait_dma2 semaphore(%arg12 : memref<!tpu.dma_semaphore, #tpu.memory_space<semaphore_mem>>) src(%dma_wait3A_160 : memref<8x64xf32, #tpu.memory_space<hbm>>) dst(%dma_wait3A_157 : memref<8x64xf32, #tpu.memory_space<vmem>>)
      %mul3A_161 = arith.constant 416 : i32
      %mul3A_162 = arith.muli %rem3A_133, %mul3A_161 : i32
      %mul3A_163 = arith.constant 8 : i32
      %mul3A_164 = arith.muli %rem3A_133, %mul3A_163 : i32
      %scan3A_165 = arith.constant 0 : i32
      %scan3A_166 = arith.constant 8 : i32
      %scan3A_167 = arith.addi %scan3A_165, %scan3A_166 : i32
      %scan3A_168 = arith.constant 1 : i32
      scf.for %scan3A_170 = %scan3A_165 to %scan3A_167 step %scan3A_168  : i32 {
        %add3A_171 = arith.addi %mul3A_164, %scan3A_170 : i32
        %broadcast_in_dim3A_172 = vector.broadcast %add3A_171 : i32 to vector<16xi32>
        %mul3A_173 = arith.constant 8 : i32
        %mul3A_174 = arith.muli %scan3A_131, %mul3A_173 : i32
        %add3A_175 = arith.addi %mul3A_174, %scan3A_170 : i32
        %broadcast_in_dim3A_176 = vector.broadcast %add3A_175 : i32 to vector<16xi32>
        %mul3A_177 = arith.constant 50 : i32
        %mul3A_178 = arith.muli %scan3A_170, %mul3A_177 : i32
        %add3A_179 = arith.addi %mul3A_162, %mul3A_178 : i32
        %add3A_180 = arith.constant 0 : i32
        %add3A_181 = arith.addi %add3A_179, %add3A_180 : i32
        %add3A_182 = vector.broadcast %add3A_181 : i32 to vector<16xi32>
        %add3A_183 = arith.addi %add3A_182, %iota3A : vector<16xi32>
        %mul3A_184 = arith.constant 50 : i32
        %mul3A_185 = arith.muli %scan3A_170, %mul3A_184 : i32
        %add3A_186 = arith.addi %mul3A_162, %mul3A_185 : i32
        %add3A_187 = arith.constant 16 : i32
        %add3A_188 = arith.addi %add3A_186, %add3A_187 : i32
        %add3A_189 = vector.broadcast %add3A_188 : i32 to vector<16xi32>
        %add3A_190 = arith.addi %add3A_189, %iota3A : vector<16xi32>
        %mul3A_191 = arith.constant 50 : i32
        %mul3A_192 = arith.muli %scan3A_170, %mul3A_191 : i32
        %add3A_193 = arith.addi %mul3A_162, %mul3A_192 : i32
        %add3A_194 = arith.constant 32 : i32
        %add3A_195 = arith.addi %add3A_193, %add3A_194 : i32
        %add3A_196 = vector.broadcast %add3A_195 : i32 to vector<16xi32>
        %add3A_197 = arith.addi %add3A_196, %iota3A : vector<16xi32>
        %mul3A_198 = arith.constant 50 : i32
        %mul3A_199 = arith.muli %scan3A_170, %mul3A_198 : i32
        %add3A_200 = arith.addi %mul3A_162, %mul3A_199 : i32
        %add3A_201 = arith.constant 48 : i32
        %add3A_202 = arith.addi %add3A_200, %add3A_201 : i32
        %add3A_203 = vector.broadcast %add3A_202 : i32 to vector<16xi32>
        %add3A_204 = arith.addi %add3A_203, %iota3A : vector<16xi32>
        %broadcast_in_dim3A_205 = arith.constant 0.000000e+00 : f32
        %broadcast_in_dim3A_206 = vector.broadcast %broadcast_in_dim3A_205 : f32 to vector<16xf32>
        %broadcast_in_dim3A_207 = arith.constant 0.000000e+00 : f32
        %broadcast_in_dim3A_208 = vector.broadcast %broadcast_in_dim3A_207 : f32 to vector<16xf32>
        %broadcast_in_dim3A_209 = arith.constant 0.000000e+00 : f32
        %broadcast_in_dim3A_210 = vector.broadcast %broadcast_in_dim3A_209 : f32 to vector<16xf32>
        %broadcast_in_dim3A_211 = arith.constant 0.000000e+00 : f32
        %broadcast_in_dim3A_212 = vector.broadcast %broadcast_in_dim3A_211 : f32 to vector<16xf32>
        %ge3A = arith.constant 64 : i32
        %ge3A_213 = vector.broadcast %ge3A : i32 to vector<16xi32>
        %ge3A_214 = arith.cmpi sge, %iota3A, %ge3A_213 : vector<16xi32>
        %add3A_215 = arith.constant -64 : i32
        %add3A_216 = vector.broadcast %add3A_215 : i32 to vector<16xi32>
        %add3A_217 = arith.addi %iota3A, %add3A_216 : vector<16xi32>
        %add3A_218 = arith.constant 0 : i32
        %add3A_219 = vector.broadcast %add3A_218 : i32 to vector<16xi32>
        %add3A_220 = arith.addi %iota3A, %add3A_219 : vector<16xi32>
        %select_n3A = arith.select %ge3A_214, %add3A_217, %add3A_220 : vector<16xi1>, vector<16xi32>
        %gather3A_221 = tpu.vector_load_idx %arg9[%broadcast_in_dim3A_172, %select_n3A] : memref<16x64xf32, #tpu.memory_space<vmem>>[vector<16xi32>, vector<16xi32>], vector<16xf32>,
        %gather3A_222 = tpu.vector_load_idx %arg10[%add3A_183, %select_n3A] : memref<832x64xf32, #tpu.memory_space<vmem>>[vector<16xi32>, vector<16xi32>], vector<16xf32>,
        %mul3A_223 = arith.mulf %gather3A_222, %gather3A_221 : vector<16xf32>
        %add3A_224 = arith.addf %broadcast_in_dim3A_206, %mul3A_223 : vector<16xf32>
        %gather3A_225 = tpu.vector_load_idx %arg10[%add3A_190, %select_n3A] : memref<832x64xf32, #tpu.memory_space<vmem>>[vector<16xi32>, vector<16xi32>], vector<16xf32>,
        %mul3A_226 = arith.mulf %gather3A_225, %gather3A_221 : vector<16xf32>
        %add3A_227 = arith.addf %broadcast_in_dim3A_208, %mul3A_226 : vector<16xf32>
        %gather3A_228 = tpu.vector_load_idx %arg10[%add3A_197, %select_n3A] : memref<832x64xf32, #tpu.memory_space<vmem>>[vector<16xi32>, vector<16xi32>], vector<16xf32>,
        %mul3A_229 = arith.mulf %gather3A_228, %gather3A_221 : vector<16xf32>
        %add3A_230 = arith.addf %broadcast_in_dim3A_210, %mul3A_229 : vector<16xf32>
        %gather3A_231 = tpu.vector_load_idx %arg10[%add3A_204, %select_n3A] : memref<832x64xf32, #tpu.memory_space<vmem>>[vector<16xi32>, vector<16xi32>], vector<16xf32>,
        %mul3A_232 = arith.mulf %gather3A_231, %gather3A_221 : vector<16xf32>
        %add3A_233 = arith.addf %broadcast_in_dim3A_212, %mul3A_232 : vector<16xf32>
        %ge3A_234 = arith.constant 63 : i32
        %ge3A_235 = vector.broadcast %ge3A_234 : i32 to vector<16xi32>
        %ge3A_236 = arith.cmpi sge, %iota3A, %ge3A_235 : vector<16xi32>
        %add3A_237 = arith.constant -63 : i32
        %add3A_238 = vector.broadcast %add3A_237 : i32 to vector<16xi32>
        %add3A_239 = arith.addi %iota3A, %add3A_238 : vector<16xi32>
        %add3A_240 = arith.constant 1 : i32
        %add3A_241 = vector.broadcast %add3A_240 : i32 to vector<16xi32>
        %add3A_242 = arith.addi %iota3A, %add3A_241 : vector<16xi32>
        %select_n3A_243 = arith.select %ge3A_236, %add3A_239, %add3A_242 : vector<16xi1>, vector<16xi32>
        %gather3A_244 = tpu.vector_load_idx %arg9[%broadcast_in_dim3A_172, %select_n3A_243] : memref<16x64xf32, #tpu.memory_space<vmem>>[vector<16xi32>, vector<16xi32>], vector<16xf32>,
        %gather3A_245 = tpu.vector_load_idx %arg10[%add3A_183, %select_n3A_243] : memref<832x64xf32, #tpu.memory_space<vmem>>[vector<16xi32>, vector<16xi32>], vector<16xf32>,
        %mul3A_246 = arith.mulf %gather3A_245, %gather3A_244 : vector<16xf32>
        %add3A_247 = arith.addf %add3A_224, %mul3A_246 : vector<16xf32>
        %gather3A_248 = tpu.vector_load_idx %arg10[%add3A_190, %select_n3A_243] : memref<832x64xf32, #tpu.memory_space<vmem>>[vector<16xi32>, vector<16xi32>], vector<16xf32>,
        %mul3A_249 = arith.mulf %gather3A_248, %gather3A_244 : vector<16xf32>
        %add3A_250 = arith.addf %add3A_227, %mul3A_249 : vector<16xf32>
        %gather3A_251 = tpu.vector_load_idx %arg10[%add3A_197, %select_n3A_243] : memref<832x64xf32, #tpu.memory_space<vmem>>[vector<16xi32>, vector<16xi32>], vector<16xf32>,
        %mul3A_252 = arith.mulf %gather3A_251, %gather3A_244 : vector<16xf32>
        %add3A_253 = arith.addf %add3A_230, %mul3A_252 : vector<16xf32>
        %gather3A_254 = tpu.vector_load_idx %arg10[%add3A_204, %select_n3A_243] : memref<832x64xf32, #tpu.memory_space<vmem>>[vector<16xi32>, vector<16xi32>], vector<16xf32>,
        %mul3A_255 = arith.mulf %gather3A_254, %gather3A_244 : vector<16xf32>
        %add3A_256 = arith.addf %add3A_233, %mul3A_255 : vector<16xf32>
        %ge3A_257 = arith.constant 62 : i32
        %ge3A_258 = vector.broadcast %ge3A_257 : i32 to vector<16xi32>
        %ge3A_259 = arith.cmpi sge, %iota3A, %ge3A_258 : vector<16xi32>
        %add3A_260 = arith.constant -62 : i32
        %add3A_261 = vector.broadcast %add3A_260 : i32 to vector<16xi32>
        %add3A_262 = arith.addi %iota3A, %add3A_261 : vector<16xi32>
        %add3A_263 = arith.constant 2 : i32
        %add3A_264 = vector.broadcast %add3A_263 : i32 to vector<16xi32>
        %add3A_265 = arith.addi %iota3A, %add3A_264 : vector<16xi32>
        %select_n3A_266 = arith.select %ge3A_259, %add3A_262, %add3A_265 : vector<16xi1>, vector<16xi32>
        %gather3A_267 = tpu.vector_load_idx %arg9[%broadcast_in_dim3A_172, %select_n3A_266] : memref<16x64xf32, #tpu.memory_space<vmem>>[vector<16xi32>, vector<16xi32>], vector<16xf32>,
        %gather3A_268 = tpu.vector_load_idx %arg10[%add3A_183, %select_n3A_266] : memref<832x64xf32, #tpu.memory_space<vmem>>[vector<16xi32>, vector<16xi32>], vector<16xf32>,
        %mul3A_269 = arith.mulf %gather3A_268, %gather3A_267 : vector<16xf32>
        %add3A_270 = arith.addf %add3A_247, %mul3A_269 : vector<16xf32>
        %gather3A_271 = tpu.vector_load_idx %arg10[%add3A_190, %select_n3A_266] : memref<832x64xf32, #tpu.memory_space<vmem>>[vector<16xi32>, vector<16xi32>], vector<16xf32>,
        %mul3A_272 = arith.mulf %gather3A_271, %gather3A_267 : vector<16xf32>
        %add3A_273 = arith.addf %add3A_250, %mul3A_272 : vector<16xf32>
        %gather3A_274 = tpu.vector_load_idx %arg10[%add3A_197, %select_n3A_266] : memref<832x64xf32, #tpu.memory_space<vmem>>[vector<16xi32>, vector<16xi32>], vector<16xf32>,
        %mul3A_275 = arith.mulf %gather3A_274, %gather3A_267 : vector<16xf32>
        %add3A_276 = arith.addf %add3A_253, %mul3A_275 : vector<16xf32>
        %gather3A_277 = tpu.vector_load_idx %arg10[%add3A_204, %select_n3A_266] : memref<832x64xf32, #tpu.memory_space<vmem>>[vector<16xi32>, vector<16xi32>], vector<16xf32>,
        %mul3A_278 = arith.mulf %gather3A_277, %gather3A_267 : vector<16xf32>
        %add3A_279 = arith.addf %add3A_256, %mul3A_278 : vector<16xf32>
        %ge3A_280 = arith.constant 61 : i32
        %ge3A_281 = vector.broadcast %ge3A_280 : i32 to vector<16xi32>
        %ge3A_282 = arith.cmpi sge, %iota3A, %ge3A_281 : vector<16xi32>
        %add3A_283 = arith.constant -61 : i32
        %add3A_284 = vector.broadcast %add3A_283 : i32 to vector<16xi32>
        %add3A_285 = arith.addi %iota3A, %add3A_284 : vector<16xi32>
        %add3A_286 = arith.constant 3 : i32
        %add3A_287 = vector.broadcast %add3A_286 : i32 to vector<16xi32>
        %add3A_288 = arith.addi %iota3A, %add3A_287 : vector<16xi32>
        %select_n3A_289 = arith.select %ge3A_282, %add3A_285, %add3A_288 : vector<16xi1>, vector<16xi32>
        %gather3A_290 = tpu.vector_load_idx %arg9[%broadcast_in_dim3A_172, %select_n3A_289] : memref<16x64xf32, #tpu.memory_space<vmem>>[vector<16xi32>, vector<16xi32>], vector<16xf32>,
        %gather3A_291 = tpu.vector_load_idx %arg10[%add3A_183, %select_n3A_289] : memref<832x64xf32, #tpu.memory_space<vmem>>[vector<16xi32>, vector<16xi32>], vector<16xf32>,
        %mul3A_292 = arith.mulf %gather3A_291, %gather3A_290 : vector<16xf32>
        %add3A_293 = arith.addf %add3A_270, %mul3A_292 : vector<16xf32>
        %gather3A_294 = tpu.vector_load_idx %arg10[%add3A_190, %select_n3A_289] : memref<832x64xf32, #tpu.memory_space<vmem>>[vector<16xi32>, vector<16xi32>], vector<16xf32>,
        %mul3A_295 = arith.mulf %gather3A_294, %gather3A_290 : vector<16xf32>
        %add3A_296 = arith.addf %add3A_273, %mul3A_295 : vector<16xf32>
        %gather3A_297 = tpu.vector_load_idx %arg10[%add3A_197, %select_n3A_289] : memref<832x64xf32, #tpu.memory_space<vmem>>[vector<16xi32>, vector<16xi32>], vector<16xf32>,
        %mul3A_298 = arith.mulf %gather3A_297, %gather3A_290 : vector<16xf32>
        %add3A_299 = arith.addf %add3A_276, %mul3A_298 : vector<16xf32>
        %gather3A_300 = tpu.vector_load_idx %arg10[%add3A_204, %select_n3A_289] : memref<832x64xf32, #tpu.memory_space<vmem>>[vector<16xi32>, vector<16xi32>], vector<16xf32>,
        %mul3A_301 = arith.mulf %gather3A_300, %gather3A_290 : vector<16xf32>
        %add3A_302 = arith.addf %add3A_279, %mul3A_301 : vector<16xf32>
        %ge3A_303 = arith.constant 60 : i32
        %ge3A_304 = vector.broadcast %ge3A_303 : i32 to vector<16xi32>
        %ge3A_305 = arith.cmpi sge, %iota3A, %ge3A_304 : vector<16xi32>
        %add3A_306 = arith.constant -60 : i32
        %add3A_307 = vector.broadcast %add3A_306 : i32 to vector<16xi32>
        %add3A_308 = arith.addi %iota3A, %add3A_307 : vector<16xi32>
        %add3A_309 = arith.constant 4 : i32
        %add3A_310 = vector.broadcast %add3A_309 : i32 to vector<16xi32>
        %add3A_311 = arith.addi %iota3A, %add3A_310 : vector<16xi32>
        %select_n3A_312 = arith.select %ge3A_305, %add3A_308, %add3A_311 : vector<16xi1>, vector<16xi32>
        %gather3A_313 = tpu.vector_load_idx %arg9[%broadcast_in_dim3A_172, %select_n3A_312] : memref<16x64xf32, #tpu.memory_space<vmem>>[vector<16xi32>, vector<16xi32>], vector<16xf32>,
        %gather3A_314 = tpu.vector_load_idx %arg10[%add3A_183, %select_n3A_312] : memref<832x64xf32, #tpu.memory_space<vmem>>[vector<16xi32>, vector<16xi32>], vector<16xf32>,
        %mul3A_315 = arith.mulf %gather3A_314, %gather3A_313 : vector<16xf32>
        %add3A_316 = arith.addf %add3A_293, %mul3A_315 : vector<16xf32>
        %gather3A_317 = tpu.vector_load_idx %arg10[%add3A_190, %select_n3A_312] : memref<832x64xf32, #tpu.memory_space<vmem>>[vector<16xi32>, vector<16xi32>], vector<16xf32>,
        %mul3A_318 = arith.mulf %gather3A_317, %gather3A_313 : vector<16xf32>
        %add3A_319 = arith.addf %add3A_296, %mul3A_318 : vector<16xf32>
        %gather3A_320 = tpu.vector_load_idx %arg10[%add3A_197, %select_n3A_312] : memref<832x64xf32, #tpu.memory_space<vmem>>[vector<16xi32>, vector<16xi32>], vector<16xf32>,
        %mul3A_321 = arith.mulf %gather3A_320, %gather3A_313 : vector<16xf32>
        %add3A_322 = arith.addf %add3A_299, %mul3A_321 : vector<16xf32>
        %gather3A_323 = tpu.vector_load_idx %arg10[%add3A_204, %select_n3A_312] : memref<832x64xf32, #tpu.memory_space<vmem>>[vector<16xi32>, vector<16xi32>], vector<16xf32>,
        %mul3A_324 = arith.mulf %gather3A_323, %gather3A_313 : vector<16xf32>
        %add3A_325 = arith.addf %add3A_302, %mul3A_324 : vector<16xf32>
        %ge3A_326 = arith.constant 59 : i32
        %ge3A_327 = vector.broadcast %ge3A_326 : i32 to vector<16xi32>
        %ge3A_328 = arith.cmpi sge, %iota3A, %ge3A_327 : vector<16xi32>
        %add3A_329 = arith.constant -59 : i32
        %add3A_330 = vector.broadcast %add3A_329 : i32 to vector<16xi32>
        %add3A_331 = arith.addi %iota3A, %add3A_330 : vector<16xi32>
        %add3A_332 = arith.constant 5 : i32
        %add3A_333 = vector.broadcast %add3A_332 : i32 to vector<16xi32>
        %add3A_334 = arith.addi %iota3A, %add3A_333 : vector<16xi32>
        %select_n3A_335 = arith.select %ge3A_328, %add3A_331, %add3A_334 : vector<16xi1>, vector<16xi32>
        %gather3A_336 = tpu.vector_load_idx %arg9[%broadcast_in_dim3A_172, %select_n3A_335] : memref<16x64xf32, #tpu.memory_space<vmem>>[vector<16xi32>, vector<16xi32>], vector<16xf32>,
        %gather3A_337 = tpu.vector_load_idx %arg10[%add3A_183, %select_n3A_335] : memref<832x64xf32, #tpu.memory_space<vmem>>[vector<16xi32>, vector<16xi32>], vector<16xf32>,
        %mul3A_338 = arith.mulf %gather3A_337, %gather3A_336 : vector<16xf32>
        %add3A_339 = arith.addf %add3A_316, %mul3A_338 : vector<16xf32>
        %gather3A_340 = tpu.vector_load_idx %arg10[%add3A_190, %select_n3A_335] : memref<832x64xf32, #tpu.memory_space<vmem>>[vector<16xi32>, vector<16xi32>], vector<16xf32>,
        %mul3A_341 = arith.mulf %gather3A_340, %gather3A_336 : vector<16xf32>
        %add3A_342 = arith.addf %add3A_319, %mul3A_341 : vector<16xf32>
        %gather3A_343 = tpu.vector_load_idx %arg10[%add3A_197, %select_n3A_335] : memref<832x64xf32, #tpu.memory_space<vmem>>[vector<16xi32>, vector<16xi32>], vector<16xf32>,
        %mul3A_344 = arith.mulf %gather3A_343, %gather3A_336 : vector<16xf32>
        %add3A_345 = arith.addf %add3A_322, %mul3A_344 : vector<16xf32>
        %gather3A_346 = tpu.vector_load_idx %arg10[%add3A_204, %select_n3A_335] : memref<832x64xf32, #tpu.memory_space<vmem>>[vector<16xi32>, vector<16xi32>], vector<16xf32>,
        %mul3A_347 = arith.mulf %gather3A_346, %gather3A_336 : vector<16xf32>
        %add3A_348 = arith.addf %add3A_325, %mul3A_347 : vector<16xf32>
        %ge3A_349 = arith.constant 58 : i32
        %ge3A_350 = vector.broadcast %ge3A_349 : i32 to vector<16xi32>
        %ge3A_351 = arith.cmpi sge, %iota3A, %ge3A_350 : vector<16xi32>
        %add3A_352 = arith.constant -58 : i32
        %add3A_353 = vector.broadcast %add3A_352 : i32 to vector<16xi32>
        %add3A_354 = arith.addi %iota3A, %add3A_353 : vector<16xi32>
        %add3A_355 = arith.constant 6 : i32
        %add3A_356 = vector.broadcast %add3A_355 : i32 to vector<16xi32>
        %add3A_357 = arith.addi %iota3A, %add3A_356 : vector<16xi32>
        %select_n3A_358 = arith.select %ge3A_351, %add3A_354, %add3A_357 : vector<16xi1>, vector<16xi32>
        %gather3A_359 = tpu.vector_load_idx %arg9[%broadcast_in_dim3A_172, %select_n3A_358] : memref<16x64xf32, #tpu.memory_space<vmem>>[vector<16xi32>, vector<16xi32>], vector<16xf32>,
        %gather3A_360 = tpu.vector_load_idx %arg10[%add3A_183, %select_n3A_358] : memref<832x64xf32, #tpu.memory_space<vmem>>[vector<16xi32>, vector<16xi32>], vector<16xf32>,
        %mul3A_361 = arith.mulf %gather3A_360, %gather3A_359 : vector<16xf32>
        %add3A_362 = arith.addf %add3A_339, %mul3A_361 : vector<16xf32>
        %gather3A_363 = tpu.vector_load_idx %arg10[%add3A_190, %select_n3A_358] : memref<832x64xf32, #tpu.memory_space<vmem>>[vector<16xi32>, vector<16xi32>], vector<16xf32>,
        %mul3A_364 = arith.mulf %gather3A_363, %gather3A_359 : vector<16xf32>
        %add3A_365 = arith.addf %add3A_342, %mul3A_364 : vector<16xf32>
        %gather3A_366 = tpu.vector_load_idx %arg10[%add3A_197, %select_n3A_358] : memref<832x64xf32, #tpu.memory_space<vmem>>[vector<16xi32>, vector<16xi32>], vector<16xf32>,
        %mul3A_367 = arith.mulf %gather3A_366, %gather3A_359 : vector<16xf32>
        %add3A_368 = arith.addf %add3A_345, %mul3A_367 : vector<16xf32>
        %gather3A_369 = tpu.vector_load_idx %arg10[%add3A_204, %select_n3A_358] : memref<832x64xf32, #tpu.memory_space<vmem>>[vector<16xi32>, vector<16xi32>], vector<16xf32>,
        %mul3A_370 = arith.mulf %gather3A_369, %gather3A_359 : vector<16xf32>
        %add3A_371 = arith.addf %add3A_348, %mul3A_370 : vector<16xf32>
        %ge3A_372 = arith.constant 57 : i32
        %ge3A_373 = vector.broadcast %ge3A_372 : i32 to vector<16xi32>
        %ge3A_374 = arith.cmpi sge, %iota3A, %ge3A_373 : vector<16xi32>
        %add3A_375 = arith.constant -57 : i32
        %add3A_376 = vector.broadcast %add3A_375 : i32 to vector<16xi32>
        %add3A_377 = arith.addi %iota3A, %add3A_376 : vector<16xi32>
        %add3A_378 = arith.constant 7 : i32
        %add3A_379 = vector.broadcast %add3A_378 : i32 to vector<16xi32>
        %add3A_380 = arith.addi %iota3A, %add3A_379 : vector<16xi32>
        %select_n3A_381 = arith.select %ge3A_374, %add3A_377, %add3A_380 : vector<16xi1>, vector<16xi32>
        %gather3A_382 = tpu.vector_load_idx %arg9[%broadcast_in_dim3A_172, %select_n3A_381] : memref<16x64xf32, #tpu.memory_space<vmem>>[vector<16xi32>, vector<16xi32>], vector<16xf32>,
        %gather3A_383 = tpu.vector_load_idx %arg10[%add3A_183, %select_n3A_381] : memref<832x64xf32, #tpu.memory_space<vmem>>[vector<16xi32>, vector<16xi32>], vector<16xf32>,
        %mul3A_384 = arith.mulf %gather3A_383, %gather3A_382 : vector<16xf32>
        %add3A_385 = arith.addf %add3A_362, %mul3A_384 : vector<16xf32>
        %gather3A_386 = tpu.vector_load_idx %arg10[%add3A_190, %select_n3A_381] : memref<832x64xf32, #tpu.memory_space<vmem>>[vector<16xi32>, vector<16xi32>], vector<16xf32>,
        %mul3A_387 = arith.mulf %gather3A_386, %gather3A_382 : vector<16xf32>
        %add3A_388 = arith.addf %add3A_365, %mul3A_387 : vector<16xf32>
        %gather3A_389 = tpu.vector_load_idx %arg10[%add3A_197, %select_n3A_381] : memref<832x64xf32, #tpu.memory_space<vmem>>[vector<16xi32>, vector<16xi32>], vector<16xf32>,
        %mul3A_390 = arith.mulf %gather3A_389, %gather3A_382 : vector<16xf32>
        %add3A_391 = arith.addf %add3A_368, %mul3A_390 : vector<16xf32>
        %gather3A_392 = tpu.vector_load_idx %arg10[%add3A_204, %select_n3A_381] : memref<832x64xf32, #tpu.memory_space<vmem>>[vector<16xi32>, vector<16xi32>], vector<16xf32>,
        %mul3A_393 = arith.mulf %gather3A_392, %gather3A_382 : vector<16xf32>
        %add3A_394 = arith.addf %add3A_371, %mul3A_393 : vector<16xf32>
        %ge3A_395 = arith.constant 56 : i32
        %ge3A_396 = vector.broadcast %ge3A_395 : i32 to vector<16xi32>
        %ge3A_397 = arith.cmpi sge, %iota3A, %ge3A_396 : vector<16xi32>
        %add3A_398 = arith.constant -56 : i32
        %add3A_399 = vector.broadcast %add3A_398 : i32 to vector<16xi32>
        %add3A_400 = arith.addi %iota3A, %add3A_399 : vector<16xi32>
        %add3A_401 = arith.constant 8 : i32
        %add3A_402 = vector.broadcast %add3A_401 : i32 to vector<16xi32>
        %add3A_403 = arith.addi %iota3A, %add3A_402 : vector<16xi32>
        %select_n3A_404 = arith.select %ge3A_397, %add3A_400, %add3A_403 : vector<16xi1>, vector<16xi32>
        %gather3A_405 = tpu.vector_load_idx %arg9[%broadcast_in_dim3A_172, %select_n3A_404] : memref<16x64xf32, #tpu.memory_space<vmem>>[vector<16xi32>, vector<16xi32>], vector<16xf32>,
        %gather3A_406 = tpu.vector_load_idx %arg10[%add3A_183, %select_n3A_404] : memref<832x64xf32, #tpu.memory_space<vmem>>[vector<16xi32>, vector<16xi32>], vector<16xf32>,
        %mul3A_407 = arith.mulf %gather3A_406, %gather3A_405 : vector<16xf32>
        %add3A_408 = arith.addf %add3A_385, %mul3A_407 : vector<16xf32>
        %gather3A_409 = tpu.vector_load_idx %arg10[%add3A_190, %select_n3A_404] : memref<832x64xf32, #tpu.memory_space<vmem>>[vector<16xi32>, vector<16xi32>], vector<16xf32>,
        %mul3A_410 = arith.mulf %gather3A_409, %gather3A_405 : vector<16xf32>
        %add3A_411 = arith.addf %add3A_388, %mul3A_410 : vector<16xf32>
        %gather3A_412 = tpu.vector_load_idx %arg10[%add3A_197, %select_n3A_404] : memref<832x64xf32, #tpu.memory_space<vmem>>[vector<16xi32>, vector<16xi32>], vector<16xf32>,
        %mul3A_413 = arith.mulf %gather3A_412, %gather3A_405 : vector<16xf32>
        %add3A_414 = arith.addf %add3A_391, %mul3A_413 : vector<16xf32>
        %gather3A_415 = tpu.vector_load_idx %arg10[%add3A_204, %select_n3A_404] : memref<832x64xf32, #tpu.memory_space<vmem>>[vector<16xi32>, vector<16xi32>], vector<16xf32>,
        %mul3A_416 = arith.mulf %gather3A_415, %gather3A_405 : vector<16xf32>
        %add3A_417 = arith.addf %add3A_394, %mul3A_416 : vector<16xf32>
        %ge3A_418 = arith.constant 55 : i32
        %ge3A_419 = vector.broadcast %ge3A_418 : i32 to vector<16xi32>
        %ge3A_420 = arith.cmpi sge, %iota3A, %ge3A_419 : vector<16xi32>
        %add3A_421 = arith.constant -55 : i32
        %add3A_422 = vector.broadcast %add3A_421 : i32 to vector<16xi32>
        %add3A_423 = arith.addi %iota3A, %add3A_422 : vector<16xi32>
        %add3A_424 = arith.constant 9 : i32
        %add3A_425 = vector.broadcast %add3A_424 : i32 to vector<16xi32>
        %add3A_426 = arith.addi %iota3A, %add3A_425 : vector<16xi32>
        %select_n3A_427 = arith.select %ge3A_420, %add3A_423, %add3A_426 : vector<16xi1>, vector<16xi32>
        %gather3A_428 = tpu.vector_load_idx %arg9[%broadcast_in_dim3A_172, %select_n3A_427] : memref<16x64xf32, #tpu.memory_space<vmem>>[vector<16xi32>, vector<16xi32>], vector<16xf32>,
        %gather3A_429 = tpu.vector_load_idx %arg10[%add3A_183, %select_n3A_427] : memref<832x64xf32, #tpu.memory_space<vmem>>[vector<16xi32>, vector<16xi32>], vector<16xf32>,
        %mul3A_430 = arith.mulf %gather3A_429, %gather3A_428 : vector<16xf32>
        %add3A_431 = arith.addf %add3A_408, %mul3A_430 : vector<16xf32>
        %gather3A_432 = tpu.vector_load_idx %arg10[%add3A_190, %select_n3A_427] : memref<832x64xf32, #tpu.memory_space<vmem>>[vector<16xi32>, vector<16xi32>], vector<16xf32>,
        %mul3A_433 = arith.mulf %gather3A_432, %gather3A_428 : vector<16xf32>
        %add3A_434 = arith.addf %add3A_411, %mul3A_433 : vector<16xf32>
        %gather3A_435 = tpu.vector_load_idx %arg10[%add3A_197, %select_n3A_427] : memref<832x64xf32, #tpu.memory_space<vmem>>[vector<16xi32>, vector<16xi32>], vector<16xf32>,
        %mul3A_436 = arith.mulf %gather3A_435, %gather3A_428 : vector<16xf32>
        %add3A_437 = arith.addf %add3A_414, %mul3A_436 : vector<16xf32>
        %gather3A_438 = tpu.vector_load_idx %arg10[%add3A_204, %select_n3A_427] : memref<832x64xf32, #tpu.memory_space<vmem>>[vector<16xi32>, vector<16xi32>], vector<16xf32>,
        %mul3A_439 = arith.mulf %gather3A_438, %gather3A_428 : vector<16xf32>
        %add3A_440 = arith.addf %add3A_417, %mul3A_439 : vector<16xf32>
        %ge3A_441 = arith.constant 54 : i32
        %ge3A_442 = vector.broadcast %ge3A_441 : i32 to vector<16xi32>
        %ge3A_443 = arith.cmpi sge, %iota3A, %ge3A_442 : vector<16xi32>
        %add3A_444 = arith.constant -54 : i32
        %add3A_445 = vector.broadcast %add3A_444 : i32 to vector<16xi32>
        %add3A_446 = arith.addi %iota3A, %add3A_445 : vector<16xi32>
        %add3A_447 = arith.constant 10 : i32
        %add3A_448 = vector.broadcast %add3A_447 : i32 to vector<16xi32>
        %add3A_449 = arith.addi %iota3A, %add3A_448 : vector<16xi32>
        %select_n3A_450 = arith.select %ge3A_443, %add3A_446, %add3A_449 : vector<16xi1>, vector<16xi32>
        %gather3A_451 = tpu.vector_load_idx %arg9[%broadcast_in_dim3A_172, %select_n3A_450] : memref<16x64xf32, #tpu.memory_space<vmem>>[vector<16xi32>, vector<16xi32>], vector<16xf32>,
        %gather3A_452 = tpu.vector_load_idx %arg10[%add3A_183, %select_n3A_450] : memref<832x64xf32, #tpu.memory_space<vmem>>[vector<16xi32>, vector<16xi32>], vector<16xf32>,
        %mul3A_453 = arith.mulf %gather3A_452, %gather3A_451 : vector<16xf32>
        %add3A_454 = arith.addf %add3A_431, %mul3A_453 : vector<16xf32>
        %gather3A_455 = tpu.vector_load_idx %arg10[%add3A_190, %select_n3A_450] : memref<832x64xf32, #tpu.memory_space<vmem>>[vector<16xi32>, vector<16xi32>], vector<16xf32>,
        %mul3A_456 = arith.mulf %gather3A_455, %gather3A_451 : vector<16xf32>
        %add3A_457 = arith.addf %add3A_434, %mul3A_456 : vector<16xf32>
        %gather3A_458 = tpu.vector_load_idx %arg10[%add3A_197, %select_n3A_450] : memref<832x64xf32, #tpu.memory_space<vmem>>[vector<16xi32>, vector<16xi32>], vector<16xf32>,
        %mul3A_459 = arith.mulf %gather3A_458, %gather3A_451 : vector<16xf32>
        %add3A_460 = arith.addf %add3A_437, %mul3A_459 : vector<16xf32>
        %gather3A_461 = tpu.vector_load_idx %arg10[%add3A_204, %select_n3A_450] : memref<832x64xf32, #tpu.memory_space<vmem>>[vector<16xi32>, vector<16xi32>], vector<16xf32>,
        %mul3A_462 = arith.mulf %gather3A_461, %gather3A_451 : vector<16xf32>
        %add3A_463 = arith.addf %add3A_440, %mul3A_462 : vector<16xf32>
        %ge3A_464 = arith.constant 53 : i32
        %ge3A_465 = vector.broadcast %ge3A_464 : i32 to vector<16xi32>
        %ge3A_466 = arith.cmpi sge, %iota3A, %ge3A_465 : vector<16xi32>
        %add3A_467 = arith.constant -53 : i32
        %add3A_468 = vector.broadcast %add3A_467 : i32 to vector<16xi32>
        %add3A_469 = arith.addi %iota3A, %add3A_468 : vector<16xi32>
        %add3A_470 = arith.constant 11 : i32
        %add3A_471 = vector.broadcast %add3A_470 : i32 to vector<16xi32>
        %add3A_472 = arith.addi %iota3A, %add3A_471 : vector<16xi32>
        %select_n3A_473 = arith.select %ge3A_466, %add3A_469, %add3A_472 : vector<16xi1>, vector<16xi32>
        %gather3A_474 = tpu.vector_load_idx %arg9[%broadcast_in_dim3A_172, %select_n3A_473] : memref<16x64xf32, #tpu.memory_space<vmem>>[vector<16xi32>, vector<16xi32>], vector<16xf32>,
        %gather3A_475 = tpu.vector_load_idx %arg10[%add3A_183, %select_n3A_473] : memref<832x64xf32, #tpu.memory_space<vmem>>[vector<16xi32>, vector<16xi32>], vector<16xf32>,
        %mul3A_476 = arith.mulf %gather3A_475, %gather3A_474 : vector<16xf32>
        %add3A_477 = arith.addf %add3A_454, %mul3A_476 : vector<16xf32>
        %gather3A_478 = tpu.vector_load_idx %arg10[%add3A_190, %select_n3A_473] : memref<832x64xf32, #tpu.memory_space<vmem>>[vector<16xi32>, vector<16xi32>], vector<16xf32>,
        %mul3A_479 = arith.mulf %gather3A_478, %gather3A_474 : vector<16xf32>
        %add3A_480 = arith.addf %add3A_457, %mul3A_479 : vector<16xf32>
        %gather3A_481 = tpu.vector_load_idx %arg10[%add3A_197, %select_n3A_473] : memref<832x64xf32, #tpu.memory_space<vmem>>[vector<16xi32>, vector<16xi32>], vector<16xf32>,
        %mul3A_482 = arith.mulf %gather3A_481, %gather3A_474 : vector<16xf32>
        %add3A_483 = arith.addf %add3A_460, %mul3A_482 : vector<16xf32>
        %gather3A_484 = tpu.vector_load_idx %arg10[%add3A_204, %select_n3A_473] : memref<832x64xf32, #tpu.memory_space<vmem>>[vector<16xi32>, vector<16xi32>], vector<16xf32>,
        %mul3A_485 = arith.mulf %gather3A_484, %gather3A_474 : vector<16xf32>
        %add3A_486 = arith.addf %add3A_463, %mul3A_485 : vector<16xf32>
        %ge3A_487 = arith.constant 52 : i32
        %ge3A_488 = vector.broadcast %ge3A_487 : i32 to vector<16xi32>
        %ge3A_489 = arith.cmpi sge, %iota3A, %ge3A_488 : vector<16xi32>
        %add3A_490 = arith.constant -52 : i32
        %add3A_491 = vector.broadcast %add3A_490 : i32 to vector<16xi32>
        %add3A_492 = arith.addi %iota3A, %add3A_491 : vector<16xi32>
        %add3A_493 = arith.constant 12 : i32
        %add3A_494 = vector.broadcast %add3A_493 : i32 to vector<16xi32>
        %add3A_495 = arith.addi %iota3A, %add3A_494 : vector<16xi32>
        %select_n3A_496 = arith.select %ge3A_489, %add3A_492, %add3A_495 : vector<16xi1>, vector<16xi32>
        %gather3A_497 = tpu.vector_load_idx %arg9[%broadcast_in_dim3A_172, %select_n3A_496] : memref<16x64xf32, #tpu.memory_space<vmem>>[vector<16xi32>, vector<16xi32>], vector<16xf32>,
        %gather3A_498 = tpu.vector_load_idx %arg10[%add3A_183, %select_n3A_496] : memref<832x64xf32, #tpu.memory_space<vmem>>[vector<16xi32>, vector<16xi32>], vector<16xf32>,
        %mul3A_499 = arith.mulf %gather3A_498, %gather3A_497 : vector<16xf32>
        %add3A_500 = arith.addf %add3A_477, %mul3A_499 : vector<16xf32>
        %gather3A_501 = tpu.vector_load_idx %arg10[%add3A_190, %select_n3A_496] : memref<832x64xf32, #tpu.memory_space<vmem>>[vector<16xi32>, vector<16xi32>], vector<16xf32>,
        %mul3A_502 = arith.mulf %gather3A_501, %gather3A_497 : vector<16xf32>
        %add3A_503 = arith.addf %add3A_480, %mul3A_502 : vector<16xf32>
        %gather3A_504 = tpu.vector_load_idx %arg10[%add3A_197, %select_n3A_496] : memref<832x64xf32, #tpu.memory_space<vmem>>[vector<16xi32>, vector<16xi32>], vector<16xf32>,
        %mul3A_505 = arith.mulf %gather3A_504, %gather3A_497 : vector<16xf32>
        %add3A_506 = arith.addf %add3A_483, %mul3A_505 : vector<16xf32>
        %gather3A_507 = tpu.vector_load_idx %arg10[%add3A_204, %select_n3A_496] : memref<832x64xf32, #tpu.memory_space<vmem>>[vector<16xi32>, vector<16xi32>], vector<16xf32>,
        %mul3A_508 = arith.mulf %gather3A_507, %gather3A_497 : vector<16xf32>
        %add3A_509 = arith.addf %add3A_486, %mul3A_508 : vector<16xf32>
        %ge3A_510 = arith.constant 51 : i32
        %ge3A_511 = vector.broadcast %ge3A_510 : i32 to vector<16xi32>
        %ge3A_512 = arith.cmpi sge, %iota3A, %ge3A_511 : vector<16xi32>
        %add3A_513 = arith.constant -51 : i32
        %add3A_514 = vector.broadcast %add3A_513 : i32 to vector<16xi32>
        %add3A_515 = arith.addi %iota3A, %add3A_514 : vector<16xi32>
        %add3A_516 = arith.constant 13 : i32
        %add3A_517 = vector.broadcast %add3A_516 : i32 to vector<16xi32>
        %add3A_518 = arith.addi %iota3A, %add3A_517 : vector<16xi32>
        %select_n3A_519 = arith.select %ge3A_512, %add3A_515, %add3A_518 : vector<16xi1>, vector<16xi32>
        %gather3A_520 = tpu.vector_load_idx %arg9[%broadcast_in_dim3A_172, %select_n3A_519] : memref<16x64xf32, #tpu.memory_space<vmem>>[vector<16xi32>, vector<16xi32>], vector<16xf32>,
        %gather3A_521 = tpu.vector_load_idx %arg10[%add3A_183, %select_n3A_519] : memref<832x64xf32, #tpu.memory_space<vmem>>[vector<16xi32>, vector<16xi32>], vector<16xf32>,
        %mul3A_522 = arith.mulf %gather3A_521, %gather3A_520 : vector<16xf32>
        %add3A_523 = arith.addf %add3A_500, %mul3A_522 : vector<16xf32>
        %gather3A_524 = tpu.vector_load_idx %arg10[%add3A_190, %select_n3A_519] : memref<832x64xf32, #tpu.memory_space<vmem>>[vector<16xi32>, vector<16xi32>], vector<16xf32>,
        %mul3A_525 = arith.mulf %gather3A_524, %gather3A_520 : vector<16xf32>
        %add3A_526 = arith.addf %add3A_503, %mul3A_525 : vector<16xf32>
        %gather3A_527 = tpu.vector_load_idx %arg10[%add3A_197, %select_n3A_519] : memref<832x64xf32, #tpu.memory_space<vmem>>[vector<16xi32>, vector<16xi32>], vector<16xf32>,
        %mul3A_528 = arith.mulf %gather3A_527, %gather3A_520 : vector<16xf32>
        %add3A_529 = arith.addf %add3A_506, %mul3A_528 : vector<16xf32>
        %gather3A_530 = tpu.vector_load_idx %arg10[%add3A_204, %select_n3A_519] : memref<832x64xf32, #tpu.memory_space<vmem>>[vector<16xi32>, vector<16xi32>], vector<16xf32>,
        %mul3A_531 = arith.mulf %gather3A_530, %gather3A_520 : vector<16xf32>
        %add3A_532 = arith.addf %add3A_509, %mul3A_531 : vector<16xf32>
        %ge3A_533 = arith.constant 50 : i32
        %ge3A_534 = vector.broadcast %ge3A_533 : i32 to vector<16xi32>
        %ge3A_535 = arith.cmpi sge, %iota3A, %ge3A_534 : vector<16xi32>
        %add3A_536 = arith.constant -50 : i32
        %add3A_537 = vector.broadcast %add3A_536 : i32 to vector<16xi32>
        %add3A_538 = arith.addi %iota3A, %add3A_537 : vector<16xi32>
        %add3A_539 = arith.constant 14 : i32
        %add3A_540 = vector.broadcast %add3A_539 : i32 to vector<16xi32>
        %add3A_541 = arith.addi %iota3A, %add3A_540 : vector<16xi32>
        %select_n3A_542 = arith.select %ge3A_535, %add3A_538, %add3A_541 : vector<16xi1>, vector<16xi32>
        %gather3A_543 = tpu.vector_load_idx %arg9[%broadcast_in_dim3A_172, %select_n3A_542] : memref<16x64xf32, #tpu.memory_space<vmem>>[vector<16xi32>, vector<16xi32>], vector<16xf32>,
        %gather3A_544 = tpu.vector_load_idx %arg10[%add3A_183, %select_n3A_542] : memref<832x64xf32, #tpu.memory_space<vmem>>[vector<16xi32>, vector<16xi32>], vector<16xf32>,
        %mul3A_545 = arith.mulf %gather3A_544, %gather3A_543 : vector<16xf32>
        %add3A_546 = arith.addf %add3A_523, %mul3A_545 : vector<16xf32>
        %gather3A_547 = tpu.vector_load_idx %arg10[%add3A_190, %select_n3A_542] : memref<832x64xf32, #tpu.memory_space<vmem>>[vector<16xi32>, vector<16xi32>], vector<16xf32>,
        %mul3A_548 = arith.mulf %gather3A_547, %gather3A_543 : vector<16xf32>
        %add3A_549 = arith.addf %add3A_526, %mul3A_548 : vector<16xf32>
        %gather3A_550 = tpu.vector_load_idx %arg10[%add3A_197, %select_n3A_542] : memref<832x64xf32, #tpu.memory_space<vmem>>[vector<16xi32>, vector<16xi32>], vector<16xf32>,
        %mul3A_551 = arith.mulf %gather3A_550, %gather3A_543 : vector<16xf32>
        %add3A_552 = arith.addf %add3A_529, %mul3A_551 : vector<16xf32>
        %gather3A_553 = tpu.vector_load_idx %arg10[%add3A_204, %select_n3A_542] : memref<832x64xf32, #tpu.memory_space<vmem>>[vector<16xi32>, vector<16xi32>], vector<16xf32>,
        %mul3A_554 = arith.mulf %gather3A_553, %gather3A_543 : vector<16xf32>
        %add3A_555 = arith.addf %add3A_532, %mul3A_554 : vector<16xf32>
        %ge3A_556 = arith.constant 49 : i32
        %ge3A_557 = vector.broadcast %ge3A_556 : i32 to vector<16xi32>
        %ge3A_558 = arith.cmpi sge, %iota3A, %ge3A_557 : vector<16xi32>
        %add3A_559 = arith.constant -49 : i32
        %add3A_560 = vector.broadcast %add3A_559 : i32 to vector<16xi32>
        %add3A_561 = arith.addi %iota3A, %add3A_560 : vector<16xi32>
        %add3A_562 = arith.constant 15 : i32
        %add3A_563 = vector.broadcast %add3A_562 : i32 to vector<16xi32>
        %add3A_564 = arith.addi %iota3A, %add3A_563 : vector<16xi32>
        %select_n3A_565 = arith.select %ge3A_558, %add3A_561, %add3A_564 : vector<16xi1>, vector<16xi32>
        %gather3A_566 = tpu.vector_load_idx %arg9[%broadcast_in_dim3A_172, %select_n3A_565] : memref<16x64xf32, #tpu.memory_space<vmem>>[vector<16xi32>, vector<16xi32>], vector<16xf32>,
        %gather3A_567 = tpu.vector_load_idx %arg10[%add3A_183, %select_n3A_565] : memref<832x64xf32, #tpu.memory_space<vmem>>[vector<16xi32>, vector<16xi32>], vector<16xf32>,
        %mul3A_568 = arith.mulf %gather3A_567, %gather3A_566 : vector<16xf32>
        %add3A_569 = arith.addf %add3A_546, %mul3A_568 : vector<16xf32>
        %gather3A_570 = tpu.vector_load_idx %arg10[%add3A_190, %select_n3A_565] : memref<832x64xf32, #tpu.memory_space<vmem>>[vector<16xi32>, vector<16xi32>], vector<16xf32>,
        %mul3A_571 = arith.mulf %gather3A_570, %gather3A_566 : vector<16xf32>
        %add3A_572 = arith.addf %add3A_549, %mul3A_571 : vector<16xf32>
        %gather3A_573 = tpu.vector_load_idx %arg10[%add3A_197, %select_n3A_565] : memref<832x64xf32, #tpu.memory_space<vmem>>[vector<16xi32>, vector<16xi32>], vector<16xf32>,
        %mul3A_574 = arith.mulf %gather3A_573, %gather3A_566 : vector<16xf32>
        %add3A_575 = arith.addf %add3A_552, %mul3A_574 : vector<16xf32>
        %gather3A_576 = tpu.vector_load_idx %arg10[%add3A_204, %select_n3A_565] : memref<832x64xf32, #tpu.memory_space<vmem>>[vector<16xi32>, vector<16xi32>], vector<16xf32>,
        %mul3A_577 = arith.mulf %gather3A_576, %gather3A_566 : vector<16xf32>
        %add3A_578 = arith.addf %add3A_555, %mul3A_577 : vector<16xf32>
        %ge3A_579 = arith.constant 48 : i32
        %ge3A_580 = vector.broadcast %ge3A_579 : i32 to vector<16xi32>
        %ge3A_581 = arith.cmpi sge, %iota3A, %ge3A_580 : vector<16xi32>
        %add3A_582 = arith.constant -48 : i32
        %add3A_583 = vector.broadcast %add3A_582 : i32 to vector<16xi32>
        %add3A_584 = arith.addi %iota3A, %add3A_583 : vector<16xi32>
        %add3A_585 = arith.constant 16 : i32
        %add3A_586 = vector.broadcast %add3A_585 : i32 to vector<16xi32>
        %add3A_587 = arith.addi %iota3A, %add3A_586 : vector<16xi32>
        %select_n3A_588 = arith.select %ge3A_581, %add3A_584, %add3A_587 : vector<16xi1>, vector<16xi32>
        %gather3A_589 = tpu.vector_load_idx %arg9[%broadcast_in_dim3A_172, %select_n3A_588] : memref<16x64xf32, #tpu.memory_space<vmem>>[vector<16xi32>, vector<16xi32>], vector<16xf32>,
        %gather3A_590 = tpu.vector_load_idx %arg10[%add3A_183, %select_n3A_588] : memref<832x64xf32, #tpu.memory_space<vmem>>[vector<16xi32>, vector<16xi32>], vector<16xf32>,
        %mul3A_591 = arith.mulf %gather3A_590, %gather3A_589 : vector<16xf32>
        %add3A_592 = arith.addf %add3A_569, %mul3A_591 : vector<16xf32>
        %gather3A_593 = tpu.vector_load_idx %arg10[%add3A_190, %select_n3A_588] : memref<832x64xf32, #tpu.memory_space<vmem>>[vector<16xi32>, vector<16xi32>], vector<16xf32>,
        %mul3A_594 = arith.mulf %gather3A_593, %gather3A_589 : vector<16xf32>
        %add3A_595 = arith.addf %add3A_572, %mul3A_594 : vector<16xf32>
        %gather3A_596 = tpu.vector_load_idx %arg10[%add3A_197, %select_n3A_588] : memref<832x64xf32, #tpu.memory_space<vmem>>[vector<16xi32>, vector<16xi32>], vector<16xf32>,
        %mul3A_597 = arith.mulf %gather3A_596, %gather3A_589 : vector<16xf32>
        %add3A_598 = arith.addf %add3A_575, %mul3A_597 : vector<16xf32>
        %gather3A_599 = tpu.vector_load_idx %arg10[%add3A_204, %select_n3A_588] : memref<832x64xf32, #tpu.memory_space<vmem>>[vector<16xi32>, vector<16xi32>], vector<16xf32>,
        %mul3A_600 = arith.mulf %gather3A_599, %gather3A_589 : vector<16xf32>
        %add3A_601 = arith.addf %add3A_578, %mul3A_600 : vector<16xf32>
        %ge3A_602 = arith.constant 47 : i32
        %ge3A_603 = vector.broadcast %ge3A_602 : i32 to vector<16xi32>
        %ge3A_604 = arith.cmpi sge, %iota3A, %ge3A_603 : vector<16xi32>
        %add3A_605 = arith.constant -47 : i32
        %add3A_606 = vector.broadcast %add3A_605 : i32 to vector<16xi32>
        %add3A_607 = arith.addi %iota3A, %add3A_606 : vector<16xi32>
        %add3A_608 = arith.constant 17 : i32
        %add3A_609 = vector.broadcast %add3A_608 : i32 to vector<16xi32>
        %add3A_610 = arith.addi %iota3A, %add3A_609 : vector<16xi32>
        %select_n3A_611 = arith.select %ge3A_604, %add3A_607, %add3A_610 : vector<16xi1>, vector<16xi32>
        %gather3A_612 = tpu.vector_load_idx %arg9[%broadcast_in_dim3A_172, %select_n3A_611] : memref<16x64xf32, #tpu.memory_space<vmem>>[vector<16xi32>, vector<16xi32>], vector<16xf32>,
        %gather3A_613 = tpu.vector_load_idx %arg10[%add3A_183, %select_n3A_611] : memref<832x64xf32, #tpu.memory_space<vmem>>[vector<16xi32>, vector<16xi32>], vector<16xf32>,
        %mul3A_614 = arith.mulf %gather3A_613, %gather3A_612 : vector<16xf32>
        %add3A_615 = arith.addf %add3A_592, %mul3A_614 : vector<16xf32>
        %gather3A_616 = tpu.vector_load_idx %arg10[%add3A_190, %select_n3A_611] : memref<832x64xf32, #tpu.memory_space<vmem>>[vector<16xi32>, vector<16xi32>], vector<16xf32>,
        %mul3A_617 = arith.mulf %gather3A_616, %gather3A_612 : vector<16xf32>
        %add3A_618 = arith.addf %add3A_595, %mul3A_617 : vector<16xf32>
        %gather3A_619 = tpu.vector_load_idx %arg10[%add3A_197, %select_n3A_611] : memref<832x64xf32, #tpu.memory_space<vmem>>[vector<16xi32>, vector<16xi32>], vector<16xf32>,
        %mul3A_620 = arith.mulf %gather3A_619, %gather3A_612 : vector<16xf32>
        %add3A_621 = arith.addf %add3A_598, %mul3A_620 : vector<16xf32>
        %gather3A_622 = tpu.vector_load_idx %arg10[%add3A_204, %select_n3A_611] : memref<832x64xf32, #tpu.memory_space<vmem>>[vector<16xi32>, vector<16xi32>], vector<16xf32>,
        %mul3A_623 = arith.mulf %gather3A_622, %gather3A_612 : vector<16xf32>
        %add3A_624 = arith.addf %add3A_601, %mul3A_623 : vector<16xf32>
        %ge3A_625 = arith.constant 46 : i32
        %ge3A_626 = vector.broadcast %ge3A_625 : i32 to vector<16xi32>
        %ge3A_627 = arith.cmpi sge, %iota3A, %ge3A_626 : vector<16xi32>
        %add3A_628 = arith.constant -46 : i32
        %add3A_629 = vector.broadcast %add3A_628 : i32 to vector<16xi32>
        %add3A_630 = arith.addi %iota3A, %add3A_629 : vector<16xi32>
        %add3A_631 = arith.constant 18 : i32
        %add3A_632 = vector.broadcast %add3A_631 : i32 to vector<16xi32>
        %add3A_633 = arith.addi %iota3A, %add3A_632 : vector<16xi32>
        %select_n3A_634 = arith.select %ge3A_627, %add3A_630, %add3A_633 : vector<16xi1>, vector<16xi32>
        %gather3A_635 = tpu.vector_load_idx %arg9[%broadcast_in_dim3A_172, %select_n3A_634] : memref<16x64xf32, #tpu.memory_space<vmem>>[vector<16xi32>, vector<16xi32>], vector<16xf32>,
        %gather3A_636 = tpu.vector_load_idx %arg10[%add3A_183, %select_n3A_634] : memref<832x64xf32, #tpu.memory_space<vmem>>[vector<16xi32>, vector<16xi32>], vector<16xf32>,
        %mul3A_637 = arith.mulf %gather3A_636, %gather3A_635 : vector<16xf32>
        %add3A_638 = arith.addf %add3A_615, %mul3A_637 : vector<16xf32>
        %gather3A_639 = tpu.vector_load_idx %arg10[%add3A_190, %select_n3A_634] : memref<832x64xf32, #tpu.memory_space<vmem>>[vector<16xi32>, vector<16xi32>], vector<16xf32>,
        %mul3A_640 = arith.mulf %gather3A_639, %gather3A_635 : vector<16xf32>
        %add3A_641 = arith.addf %add3A_618, %mul3A_640 : vector<16xf32>
        %gather3A_642 = tpu.vector_load_idx %arg10[%add3A_197, %select_n3A_634] : memref<832x64xf32, #tpu.memory_space<vmem>>[vector<16xi32>, vector<16xi32>], vector<16xf32>,
        %mul3A_643 = arith.mulf %gather3A_642, %gather3A_635 : vector<16xf32>
        %add3A_644 = arith.addf %add3A_621, %mul3A_643 : vector<16xf32>
        %gather3A_645 = tpu.vector_load_idx %arg10[%add3A_204, %select_n3A_634] : memref<832x64xf32, #tpu.memory_space<vmem>>[vector<16xi32>, vector<16xi32>], vector<16xf32>,
        %mul3A_646 = arith.mulf %gather3A_645, %gather3A_635 : vector<16xf32>
        %add3A_647 = arith.addf %add3A_624, %mul3A_646 : vector<16xf32>
        %ge3A_648 = arith.constant 45 : i32
        %ge3A_649 = vector.broadcast %ge3A_648 : i32 to vector<16xi32>
        %ge3A_650 = arith.cmpi sge, %iota3A, %ge3A_649 : vector<16xi32>
        %add3A_651 = arith.constant -45 : i32
        %add3A_652 = vector.broadcast %add3A_651 : i32 to vector<16xi32>
        %add3A_653 = arith.addi %iota3A, %add3A_652 : vector<16xi32>
        %add3A_654 = arith.constant 19 : i32
        %add3A_655 = vector.broadcast %add3A_654 : i32 to vector<16xi32>
        %add3A_656 = arith.addi %iota3A, %add3A_655 : vector<16xi32>
        %select_n3A_657 = arith.select %ge3A_650, %add3A_653, %add3A_656 : vector<16xi1>, vector<16xi32>
        %gather3A_658 = tpu.vector_load_idx %arg9[%broadcast_in_dim3A_172, %select_n3A_657] : memref<16x64xf32, #tpu.memory_space<vmem>>[vector<16xi32>, vector<16xi32>], vector<16xf32>,
        %gather3A_659 = tpu.vector_load_idx %arg10[%add3A_183, %select_n3A_657] : memref<832x64xf32, #tpu.memory_space<vmem>>[vector<16xi32>, vector<16xi32>], vector<16xf32>,
        %mul3A_660 = arith.mulf %gather3A_659, %gather3A_658 : vector<16xf32>
        %add3A_661 = arith.addf %add3A_638, %mul3A_660 : vector<16xf32>
        %gather3A_662 = tpu.vector_load_idx %arg10[%add3A_190, %select_n3A_657] : memref<832x64xf32, #tpu.memory_space<vmem>>[vector<16xi32>, vector<16xi32>], vector<16xf32>,
        %mul3A_663 = arith.mulf %gather3A_662, %gather3A_658 : vector<16xf32>
        %add3A_664 = arith.addf %add3A_641, %mul3A_663 : vector<16xf32>
        %gather3A_665 = tpu.vector_load_idx %arg10[%add3A_197, %select_n3A_657] : memref<832x64xf32, #tpu.memory_space<vmem>>[vector<16xi32>, vector<16xi32>], vector<16xf32>,
        %mul3A_666 = arith.mulf %gather3A_665, %gather3A_658 : vector<16xf32>
        %add3A_667 = arith.addf %add3A_644, %mul3A_666 : vector<16xf32>
        %gather3A_668 = tpu.vector_load_idx %arg10[%add3A_204, %select_n3A_657] : memref<832x64xf32, #tpu.memory_space<vmem>>[vector<16xi32>, vector<16xi32>], vector<16xf32>,
        %mul3A_669 = arith.mulf %gather3A_668, %gather3A_658 : vector<16xf32>
        %add3A_670 = arith.addf %add3A_647, %mul3A_669 : vector<16xf32>
        %ge3A_671 = arith.constant 44 : i32
        %ge3A_672 = vector.broadcast %ge3A_671 : i32 to vector<16xi32>
        %ge3A_673 = arith.cmpi sge, %iota3A, %ge3A_672 : vector<16xi32>
        %add3A_674 = arith.constant -44 : i32
        %add3A_675 = vector.broadcast %add3A_674 : i32 to vector<16xi32>
        %add3A_676 = arith.addi %iota3A, %add3A_675 : vector<16xi32>
        %add3A_677 = arith.constant 20 : i32
        %add3A_678 = vector.broadcast %add3A_677 : i32 to vector<16xi32>
        %add3A_679 = arith.addi %iota3A, %add3A_678 : vector<16xi32>
        %select_n3A_680 = arith.select %ge3A_673, %add3A_676, %add3A_679 : vector<16xi1>, vector<16xi32>
        %gather3A_681 = tpu.vector_load_idx %arg9[%broadcast_in_dim3A_172, %select_n3A_680] : memref<16x64xf32, #tpu.memory_space<vmem>>[vector<16xi32>, vector<16xi32>], vector<16xf32>,
        %gather3A_682 = tpu.vector_load_idx %arg10[%add3A_183, %select_n3A_680] : memref<832x64xf32, #tpu.memory_space<vmem>>[vector<16xi32>, vector<16xi32>], vector<16xf32>,
        %mul3A_683 = arith.mulf %gather3A_682, %gather3A_681 : vector<16xf32>
        %add3A_684 = arith.addf %add3A_661, %mul3A_683 : vector<16xf32>
        %gather3A_685 = tpu.vector_load_idx %arg10[%add3A_190, %select_n3A_680] : memref<832x64xf32, #tpu.memory_space<vmem>>[vector<16xi32>, vector<16xi32>], vector<16xf32>,
        %mul3A_686 = arith.mulf %gather3A_685, %gather3A_681 : vector<16xf32>
        %add3A_687 = arith.addf %add3A_664, %mul3A_686 : vector<16xf32>
        %gather3A_688 = tpu.vector_load_idx %arg10[%add3A_197, %select_n3A_680] : memref<832x64xf32, #tpu.memory_space<vmem>>[vector<16xi32>, vector<16xi32>], vector<16xf32>,
        %mul3A_689 = arith.mulf %gather3A_688, %gather3A_681 : vector<16xf32>
        %add3A_690 = arith.addf %add3A_667, %mul3A_689 : vector<16xf32>
        %gather3A_691 = tpu.vector_load_idx %arg10[%add3A_204, %select_n3A_680] : memref<832x64xf32, #tpu.memory_space<vmem>>[vector<16xi32>, vector<16xi32>], vector<16xf32>,
        %mul3A_692 = arith.mulf %gather3A_691, %gather3A_681 : vector<16xf32>
        %add3A_693 = arith.addf %add3A_670, %mul3A_692 : vector<16xf32>
        %ge3A_694 = arith.constant 43 : i32
        %ge3A_695 = vector.broadcast %ge3A_694 : i32 to vector<16xi32>
        %ge3A_696 = arith.cmpi sge, %iota3A, %ge3A_695 : vector<16xi32>
        %add3A_697 = arith.constant -43 : i32
        %add3A_698 = vector.broadcast %add3A_697 : i32 to vector<16xi32>
        %add3A_699 = arith.addi %iota3A, %add3A_698 : vector<16xi32>
        %add3A_700 = arith.constant 21 : i32
        %add3A_701 = vector.broadcast %add3A_700 : i32 to vector<16xi32>
        %add3A_702 = arith.addi %iota3A, %add3A_701 : vector<16xi32>
        %select_n3A_703 = arith.select %ge3A_696, %add3A_699, %add3A_702 : vector<16xi1>, vector<16xi32>
        %gather3A_704 = tpu.vector_load_idx %arg9[%broadcast_in_dim3A_172, %select_n3A_703] : memref<16x64xf32, #tpu.memory_space<vmem>>[vector<16xi32>, vector<16xi32>], vector<16xf32>,
        %gather3A_705 = tpu.vector_load_idx %arg10[%add3A_183, %select_n3A_703] : memref<832x64xf32, #tpu.memory_space<vmem>>[vector<16xi32>, vector<16xi32>], vector<16xf32>,
        %mul3A_706 = arith.mulf %gather3A_705, %gather3A_704 : vector<16xf32>
        %add3A_707 = arith.addf %add3A_684, %mul3A_706 : vector<16xf32>
        %gather3A_708 = tpu.vector_load_idx %arg10[%add3A_190, %select_n3A_703] : memref<832x64xf32, #tpu.memory_space<vmem>>[vector<16xi32>, vector<16xi32>], vector<16xf32>,
        %mul3A_709 = arith.mulf %gather3A_708, %gather3A_704 : vector<16xf32>
        %add3A_710 = arith.addf %add3A_687, %mul3A_709 : vector<16xf32>
        %gather3A_711 = tpu.vector_load_idx %arg10[%add3A_197, %select_n3A_703] : memref<832x64xf32, #tpu.memory_space<vmem>>[vector<16xi32>, vector<16xi32>], vector<16xf32>,
        %mul3A_712 = arith.mulf %gather3A_711, %gather3A_704 : vector<16xf32>
        %add3A_713 = arith.addf %add3A_690, %mul3A_712 : vector<16xf32>
        %gather3A_714 = tpu.vector_load_idx %arg10[%add3A_204, %select_n3A_703] : memref<832x64xf32, #tpu.memory_space<vmem>>[vector<16xi32>, vector<16xi32>], vector<16xf32>,
        %mul3A_715 = arith.mulf %gather3A_714, %gather3A_704 : vector<16xf32>
        %add3A_716 = arith.addf %add3A_693, %mul3A_715 : vector<16xf32>
        %ge3A_717 = arith.constant 42 : i32
        %ge3A_718 = vector.broadcast %ge3A_717 : i32 to vector<16xi32>
        %ge3A_719 = arith.cmpi sge, %iota3A, %ge3A_718 : vector<16xi32>
        %add3A_720 = arith.constant -42 : i32
        %add3A_721 = vector.broadcast %add3A_720 : i32 to vector<16xi32>
        %add3A_722 = arith.addi %iota3A, %add3A_721 : vector<16xi32>
        %add3A_723 = arith.constant 22 : i32
        %add3A_724 = vector.broadcast %add3A_723 : i32 to vector<16xi32>
        %add3A_725 = arith.addi %iota3A, %add3A_724 : vector<16xi32>
        %select_n3A_726 = arith.select %ge3A_719, %add3A_722, %add3A_725 : vector<16xi1>, vector<16xi32>
        %gather3A_727 = tpu.vector_load_idx %arg9[%broadcast_in_dim3A_172, %select_n3A_726] : memref<16x64xf32, #tpu.memory_space<vmem>>[vector<16xi32>, vector<16xi32>], vector<16xf32>,
        %gather3A_728 = tpu.vector_load_idx %arg10[%add3A_183, %select_n3A_726] : memref<832x64xf32, #tpu.memory_space<vmem>>[vector<16xi32>, vector<16xi32>], vector<16xf32>,
        %mul3A_729 = arith.mulf %gather3A_728, %gather3A_727 : vector<16xf32>
        %add3A_730 = arith.addf %add3A_707, %mul3A_729 : vector<16xf32>
        %gather3A_731 = tpu.vector_load_idx %arg10[%add3A_190, %select_n3A_726] : memref<832x64xf32, #tpu.memory_space<vmem>>[vector<16xi32>, vector<16xi32>], vector<16xf32>,
        %mul3A_732 = arith.mulf %gather3A_731, %gather3A_727 : vector<16xf32>
        %add3A_733 = arith.addf %add3A_710, %mul3A_732 : vector<16xf32>
        %gather3A_734 = tpu.vector_load_idx %arg10[%add3A_197, %select_n3A_726] : memref<832x64xf32, #tpu.memory_space<vmem>>[vector<16xi32>, vector<16xi32>], vector<16xf32>,
        %mul3A_735 = arith.mulf %gather3A_734, %gather3A_727 : vector<16xf32>
        %add3A_736 = arith.addf %add3A_713, %mul3A_735 : vector<16xf32>
        %gather3A_737 = tpu.vector_load_idx %arg10[%add3A_204, %select_n3A_726] : memref<832x64xf32, #tpu.memory_space<vmem>>[vector<16xi32>, vector<16xi32>], vector<16xf32>,
        %mul3A_738 = arith.mulf %gather3A_737, %gather3A_727 : vector<16xf32>
        %add3A_739 = arith.addf %add3A_716, %mul3A_738 : vector<16xf32>
        %ge3A_740 = arith.constant 41 : i32
        %ge3A_741 = vector.broadcast %ge3A_740 : i32 to vector<16xi32>
        %ge3A_742 = arith.cmpi sge, %iota3A, %ge3A_741 : vector<16xi32>
        %add3A_743 = arith.constant -41 : i32
        %add3A_744 = vector.broadcast %add3A_743 : i32 to vector<16xi32>
        %add3A_745 = arith.addi %iota3A, %add3A_744 : vector<16xi32>
        %add3A_746 = arith.constant 23 : i32
        %add3A_747 = vector.broadcast %add3A_746 : i32 to vector<16xi32>
        %add3A_748 = arith.addi %iota3A, %add3A_747 : vector<16xi32>
        %select_n3A_749 = arith.select %ge3A_742, %add3A_745, %add3A_748 : vector<16xi1>, vector<16xi32>
        %gather3A_750 = tpu.vector_load_idx %arg9[%broadcast_in_dim3A_172, %select_n3A_749] : memref<16x64xf32, #tpu.memory_space<vmem>>[vector<16xi32>, vector<16xi32>], vector<16xf32>,
        %gather3A_751 = tpu.vector_load_idx %arg10[%add3A_183, %select_n3A_749] : memref<832x64xf32, #tpu.memory_space<vmem>>[vector<16xi32>, vector<16xi32>], vector<16xf32>,
        %mul3A_752 = arith.mulf %gather3A_751, %gather3A_750 : vector<16xf32>
        %add3A_753 = arith.addf %add3A_730, %mul3A_752 : vector<16xf32>
        %gather3A_754 = tpu.vector_load_idx %arg10[%add3A_190, %select_n3A_749] : memref<832x64xf32, #tpu.memory_space<vmem>>[vector<16xi32>, vector<16xi32>], vector<16xf32>,
        %mul3A_755 = arith.mulf %gather3A_754, %gather3A_750 : vector<16xf32>
        %add3A_756 = arith.addf %add3A_733, %mul3A_755 : vector<16xf32>
        %gather3A_757 = tpu.vector_load_idx %arg10[%add3A_197, %select_n3A_749] : memref<832x64xf32, #tpu.memory_space<vmem>>[vector<16xi32>, vector<16xi32>], vector<16xf32>,
        %mul3A_758 = arith.mulf %gather3A_757, %gather3A_750 : vector<16xf32>
        %add3A_759 = arith.addf %add3A_736, %mul3A_758 : vector<16xf32>
        %gather3A_760 = tpu.vector_load_idx %arg10[%add3A_204, %select_n3A_749] : memref<832x64xf32, #tpu.memory_space<vmem>>[vector<16xi32>, vector<16xi32>], vector<16xf32>,
        %mul3A_761 = arith.mulf %gather3A_760, %gather3A_750 : vector<16xf32>
        %add3A_762 = arith.addf %add3A_739, %mul3A_761 : vector<16xf32>
        %ge3A_763 = arith.constant 40 : i32
        %ge3A_764 = vector.broadcast %ge3A_763 : i32 to vector<16xi32>
        %ge3A_765 = arith.cmpi sge, %iota3A, %ge3A_764 : vector<16xi32>
        %add3A_766 = arith.constant -40 : i32
        %add3A_767 = vector.broadcast %add3A_766 : i32 to vector<16xi32>
        %add3A_768 = arith.addi %iota3A, %add3A_767 : vector<16xi32>
        %add3A_769 = arith.constant 24 : i32
        %add3A_770 = vector.broadcast %add3A_769 : i32 to vector<16xi32>
        %add3A_771 = arith.addi %iota3A, %add3A_770 : vector<16xi32>
        %select_n3A_772 = arith.select %ge3A_765, %add3A_768, %add3A_771 : vector<16xi1>, vector<16xi32>
        %gather3A_773 = tpu.vector_load_idx %arg9[%broadcast_in_dim3A_172, %select_n3A_772] : memref<16x64xf32, #tpu.memory_space<vmem>>[vector<16xi32>, vector<16xi32>], vector<16xf32>,
        %gather3A_774 = tpu.vector_load_idx %arg10[%add3A_183, %select_n3A_772] : memref<832x64xf32, #tpu.memory_space<vmem>>[vector<16xi32>, vector<16xi32>], vector<16xf32>,
        %mul3A_775 = arith.mulf %gather3A_774, %gather3A_773 : vector<16xf32>
        %add3A_776 = arith.addf %add3A_753, %mul3A_775 : vector<16xf32>
        %gather3A_777 = tpu.vector_load_idx %arg10[%add3A_190, %select_n3A_772] : memref<832x64xf32, #tpu.memory_space<vmem>>[vector<16xi32>, vector<16xi32>], vector<16xf32>,
        %mul3A_778 = arith.mulf %gather3A_777, %gather3A_773 : vector<16xf32>
        %add3A_779 = arith.addf %add3A_756, %mul3A_778 : vector<16xf32>
        %gather3A_780 = tpu.vector_load_idx %arg10[%add3A_197, %select_n3A_772] : memref<832x64xf32, #tpu.memory_space<vmem>>[vector<16xi32>, vector<16xi32>], vector<16xf32>,
        %mul3A_781 = arith.mulf %gather3A_780, %gather3A_773 : vector<16xf32>
        %add3A_782 = arith.addf %add3A_759, %mul3A_781 : vector<16xf32>
        %gather3A_783 = tpu.vector_load_idx %arg10[%add3A_204, %select_n3A_772] : memref<832x64xf32, #tpu.memory_space<vmem>>[vector<16xi32>, vector<16xi32>], vector<16xf32>,
        %mul3A_784 = arith.mulf %gather3A_783, %gather3A_773 : vector<16xf32>
        %add3A_785 = arith.addf %add3A_762, %mul3A_784 : vector<16xf32>
        %ge3A_786 = arith.constant 39 : i32
        %ge3A_787 = vector.broadcast %ge3A_786 : i32 to vector<16xi32>
        %ge3A_788 = arith.cmpi sge, %iota3A, %ge3A_787 : vector<16xi32>
        %add3A_789 = arith.constant -39 : i32
        %add3A_790 = vector.broadcast %add3A_789 : i32 to vector<16xi32>
        %add3A_791 = arith.addi %iota3A, %add3A_790 : vector<16xi32>
        %add3A_792 = arith.constant 25 : i32
        %add3A_793 = vector.broadcast %add3A_792 : i32 to vector<16xi32>
        %add3A_794 = arith.addi %iota3A, %add3A_793 : vector<16xi32>
        %select_n3A_795 = arith.select %ge3A_788, %add3A_791, %add3A_794 : vector<16xi1>, vector<16xi32>
        %gather3A_796 = tpu.vector_load_idx %arg9[%broadcast_in_dim3A_172, %select_n3A_795] : memref<16x64xf32, #tpu.memory_space<vmem>>[vector<16xi32>, vector<16xi32>], vector<16xf32>,
        %gather3A_797 = tpu.vector_load_idx %arg10[%add3A_183, %select_n3A_795] : memref<832x64xf32, #tpu.memory_space<vmem>>[vector<16xi32>, vector<16xi32>], vector<16xf32>,
        %mul3A_798 = arith.mulf %gather3A_797, %gather3A_796 : vector<16xf32>
        %add3A_799 = arith.addf %add3A_776, %mul3A_798 : vector<16xf32>
        %gather3A_800 = tpu.vector_load_idx %arg10[%add3A_190, %select_n3A_795] : memref<832x64xf32, #tpu.memory_space<vmem>>[vector<16xi32>, vector<16xi32>], vector<16xf32>,
        %mul3A_801 = arith.mulf %gather3A_800, %gather3A_796 : vector<16xf32>
        %add3A_802 = arith.addf %add3A_779, %mul3A_801 : vector<16xf32>
        %gather3A_803 = tpu.vector_load_idx %arg10[%add3A_197, %select_n3A_795] : memref<832x64xf32, #tpu.memory_space<vmem>>[vector<16xi32>, vector<16xi32>], vector<16xf32>,
        %mul3A_804 = arith.mulf %gather3A_803, %gather3A_796 : vector<16xf32>
        %add3A_805 = arith.addf %add3A_782, %mul3A_804 : vector<16xf32>
        %gather3A_806 = tpu.vector_load_idx %arg10[%add3A_204, %select_n3A_795] : memref<832x64xf32, #tpu.memory_space<vmem>>[vector<16xi32>, vector<16xi32>], vector<16xf32>,
        %mul3A_807 = arith.mulf %gather3A_806, %gather3A_796 : vector<16xf32>
        %add3A_808 = arith.addf %add3A_785, %mul3A_807 : vector<16xf32>
        %ge3A_809 = arith.constant 38 : i32
        %ge3A_810 = vector.broadcast %ge3A_809 : i32 to vector<16xi32>
        %ge3A_811 = arith.cmpi sge, %iota3A, %ge3A_810 : vector<16xi32>
        %add3A_812 = arith.constant -38 : i32
        %add3A_813 = vector.broadcast %add3A_812 : i32 to vector<16xi32>
        %add3A_814 = arith.addi %iota3A, %add3A_813 : vector<16xi32>
        %add3A_815 = arith.constant 26 : i32
        %add3A_816 = vector.broadcast %add3A_815 : i32 to vector<16xi32>
        %add3A_817 = arith.addi %iota3A, %add3A_816 : vector<16xi32>
        %select_n3A_818 = arith.select %ge3A_811, %add3A_814, %add3A_817 : vector<16xi1>, vector<16xi32>
        %gather3A_819 = tpu.vector_load_idx %arg9[%broadcast_in_dim3A_172, %select_n3A_818] : memref<16x64xf32, #tpu.memory_space<vmem>>[vector<16xi32>, vector<16xi32>], vector<16xf32>,
        %gather3A_820 = tpu.vector_load_idx %arg10[%add3A_183, %select_n3A_818] : memref<832x64xf32, #tpu.memory_space<vmem>>[vector<16xi32>, vector<16xi32>], vector<16xf32>,
        %mul3A_821 = arith.mulf %gather3A_820, %gather3A_819 : vector<16xf32>
        %add3A_822 = arith.addf %add3A_799, %mul3A_821 : vector<16xf32>
        %gather3A_823 = tpu.vector_load_idx %arg10[%add3A_190, %select_n3A_818] : memref<832x64xf32, #tpu.memory_space<vmem>>[vector<16xi32>, vector<16xi32>], vector<16xf32>,
        %mul3A_824 = arith.mulf %gather3A_823, %gather3A_819 : vector<16xf32>
        %add3A_825 = arith.addf %add3A_802, %mul3A_824 : vector<16xf32>
        %gather3A_826 = tpu.vector_load_idx %arg10[%add3A_197, %select_n3A_818] : memref<832x64xf32, #tpu.memory_space<vmem>>[vector<16xi32>, vector<16xi32>], vector<16xf32>,
        %mul3A_827 = arith.mulf %gather3A_826, %gather3A_819 : vector<16xf32>
        %add3A_828 = arith.addf %add3A_805, %mul3A_827 : vector<16xf32>
        %gather3A_829 = tpu.vector_load_idx %arg10[%add3A_204, %select_n3A_818] : memref<832x64xf32, #tpu.memory_space<vmem>>[vector<16xi32>, vector<16xi32>], vector<16xf32>,
        %mul3A_830 = arith.mulf %gather3A_829, %gather3A_819 : vector<16xf32>
        %add3A_831 = arith.addf %add3A_808, %mul3A_830 : vector<16xf32>
        %ge3A_832 = arith.constant 37 : i32
        %ge3A_833 = vector.broadcast %ge3A_832 : i32 to vector<16xi32>
        %ge3A_834 = arith.cmpi sge, %iota3A, %ge3A_833 : vector<16xi32>
        %add3A_835 = arith.constant -37 : i32
        %add3A_836 = vector.broadcast %add3A_835 : i32 to vector<16xi32>
        %add3A_837 = arith.addi %iota3A, %add3A_836 : vector<16xi32>
        %add3A_838 = arith.constant 27 : i32
        %add3A_839 = vector.broadcast %add3A_838 : i32 to vector<16xi32>
        %add3A_840 = arith.addi %iota3A, %add3A_839 : vector<16xi32>
        %select_n3A_841 = arith.select %ge3A_834, %add3A_837, %add3A_840 : vector<16xi1>, vector<16xi32>
        %gather3A_842 = tpu.vector_load_idx %arg9[%broadcast_in_dim3A_172, %select_n3A_841] : memref<16x64xf32, #tpu.memory_space<vmem>>[vector<16xi32>, vector<16xi32>], vector<16xf32>,
        %gather3A_843 = tpu.vector_load_idx %arg10[%add3A_183, %select_n3A_841] : memref<832x64xf32, #tpu.memory_space<vmem>>[vector<16xi32>, vector<16xi32>], vector<16xf32>,
        %mul3A_844 = arith.mulf %gather3A_843, %gather3A_842 : vector<16xf32>
        %add3A_845 = arith.addf %add3A_822, %mul3A_844 : vector<16xf32>
        %gather3A_846 = tpu.vector_load_idx %arg10[%add3A_190, %select_n3A_841] : memref<832x64xf32, #tpu.memory_space<vmem>>[vector<16xi32>, vector<16xi32>], vector<16xf32>,
        %mul3A_847 = arith.mulf %gather3A_846, %gather3A_842 : vector<16xf32>
        %add3A_848 = arith.addf %add3A_825, %mul3A_847 : vector<16xf32>
        %gather3A_849 = tpu.vector_load_idx %arg10[%add3A_197, %select_n3A_841] : memref<832x64xf32, #tpu.memory_space<vmem>>[vector<16xi32>, vector<16xi32>], vector<16xf32>,
        %mul3A_850 = arith.mulf %gather3A_849, %gather3A_842 : vector<16xf32>
        %add3A_851 = arith.addf %add3A_828, %mul3A_850 : vector<16xf32>
        %gather3A_852 = tpu.vector_load_idx %arg10[%add3A_204, %select_n3A_841] : memref<832x64xf32, #tpu.memory_space<vmem>>[vector<16xi32>, vector<16xi32>], vector<16xf32>,
        %mul3A_853 = arith.mulf %gather3A_852, %gather3A_842 : vector<16xf32>
        %add3A_854 = arith.addf %add3A_831, %mul3A_853 : vector<16xf32>
        %ge3A_855 = arith.constant 36 : i32
        %ge3A_856 = vector.broadcast %ge3A_855 : i32 to vector<16xi32>
        %ge3A_857 = arith.cmpi sge, %iota3A, %ge3A_856 : vector<16xi32>
        %add3A_858 = arith.constant -36 : i32
        %add3A_859 = vector.broadcast %add3A_858 : i32 to vector<16xi32>
        %add3A_860 = arith.addi %iota3A, %add3A_859 : vector<16xi32>
        %add3A_861 = arith.constant 28 : i32
        %add3A_862 = vector.broadcast %add3A_861 : i32 to vector<16xi32>
        %add3A_863 = arith.addi %iota3A, %add3A_862 : vector<16xi32>
        %select_n3A_864 = arith.select %ge3A_857, %add3A_860, %add3A_863 : vector<16xi1>, vector<16xi32>
        %gather3A_865 = tpu.vector_load_idx %arg9[%broadcast_in_dim3A_172, %select_n3A_864] : memref<16x64xf32, #tpu.memory_space<vmem>>[vector<16xi32>, vector<16xi32>], vector<16xf32>,
        %gather3A_866 = tpu.vector_load_idx %arg10[%add3A_183, %select_n3A_864] : memref<832x64xf32, #tpu.memory_space<vmem>>[vector<16xi32>, vector<16xi32>], vector<16xf32>,
        %mul3A_867 = arith.mulf %gather3A_866, %gather3A_865 : vector<16xf32>
        %add3A_868 = arith.addf %add3A_845, %mul3A_867 : vector<16xf32>
        %gather3A_869 = tpu.vector_load_idx %arg10[%add3A_190, %select_n3A_864] : memref<832x64xf32, #tpu.memory_space<vmem>>[vector<16xi32>, vector<16xi32>], vector<16xf32>,
        %mul3A_870 = arith.mulf %gather3A_869, %gather3A_865 : vector<16xf32>
        %add3A_871 = arith.addf %add3A_848, %mul3A_870 : vector<16xf32>
        %gather3A_872 = tpu.vector_load_idx %arg10[%add3A_197, %select_n3A_864] : memref<832x64xf32, #tpu.memory_space<vmem>>[vector<16xi32>, vector<16xi32>], vector<16xf32>,
        %mul3A_873 = arith.mulf %gather3A_872, %gather3A_865 : vector<16xf32>
        %add3A_874 = arith.addf %add3A_851, %mul3A_873 : vector<16xf32>
        %gather3A_875 = tpu.vector_load_idx %arg10[%add3A_204, %select_n3A_864] : memref<832x64xf32, #tpu.memory_space<vmem>>[vector<16xi32>, vector<16xi32>], vector<16xf32>,
        %mul3A_876 = arith.mulf %gather3A_875, %gather3A_865 : vector<16xf32>
        %add3A_877 = arith.addf %add3A_854, %mul3A_876 : vector<16xf32>
        %ge3A_878 = arith.constant 35 : i32
        %ge3A_879 = vector.broadcast %ge3A_878 : i32 to vector<16xi32>
        %ge3A_880 = arith.cmpi sge, %iota3A, %ge3A_879 : vector<16xi32>
        %add3A_881 = arith.constant -35 : i32
        %add3A_882 = vector.broadcast %add3A_881 : i32 to vector<16xi32>
        %add3A_883 = arith.addi %iota3A, %add3A_882 : vector<16xi32>
        %add3A_884 = arith.constant 29 : i32
        %add3A_885 = vector.broadcast %add3A_884 : i32 to vector<16xi32>
        %add3A_886 = arith.addi %iota3A, %add3A_885 : vector<16xi32>
        %select_n3A_887 = arith.select %ge3A_880, %add3A_883, %add3A_886 : vector<16xi1>, vector<16xi32>
        %gather3A_888 = tpu.vector_load_idx %arg9[%broadcast_in_dim3A_172, %select_n3A_887] : memref<16x64xf32, #tpu.memory_space<vmem>>[vector<16xi32>, vector<16xi32>], vector<16xf32>,
        %gather3A_889 = tpu.vector_load_idx %arg10[%add3A_183, %select_n3A_887] : memref<832x64xf32, #tpu.memory_space<vmem>>[vector<16xi32>, vector<16xi32>], vector<16xf32>,
        %mul3A_890 = arith.mulf %gather3A_889, %gather3A_888 : vector<16xf32>
        %add3A_891 = arith.addf %add3A_868, %mul3A_890 : vector<16xf32>
        %gather3A_892 = tpu.vector_load_idx %arg10[%add3A_190, %select_n3A_887] : memref<832x64xf32, #tpu.memory_space<vmem>>[vector<16xi32>, vector<16xi32>], vector<16xf32>,
        %mul3A_893 = arith.mulf %gather3A_892, %gather3A_888 : vector<16xf32>
        %add3A_894 = arith.addf %add3A_871, %mul3A_893 : vector<16xf32>
        %gather3A_895 = tpu.vector_load_idx %arg10[%add3A_197, %select_n3A_887] : memref<832x64xf32, #tpu.memory_space<vmem>>[vector<16xi32>, vector<16xi32>], vector<16xf32>,
        %mul3A_896 = arith.mulf %gather3A_895, %gather3A_888 : vector<16xf32>
        %add3A_897 = arith.addf %add3A_874, %mul3A_896 : vector<16xf32>
        %gather3A_898 = tpu.vector_load_idx %arg10[%add3A_204, %select_n3A_887] : memref<832x64xf32, #tpu.memory_space<vmem>>[vector<16xi32>, vector<16xi32>], vector<16xf32>,
        %mul3A_899 = arith.mulf %gather3A_898, %gather3A_888 : vector<16xf32>
        %add3A_900 = arith.addf %add3A_877, %mul3A_899 : vector<16xf32>
        %ge3A_901 = arith.constant 34 : i32
        %ge3A_902 = vector.broadcast %ge3A_901 : i32 to vector<16xi32>
        %ge3A_903 = arith.cmpi sge, %iota3A, %ge3A_902 : vector<16xi32>
        %add3A_904 = arith.constant -34 : i32
        %add3A_905 = vector.broadcast %add3A_904 : i32 to vector<16xi32>
        %add3A_906 = arith.addi %iota3A, %add3A_905 : vector<16xi32>
        %add3A_907 = arith.constant 30 : i32
        %add3A_908 = vector.broadcast %add3A_907 : i32 to vector<16xi32>
        %add3A_909 = arith.addi %iota3A, %add3A_908 : vector<16xi32>
        %select_n3A_910 = arith.select %ge3A_903, %add3A_906, %add3A_909 : vector<16xi1>, vector<16xi32>
        %gather3A_911 = tpu.vector_load_idx %arg9[%broadcast_in_dim3A_172, %select_n3A_910] : memref<16x64xf32, #tpu.memory_space<vmem>>[vector<16xi32>, vector<16xi32>], vector<16xf32>,
        %gather3A_912 = tpu.vector_load_idx %arg10[%add3A_183, %select_n3A_910] : memref<832x64xf32, #tpu.memory_space<vmem>>[vector<16xi32>, vector<16xi32>], vector<16xf32>,
        %mul3A_913 = arith.mulf %gather3A_912, %gather3A_911 : vector<16xf32>
        %add3A_914 = arith.addf %add3A_891, %mul3A_913 : vector<16xf32>
        %gather3A_915 = tpu.vector_load_idx %arg10[%add3A_190, %select_n3A_910] : memref<832x64xf32, #tpu.memory_space<vmem>>[vector<16xi32>, vector<16xi32>], vector<16xf32>,
        %mul3A_916 = arith.mulf %gather3A_915, %gather3A_911 : vector<16xf32>
        %add3A_917 = arith.addf %add3A_894, %mul3A_916 : vector<16xf32>
        %gather3A_918 = tpu.vector_load_idx %arg10[%add3A_197, %select_n3A_910] : memref<832x64xf32, #tpu.memory_space<vmem>>[vector<16xi32>, vector<16xi32>], vector<16xf32>,
        %mul3A_919 = arith.mulf %gather3A_918, %gather3A_911 : vector<16xf32>
        %add3A_920 = arith.addf %add3A_897, %mul3A_919 : vector<16xf32>
        %gather3A_921 = tpu.vector_load_idx %arg10[%add3A_204, %select_n3A_910] : memref<832x64xf32, #tpu.memory_space<vmem>>[vector<16xi32>, vector<16xi32>], vector<16xf32>,
        %mul3A_922 = arith.mulf %gather3A_921, %gather3A_911 : vector<16xf32>
        %add3A_923 = arith.addf %add3A_900, %mul3A_922 : vector<16xf32>
        %ge3A_924 = arith.constant 33 : i32
        %ge3A_925 = vector.broadcast %ge3A_924 : i32 to vector<16xi32>
        %ge3A_926 = arith.cmpi sge, %iota3A, %ge3A_925 : vector<16xi32>
        %add3A_927 = arith.constant -33 : i32
        %add3A_928 = vector.broadcast %add3A_927 : i32 to vector<16xi32>
        %add3A_929 = arith.addi %iota3A, %add3A_928 : vector<16xi32>
        %add3A_930 = arith.constant 31 : i32
        %add3A_931 = vector.broadcast %add3A_930 : i32 to vector<16xi32>
        %add3A_932 = arith.addi %iota3A, %add3A_931 : vector<16xi32>
        %select_n3A_933 = arith.select %ge3A_926, %add3A_929, %add3A_932 : vector<16xi1>, vector<16xi32>
        %gather3A_934 = tpu.vector_load_idx %arg9[%broadcast_in_dim3A_172, %select_n3A_933] : memref<16x64xf32, #tpu.memory_space<vmem>>[vector<16xi32>, vector<16xi32>], vector<16xf32>,
        %gather3A_935 = tpu.vector_load_idx %arg10[%add3A_183, %select_n3A_933] : memref<832x64xf32, #tpu.memory_space<vmem>>[vector<16xi32>, vector<16xi32>], vector<16xf32>,
        %mul3A_936 = arith.mulf %gather3A_935, %gather3A_934 : vector<16xf32>
        %add3A_937 = arith.addf %add3A_914, %mul3A_936 : vector<16xf32>
        %gather3A_938 = tpu.vector_load_idx %arg10[%add3A_190, %select_n3A_933] : memref<832x64xf32, #tpu.memory_space<vmem>>[vector<16xi32>, vector<16xi32>], vector<16xf32>,
        %mul3A_939 = arith.mulf %gather3A_938, %gather3A_934 : vector<16xf32>
        %add3A_940 = arith.addf %add3A_917, %mul3A_939 : vector<16xf32>
        %gather3A_941 = tpu.vector_load_idx %arg10[%add3A_197, %select_n3A_933] : memref<832x64xf32, #tpu.memory_space<vmem>>[vector<16xi32>, vector<16xi32>], vector<16xf32>,
        %mul3A_942 = arith.mulf %gather3A_941, %gather3A_934 : vector<16xf32>
        %add3A_943 = arith.addf %add3A_920, %mul3A_942 : vector<16xf32>
        %gather3A_944 = tpu.vector_load_idx %arg10[%add3A_204, %select_n3A_933] : memref<832x64xf32, #tpu.memory_space<vmem>>[vector<16xi32>, vector<16xi32>], vector<16xf32>,
        %mul3A_945 = arith.mulf %gather3A_944, %gather3A_934 : vector<16xf32>
        %add3A_946 = arith.addf %add3A_923, %mul3A_945 : vector<16xf32>
        %ge3A_947 = arith.constant 32 : i32
        %ge3A_948 = vector.broadcast %ge3A_947 : i32 to vector<16xi32>
        %ge3A_949 = arith.cmpi sge, %iota3A, %ge3A_948 : vector<16xi32>
        %add3A_950 = arith.constant -32 : i32
        %add3A_951 = vector.broadcast %add3A_950 : i32 to vector<16xi32>
        %add3A_952 = arith.addi %iota3A, %add3A_951 : vector<16xi32>
        %add3A_953 = arith.constant 32 : i32
        %add3A_954 = vector.broadcast %add3A_953 : i32 to vector<16xi32>
        %add3A_955 = arith.addi %iota3A, %add3A_954 : vector<16xi32>
        %select_n3A_956 = arith.select %ge3A_949, %add3A_952, %add3A_955 : vector<16xi1>, vector<16xi32>
        %gather3A_957 = tpu.vector_load_idx %arg9[%broadcast_in_dim3A_172, %select_n3A_956] : memref<16x64xf32, #tpu.memory_space<vmem>>[vector<16xi32>, vector<16xi32>], vector<16xf32>,
        %gather3A_958 = tpu.vector_load_idx %arg10[%add3A_183, %select_n3A_956] : memref<832x64xf32, #tpu.memory_space<vmem>>[vector<16xi32>, vector<16xi32>], vector<16xf32>,
        %mul3A_959 = arith.mulf %gather3A_958, %gather3A_957 : vector<16xf32>
        %add3A_960 = arith.addf %add3A_937, %mul3A_959 : vector<16xf32>
        %gather3A_961 = tpu.vector_load_idx %arg10[%add3A_190, %select_n3A_956] : memref<832x64xf32, #tpu.memory_space<vmem>>[vector<16xi32>, vector<16xi32>], vector<16xf32>,
        %mul3A_962 = arith.mulf %gather3A_961, %gather3A_957 : vector<16xf32>
        %add3A_963 = arith.addf %add3A_940, %mul3A_962 : vector<16xf32>
        %gather3A_964 = tpu.vector_load_idx %arg10[%add3A_197, %select_n3A_956] : memref<832x64xf32, #tpu.memory_space<vmem>>[vector<16xi32>, vector<16xi32>], vector<16xf32>,
        %mul3A_965 = arith.mulf %gather3A_964, %gather3A_957 : vector<16xf32>
        %add3A_966 = arith.addf %add3A_943, %mul3A_965 : vector<16xf32>
        %gather3A_967 = tpu.vector_load_idx %arg10[%add3A_204, %select_n3A_956] : memref<832x64xf32, #tpu.memory_space<vmem>>[vector<16xi32>, vector<16xi32>], vector<16xf32>,
        %mul3A_968 = arith.mulf %gather3A_967, %gather3A_957 : vector<16xf32>
        %add3A_969 = arith.addf %add3A_946, %mul3A_968 : vector<16xf32>
        %ge3A_970 = arith.constant 31 : i32
        %ge3A_971 = vector.broadcast %ge3A_970 : i32 to vector<16xi32>
        %ge3A_972 = arith.cmpi sge, %iota3A, %ge3A_971 : vector<16xi32>
        %add3A_973 = arith.constant -31 : i32
        %add3A_974 = vector.broadcast %add3A_973 : i32 to vector<16xi32>
        %add3A_975 = arith.addi %iota3A, %add3A_974 : vector<16xi32>
        %add3A_976 = arith.constant 33 : i32
        %add3A_977 = vector.broadcast %add3A_976 : i32 to vector<16xi32>
        %add3A_978 = arith.addi %iota3A, %add3A_977 : vector<16xi32>
        %select_n3A_979 = arith.select %ge3A_972, %add3A_975, %add3A_978 : vector<16xi1>, vector<16xi32>
        %gather3A_980 = tpu.vector_load_idx %arg9[%broadcast_in_dim3A_172, %select_n3A_979] : memref<16x64xf32, #tpu.memory_space<vmem>>[vector<16xi32>, vector<16xi32>], vector<16xf32>,
        %gather3A_981 = tpu.vector_load_idx %arg10[%add3A_183, %select_n3A_979] : memref<832x64xf32, #tpu.memory_space<vmem>>[vector<16xi32>, vector<16xi32>], vector<16xf32>,
        %mul3A_982 = arith.mulf %gather3A_981, %gather3A_980 : vector<16xf32>
        %add3A_983 = arith.addf %add3A_960, %mul3A_982 : vector<16xf32>
        %gather3A_984 = tpu.vector_load_idx %arg10[%add3A_190, %select_n3A_979] : memref<832x64xf32, #tpu.memory_space<vmem>>[vector<16xi32>, vector<16xi32>], vector<16xf32>,
        %mul3A_985 = arith.mulf %gather3A_984, %gather3A_980 : vector<16xf32>
        %add3A_986 = arith.addf %add3A_963, %mul3A_985 : vector<16xf32>
        %gather3A_987 = tpu.vector_load_idx %arg10[%add3A_197, %select_n3A_979] : memref<832x64xf32, #tpu.memory_space<vmem>>[vector<16xi32>, vector<16xi32>], vector<16xf32>,
        %mul3A_988 = arith.mulf %gather3A_987, %gather3A_980 : vector<16xf32>
        %add3A_989 = arith.addf %add3A_966, %mul3A_988 : vector<16xf32>
        %gather3A_990 = tpu.vector_load_idx %arg10[%add3A_204, %select_n3A_979] : memref<832x64xf32, #tpu.memory_space<vmem>>[vector<16xi32>, vector<16xi32>], vector<16xf32>,
        %mul3A_991 = arith.mulf %gather3A_990, %gather3A_980 : vector<16xf32>
        %add3A_992 = arith.addf %add3A_969, %mul3A_991 : vector<16xf32>
        %ge3A_993 = arith.constant 30 : i32
        %ge3A_994 = vector.broadcast %ge3A_993 : i32 to vector<16xi32>
        %ge3A_995 = arith.cmpi sge, %iota3A, %ge3A_994 : vector<16xi32>
        %add3A_996 = arith.constant -30 : i32
        %add3A_997 = vector.broadcast %add3A_996 : i32 to vector<16xi32>
        %add3A_998 = arith.addi %iota3A, %add3A_997 : vector<16xi32>
        %add3A_999 = arith.constant 34 : i32
        %add3A_1000 = vector.broadcast %add3A_999 : i32 to vector<16xi32>
        %add3A_1001 = arith.addi %iota3A, %add3A_1000 : vector<16xi32>
        %select_n3A_1002 = arith.select %ge3A_995, %add3A_998, %add3A_1001 : vector<16xi1>, vector<16xi32>
        %gather3A_1003 = tpu.vector_load_idx %arg9[%broadcast_in_dim3A_172, %select_n3A_1002] : memref<16x64xf32, #tpu.memory_space<vmem>>[vector<16xi32>, vector<16xi32>], vector<16xf32>,
        %gather3A_1004 = tpu.vector_load_idx %arg10[%add3A_183, %select_n3A_1002] : memref<832x64xf32, #tpu.memory_space<vmem>>[vector<16xi32>, vector<16xi32>], vector<16xf32>,
        %mul3A_1005 = arith.mulf %gather3A_1004, %gather3A_1003 : vector<16xf32>
        %add3A_1006 = arith.addf %add3A_983, %mul3A_1005 : vector<16xf32>
        %gather3A_1007 = tpu.vector_load_idx %arg10[%add3A_190, %select_n3A_1002] : memref<832x64xf32, #tpu.memory_space<vmem>>[vector<16xi32>, vector<16xi32>], vector<16xf32>,
        %mul3A_1008 = arith.mulf %gather3A_1007, %gather3A_1003 : vector<16xf32>
        %add3A_1009 = arith.addf %add3A_986, %mul3A_1008 : vector<16xf32>
        %gather3A_1010 = tpu.vector_load_idx %arg10[%add3A_197, %select_n3A_1002] : memref<832x64xf32, #tpu.memory_space<vmem>>[vector<16xi32>, vector<16xi32>], vector<16xf32>,
        %mul3A_1011 = arith.mulf %gather3A_1010, %gather3A_1003 : vector<16xf32>
        %add3A_1012 = arith.addf %add3A_989, %mul3A_1011 : vector<16xf32>
        %gather3A_1013 = tpu.vector_load_idx %arg10[%add3A_204, %select_n3A_1002] : memref<832x64xf32, #tpu.memory_space<vmem>>[vector<16xi32>, vector<16xi32>], vector<16xf32>,
        %mul3A_1014 = arith.mulf %gather3A_1013, %gather3A_1003 : vector<16xf32>
        %add3A_1015 = arith.addf %add3A_992, %mul3A_1014 : vector<16xf32>
        %ge3A_1016 = arith.constant 29 : i32
        %ge3A_1017 = vector.broadcast %ge3A_1016 : i32 to vector<16xi32>
        %ge3A_1018 = arith.cmpi sge, %iota3A, %ge3A_1017 : vector<16xi32>
        %add3A_1019 = arith.constant -29 : i32
        %add3A_1020 = vector.broadcast %add3A_1019 : i32 to vector<16xi32>
        %add3A_1021 = arith.addi %iota3A, %add3A_1020 : vector<16xi32>
        %add3A_1022 = arith.constant 35 : i32
        %add3A_1023 = vector.broadcast %add3A_1022 : i32 to vector<16xi32>
        %add3A_1024 = arith.addi %iota3A, %add3A_1023 : vector<16xi32>
        %select_n3A_1025 = arith.select %ge3A_1018, %add3A_1021, %add3A_1024 : vector<16xi1>, vector<16xi32>
        %gather3A_1026 = tpu.vector_load_idx %arg9[%broadcast_in_dim3A_172, %select_n3A_1025] : memref<16x64xf32, #tpu.memory_space<vmem>>[vector<16xi32>, vector<16xi32>], vector<16xf32>,
        %gather3A_1027 = tpu.vector_load_idx %arg10[%add3A_183, %select_n3A_1025] : memref<832x64xf32, #tpu.memory_space<vmem>>[vector<16xi32>, vector<16xi32>], vector<16xf32>,
        %mul3A_1028 = arith.mulf %gather3A_1027, %gather3A_1026 : vector<16xf32>
        %add3A_1029 = arith.addf %add3A_1006, %mul3A_1028 : vector<16xf32>
        %gather3A_1030 = tpu.vector_load_idx %arg10[%add3A_190, %select_n3A_1025] : memref<832x64xf32, #tpu.memory_space<vmem>>[vector<16xi32>, vector<16xi32>], vector<16xf32>,
        %mul3A_1031 = arith.mulf %gather3A_1030, %gather3A_1026 : vector<16xf32>
        %add3A_1032 = arith.addf %add3A_1009, %mul3A_1031 : vector<16xf32>
        %gather3A_1033 = tpu.vector_load_idx %arg10[%add3A_197, %select_n3A_1025] : memref<832x64xf32, #tpu.memory_space<vmem>>[vector<16xi32>, vector<16xi32>], vector<16xf32>,
        %mul3A_1034 = arith.mulf %gather3A_1033, %gather3A_1026 : vector<16xf32>
        %add3A_1035 = arith.addf %add3A_1012, %mul3A_1034 : vector<16xf32>
        %gather3A_1036 = tpu.vector_load_idx %arg10[%add3A_204, %select_n3A_1025] : memref<832x64xf32, #tpu.memory_space<vmem>>[vector<16xi32>, vector<16xi32>], vector<16xf32>,
        %mul3A_1037 = arith.mulf %gather3A_1036, %gather3A_1026 : vector<16xf32>
        %add3A_1038 = arith.addf %add3A_1015, %mul3A_1037 : vector<16xf32>
        %ge3A_1039 = arith.constant 28 : i32
        %ge3A_1040 = vector.broadcast %ge3A_1039 : i32 to vector<16xi32>
        %ge3A_1041 = arith.cmpi sge, %iota3A, %ge3A_1040 : vector<16xi32>
        %add3A_1042 = arith.constant -28 : i32
        %add3A_1043 = vector.broadcast %add3A_1042 : i32 to vector<16xi32>
        %add3A_1044 = arith.addi %iota3A, %add3A_1043 : vector<16xi32>
        %add3A_1045 = arith.constant 36 : i32
        %add3A_1046 = vector.broadcast %add3A_1045 : i32 to vector<16xi32>
        %add3A_1047 = arith.addi %iota3A, %add3A_1046 : vector<16xi32>
        %select_n3A_1048 = arith.select %ge3A_1041, %add3A_1044, %add3A_1047 : vector<16xi1>, vector<16xi32>
        %gather3A_1049 = tpu.vector_load_idx %arg9[%broadcast_in_dim3A_172, %select_n3A_1048] : memref<16x64xf32, #tpu.memory_space<vmem>>[vector<16xi32>, vector<16xi32>], vector<16xf32>,
        %gather3A_1050 = tpu.vector_load_idx %arg10[%add3A_183, %select_n3A_1048] : memref<832x64xf32, #tpu.memory_space<vmem>>[vector<16xi32>, vector<16xi32>], vector<16xf32>,
        %mul3A_1051 = arith.mulf %gather3A_1050, %gather3A_1049 : vector<16xf32>
        %add3A_1052 = arith.addf %add3A_1029, %mul3A_1051 : vector<16xf32>
        %gather3A_1053 = tpu.vector_load_idx %arg10[%add3A_190, %select_n3A_1048] : memref<832x64xf32, #tpu.memory_space<vmem>>[vector<16xi32>, vector<16xi32>], vector<16xf32>,
        %mul3A_1054 = arith.mulf %gather3A_1053, %gather3A_1049 : vector<16xf32>
        %add3A_1055 = arith.addf %add3A_1032, %mul3A_1054 : vector<16xf32>
        %gather3A_1056 = tpu.vector_load_idx %arg10[%add3A_197, %select_n3A_1048] : memref<832x64xf32, #tpu.memory_space<vmem>>[vector<16xi32>, vector<16xi32>], vector<16xf32>,
        %mul3A_1057 = arith.mulf %gather3A_1056, %gather3A_1049 : vector<16xf32>
        %add3A_1058 = arith.addf %add3A_1035, %mul3A_1057 : vector<16xf32>
        %gather3A_1059 = tpu.vector_load_idx %arg10[%add3A_204, %select_n3A_1048] : memref<832x64xf32, #tpu.memory_space<vmem>>[vector<16xi32>, vector<16xi32>], vector<16xf32>,
        %mul3A_1060 = arith.mulf %gather3A_1059, %gather3A_1049 : vector<16xf32>
        %add3A_1061 = arith.addf %add3A_1038, %mul3A_1060 : vector<16xf32>
        %ge3A_1062 = arith.constant 27 : i32
        %ge3A_1063 = vector.broadcast %ge3A_1062 : i32 to vector<16xi32>
        %ge3A_1064 = arith.cmpi sge, %iota3A, %ge3A_1063 : vector<16xi32>
        %add3A_1065 = arith.constant -27 : i32
        %add3A_1066 = vector.broadcast %add3A_1065 : i32 to vector<16xi32>
        %add3A_1067 = arith.addi %iota3A, %add3A_1066 : vector<16xi32>
        %add3A_1068 = arith.constant 37 : i32
        %add3A_1069 = vector.broadcast %add3A_1068 : i32 to vector<16xi32>
        %add3A_1070 = arith.addi %iota3A, %add3A_1069 : vector<16xi32>
        %select_n3A_1071 = arith.select %ge3A_1064, %add3A_1067, %add3A_1070 : vector<16xi1>, vector<16xi32>
        %gather3A_1072 = tpu.vector_load_idx %arg9[%broadcast_in_dim3A_172, %select_n3A_1071] : memref<16x64xf32, #tpu.memory_space<vmem>>[vector<16xi32>, vector<16xi32>], vector<16xf32>,
        %gather3A_1073 = tpu.vector_load_idx %arg10[%add3A_183, %select_n3A_1071] : memref<832x64xf32, #tpu.memory_space<vmem>>[vector<16xi32>, vector<16xi32>], vector<16xf32>,
        %mul3A_1074 = arith.mulf %gather3A_1073, %gather3A_1072 : vector<16xf32>
        %add3A_1075 = arith.addf %add3A_1052, %mul3A_1074 : vector<16xf32>
        %gather3A_1076 = tpu.vector_load_idx %arg10[%add3A_190, %select_n3A_1071] : memref<832x64xf32, #tpu.memory_space<vmem>>[vector<16xi32>, vector<16xi32>], vector<16xf32>,
        %mul3A_1077 = arith.mulf %gather3A_1076, %gather3A_1072 : vector<16xf32>
        %add3A_1078 = arith.addf %add3A_1055, %mul3A_1077 : vector<16xf32>
        %gather3A_1079 = tpu.vector_load_idx %arg10[%add3A_197, %select_n3A_1071] : memref<832x64xf32, #tpu.memory_space<vmem>>[vector<16xi32>, vector<16xi32>], vector<16xf32>,
        %mul3A_1080 = arith.mulf %gather3A_1079, %gather3A_1072 : vector<16xf32>
        %add3A_1081 = arith.addf %add3A_1058, %mul3A_1080 : vector<16xf32>
        %gather3A_1082 = tpu.vector_load_idx %arg10[%add3A_204, %select_n3A_1071] : memref<832x64xf32, #tpu.memory_space<vmem>>[vector<16xi32>, vector<16xi32>], vector<16xf32>,
        %mul3A_1083 = arith.mulf %gather3A_1082, %gather3A_1072 : vector<16xf32>
        %add3A_1084 = arith.addf %add3A_1061, %mul3A_1083 : vector<16xf32>
        %ge3A_1085 = arith.constant 26 : i32
        %ge3A_1086 = vector.broadcast %ge3A_1085 : i32 to vector<16xi32>
        %ge3A_1087 = arith.cmpi sge, %iota3A, %ge3A_1086 : vector<16xi32>
        %add3A_1088 = arith.constant -26 : i32
        %add3A_1089 = vector.broadcast %add3A_1088 : i32 to vector<16xi32>
        %add3A_1090 = arith.addi %iota3A, %add3A_1089 : vector<16xi32>
        %add3A_1091 = arith.constant 38 : i32
        %add3A_1092 = vector.broadcast %add3A_1091 : i32 to vector<16xi32>
        %add3A_1093 = arith.addi %iota3A, %add3A_1092 : vector<16xi32>
        %select_n3A_1094 = arith.select %ge3A_1087, %add3A_1090, %add3A_1093 : vector<16xi1>, vector<16xi32>
        %gather3A_1095 = tpu.vector_load_idx %arg9[%broadcast_in_dim3A_172, %select_n3A_1094] : memref<16x64xf32, #tpu.memory_space<vmem>>[vector<16xi32>, vector<16xi32>], vector<16xf32>,
        %gather3A_1096 = tpu.vector_load_idx %arg10[%add3A_183, %select_n3A_1094] : memref<832x64xf32, #tpu.memory_space<vmem>>[vector<16xi32>, vector<16xi32>], vector<16xf32>,
        %mul3A_1097 = arith.mulf %gather3A_1096, %gather3A_1095 : vector<16xf32>
        %add3A_1098 = arith.addf %add3A_1075, %mul3A_1097 : vector<16xf32>
        %gather3A_1099 = tpu.vector_load_idx %arg10[%add3A_190, %select_n3A_1094] : memref<832x64xf32, #tpu.memory_space<vmem>>[vector<16xi32>, vector<16xi32>], vector<16xf32>,
        %mul3A_1100 = arith.mulf %gather3A_1099, %gather3A_1095 : vector<16xf32>
        %add3A_1101 = arith.addf %add3A_1078, %mul3A_1100 : vector<16xf32>
        %gather3A_1102 = tpu.vector_load_idx %arg10[%add3A_197, %select_n3A_1094] : memref<832x64xf32, #tpu.memory_space<vmem>>[vector<16xi32>, vector<16xi32>], vector<16xf32>,
        %mul3A_1103 = arith.mulf %gather3A_1102, %gather3A_1095 : vector<16xf32>
        %add3A_1104 = arith.addf %add3A_1081, %mul3A_1103 : vector<16xf32>
        %gather3A_1105 = tpu.vector_load_idx %arg10[%add3A_204, %select_n3A_1094] : memref<832x64xf32, #tpu.memory_space<vmem>>[vector<16xi32>, vector<16xi32>], vector<16xf32>,
        %mul3A_1106 = arith.mulf %gather3A_1105, %gather3A_1095 : vector<16xf32>
        %add3A_1107 = arith.addf %add3A_1084, %mul3A_1106 : vector<16xf32>
        %ge3A_1108 = arith.constant 25 : i32
        %ge3A_1109 = vector.broadcast %ge3A_1108 : i32 to vector<16xi32>
        %ge3A_1110 = arith.cmpi sge, %iota3A, %ge3A_1109 : vector<16xi32>
        %add3A_1111 = arith.constant -25 : i32
        %add3A_1112 = vector.broadcast %add3A_1111 : i32 to vector<16xi32>
        %add3A_1113 = arith.addi %iota3A, %add3A_1112 : vector<16xi32>
        %add3A_1114 = arith.constant 39 : i32
        %add3A_1115 = vector.broadcast %add3A_1114 : i32 to vector<16xi32>
        %add3A_1116 = arith.addi %iota3A, %add3A_1115 : vector<16xi32>
        %select_n3A_1117 = arith.select %ge3A_1110, %add3A_1113, %add3A_1116 : vector<16xi1>, vector<16xi32>
        %gather3A_1118 = tpu.vector_load_idx %arg9[%broadcast_in_dim3A_172, %select_n3A_1117] : memref<16x64xf32, #tpu.memory_space<vmem>>[vector<16xi32>, vector<16xi32>], vector<16xf32>,
        %gather3A_1119 = tpu.vector_load_idx %arg10[%add3A_183, %select_n3A_1117] : memref<832x64xf32, #tpu.memory_space<vmem>>[vector<16xi32>, vector<16xi32>], vector<16xf32>,
        %mul3A_1120 = arith.mulf %gather3A_1119, %gather3A_1118 : vector<16xf32>
        %add3A_1121 = arith.addf %add3A_1098, %mul3A_1120 : vector<16xf32>
        %gather3A_1122 = tpu.vector_load_idx %arg10[%add3A_190, %select_n3A_1117] : memref<832x64xf32, #tpu.memory_space<vmem>>[vector<16xi32>, vector<16xi32>], vector<16xf32>,
        %mul3A_1123 = arith.mulf %gather3A_1122, %gather3A_1118 : vector<16xf32>
        %add3A_1124 = arith.addf %add3A_1101, %mul3A_1123 : vector<16xf32>
        %gather3A_1125 = tpu.vector_load_idx %arg10[%add3A_197, %select_n3A_1117] : memref<832x64xf32, #tpu.memory_space<vmem>>[vector<16xi32>, vector<16xi32>], vector<16xf32>,
        %mul3A_1126 = arith.mulf %gather3A_1125, %gather3A_1118 : vector<16xf32>
        %add3A_1127 = arith.addf %add3A_1104, %mul3A_1126 : vector<16xf32>
        %gather3A_1128 = tpu.vector_load_idx %arg10[%add3A_204, %select_n3A_1117] : memref<832x64xf32, #tpu.memory_space<vmem>>[vector<16xi32>, vector<16xi32>], vector<16xf32>,
        %mul3A_1129 = arith.mulf %gather3A_1128, %gather3A_1118 : vector<16xf32>
        %add3A_1130 = arith.addf %add3A_1107, %mul3A_1129 : vector<16xf32>
        %ge3A_1131 = arith.constant 24 : i32
        %ge3A_1132 = vector.broadcast %ge3A_1131 : i32 to vector<16xi32>
        %ge3A_1133 = arith.cmpi sge, %iota3A, %ge3A_1132 : vector<16xi32>
        %add3A_1134 = arith.constant -24 : i32
        %add3A_1135 = vector.broadcast %add3A_1134 : i32 to vector<16xi32>
        %add3A_1136 = arith.addi %iota3A, %add3A_1135 : vector<16xi32>
        %add3A_1137 = arith.constant 40 : i32
        %add3A_1138 = vector.broadcast %add3A_1137 : i32 to vector<16xi32>
        %add3A_1139 = arith.addi %iota3A, %add3A_1138 : vector<16xi32>
        %select_n3A_1140 = arith.select %ge3A_1133, %add3A_1136, %add3A_1139 : vector<16xi1>, vector<16xi32>
        %gather3A_1141 = tpu.vector_load_idx %arg9[%broadcast_in_dim3A_172, %select_n3A_1140] : memref<16x64xf32, #tpu.memory_space<vmem>>[vector<16xi32>, vector<16xi32>], vector<16xf32>,
        %gather3A_1142 = tpu.vector_load_idx %arg10[%add3A_183, %select_n3A_1140] : memref<832x64xf32, #tpu.memory_space<vmem>>[vector<16xi32>, vector<16xi32>], vector<16xf32>,
        %mul3A_1143 = arith.mulf %gather3A_1142, %gather3A_1141 : vector<16xf32>
        %add3A_1144 = arith.addf %add3A_1121, %mul3A_1143 : vector<16xf32>
        %gather3A_1145 = tpu.vector_load_idx %arg10[%add3A_190, %select_n3A_1140] : memref<832x64xf32, #tpu.memory_space<vmem>>[vector<16xi32>, vector<16xi32>], vector<16xf32>,
        %mul3A_1146 = arith.mulf %gather3A_1145, %gather3A_1141 : vector<16xf32>
        %add3A_1147 = arith.addf %add3A_1124, %mul3A_1146 : vector<16xf32>
        %gather3A_1148 = tpu.vector_load_idx %arg10[%add3A_197, %select_n3A_1140] : memref<832x64xf32, #tpu.memory_space<vmem>>[vector<16xi32>, vector<16xi32>], vector<16xf32>,
        %mul3A_1149 = arith.mulf %gather3A_1148, %gather3A_1141 : vector<16xf32>
        %add3A_1150 = arith.addf %add3A_1127, %mul3A_1149 : vector<16xf32>
        %gather3A_1151 = tpu.vector_load_idx %arg10[%add3A_204, %select_n3A_1140] : memref<832x64xf32, #tpu.memory_space<vmem>>[vector<16xi32>, vector<16xi32>], vector<16xf32>,
        %mul3A_1152 = arith.mulf %gather3A_1151, %gather3A_1141 : vector<16xf32>
        %add3A_1153 = arith.addf %add3A_1130, %mul3A_1152 : vector<16xf32>
        %ge3A_1154 = arith.constant 23 : i32
        %ge3A_1155 = vector.broadcast %ge3A_1154 : i32 to vector<16xi32>
        %ge3A_1156 = arith.cmpi sge, %iota3A, %ge3A_1155 : vector<16xi32>
        %add3A_1157 = arith.constant -23 : i32
        %add3A_1158 = vector.broadcast %add3A_1157 : i32 to vector<16xi32>
        %add3A_1159 = arith.addi %iota3A, %add3A_1158 : vector<16xi32>
        %add3A_1160 = arith.constant 41 : i32
        %add3A_1161 = vector.broadcast %add3A_1160 : i32 to vector<16xi32>
        %add3A_1162 = arith.addi %iota3A, %add3A_1161 : vector<16xi32>
        %select_n3A_1163 = arith.select %ge3A_1156, %add3A_1159, %add3A_1162 : vector<16xi1>, vector<16xi32>
        %gather3A_1164 = tpu.vector_load_idx %arg9[%broadcast_in_dim3A_172, %select_n3A_1163] : memref<16x64xf32, #tpu.memory_space<vmem>>[vector<16xi32>, vector<16xi32>], vector<16xf32>,
        %gather3A_1165 = tpu.vector_load_idx %arg10[%add3A_183, %select_n3A_1163] : memref<832x64xf32, #tpu.memory_space<vmem>>[vector<16xi32>, vector<16xi32>], vector<16xf32>,
        %mul3A_1166 = arith.mulf %gather3A_1165, %gather3A_1164 : vector<16xf32>
        %add3A_1167 = arith.addf %add3A_1144, %mul3A_1166 : vector<16xf32>
        %gather3A_1168 = tpu.vector_load_idx %arg10[%add3A_190, %select_n3A_1163] : memref<832x64xf32, #tpu.memory_space<vmem>>[vector<16xi32>, vector<16xi32>], vector<16xf32>,
        %mul3A_1169 = arith.mulf %gather3A_1168, %gather3A_1164 : vector<16xf32>
        %add3A_1170 = arith.addf %add3A_1147, %mul3A_1169 : vector<16xf32>
        %gather3A_1171 = tpu.vector_load_idx %arg10[%add3A_197, %select_n3A_1163] : memref<832x64xf32, #tpu.memory_space<vmem>>[vector<16xi32>, vector<16xi32>], vector<16xf32>,
        %mul3A_1172 = arith.mulf %gather3A_1171, %gather3A_1164 : vector<16xf32>
        %add3A_1173 = arith.addf %add3A_1150, %mul3A_1172 : vector<16xf32>
        %gather3A_1174 = tpu.vector_load_idx %arg10[%add3A_204, %select_n3A_1163] : memref<832x64xf32, #tpu.memory_space<vmem>>[vector<16xi32>, vector<16xi32>], vector<16xf32>,
        %mul3A_1175 = arith.mulf %gather3A_1174, %gather3A_1164 : vector<16xf32>
        %add3A_1176 = arith.addf %add3A_1153, %mul3A_1175 : vector<16xf32>
        %ge3A_1177 = arith.constant 22 : i32
        %ge3A_1178 = vector.broadcast %ge3A_1177 : i32 to vector<16xi32>
        %ge3A_1179 = arith.cmpi sge, %iota3A, %ge3A_1178 : vector<16xi32>
        %add3A_1180 = arith.constant -22 : i32
        %add3A_1181 = vector.broadcast %add3A_1180 : i32 to vector<16xi32>
        %add3A_1182 = arith.addi %iota3A, %add3A_1181 : vector<16xi32>
        %add3A_1183 = arith.constant 42 : i32
        %add3A_1184 = vector.broadcast %add3A_1183 : i32 to vector<16xi32>
        %add3A_1185 = arith.addi %iota3A, %add3A_1184 : vector<16xi32>
        %select_n3A_1186 = arith.select %ge3A_1179, %add3A_1182, %add3A_1185 : vector<16xi1>, vector<16xi32>
        %gather3A_1187 = tpu.vector_load_idx %arg9[%broadcast_in_dim3A_172, %select_n3A_1186] : memref<16x64xf32, #tpu.memory_space<vmem>>[vector<16xi32>, vector<16xi32>], vector<16xf32>,
        %gather3A_1188 = tpu.vector_load_idx %arg10[%add3A_183, %select_n3A_1186] : memref<832x64xf32, #tpu.memory_space<vmem>>[vector<16xi32>, vector<16xi32>], vector<16xf32>,
        %mul3A_1189 = arith.mulf %gather3A_1188, %gather3A_1187 : vector<16xf32>
        %add3A_1190 = arith.addf %add3A_1167, %mul3A_1189 : vector<16xf32>
        %gather3A_1191 = tpu.vector_load_idx %arg10[%add3A_190, %select_n3A_1186] : memref<832x64xf32, #tpu.memory_space<vmem>>[vector<16xi32>, vector<16xi32>], vector<16xf32>,
        %mul3A_1192 = arith.mulf %gather3A_1191, %gather3A_1187 : vector<16xf32>
        %add3A_1193 = arith.addf %add3A_1170, %mul3A_1192 : vector<16xf32>
        %gather3A_1194 = tpu.vector_load_idx %arg10[%add3A_197, %select_n3A_1186] : memref<832x64xf32, #tpu.memory_space<vmem>>[vector<16xi32>, vector<16xi32>], vector<16xf32>,
        %mul3A_1195 = arith.mulf %gather3A_1194, %gather3A_1187 : vector<16xf32>
        %add3A_1196 = arith.addf %add3A_1173, %mul3A_1195 : vector<16xf32>
        %gather3A_1197 = tpu.vector_load_idx %arg10[%add3A_204, %select_n3A_1186] : memref<832x64xf32, #tpu.memory_space<vmem>>[vector<16xi32>, vector<16xi32>], vector<16xf32>,
        %mul3A_1198 = arith.mulf %gather3A_1197, %gather3A_1187 : vector<16xf32>
        %add3A_1199 = arith.addf %add3A_1176, %mul3A_1198 : vector<16xf32>
        %ge3A_1200 = arith.constant 21 : i32
        %ge3A_1201 = vector.broadcast %ge3A_1200 : i32 to vector<16xi32>
        %ge3A_1202 = arith.cmpi sge, %iota3A, %ge3A_1201 : vector<16xi32>
        %add3A_1203 = arith.constant -21 : i32
        %add3A_1204 = vector.broadcast %add3A_1203 : i32 to vector<16xi32>
        %add3A_1205 = arith.addi %iota3A, %add3A_1204 : vector<16xi32>
        %add3A_1206 = arith.constant 43 : i32
        %add3A_1207 = vector.broadcast %add3A_1206 : i32 to vector<16xi32>
        %add3A_1208 = arith.addi %iota3A, %add3A_1207 : vector<16xi32>
        %select_n3A_1209 = arith.select %ge3A_1202, %add3A_1205, %add3A_1208 : vector<16xi1>, vector<16xi32>
        %gather3A_1210 = tpu.vector_load_idx %arg9[%broadcast_in_dim3A_172, %select_n3A_1209] : memref<16x64xf32, #tpu.memory_space<vmem>>[vector<16xi32>, vector<16xi32>], vector<16xf32>,
        %gather3A_1211 = tpu.vector_load_idx %arg10[%add3A_183, %select_n3A_1209] : memref<832x64xf32, #tpu.memory_space<vmem>>[vector<16xi32>, vector<16xi32>], vector<16xf32>,
        %mul3A_1212 = arith.mulf %gather3A_1211, %gather3A_1210 : vector<16xf32>
        %add3A_1213 = arith.addf %add3A_1190, %mul3A_1212 : vector<16xf32>
        %gather3A_1214 = tpu.vector_load_idx %arg10[%add3A_190, %select_n3A_1209] : memref<832x64xf32, #tpu.memory_space<vmem>>[vector<16xi32>, vector<16xi32>], vector<16xf32>,
        %mul3A_1215 = arith.mulf %gather3A_1214, %gather3A_1210 : vector<16xf32>
        %add3A_1216 = arith.addf %add3A_1193, %mul3A_1215 : vector<16xf32>
        %gather3A_1217 = tpu.vector_load_idx %arg10[%add3A_197, %select_n3A_1209] : memref<832x64xf32, #tpu.memory_space<vmem>>[vector<16xi32>, vector<16xi32>], vector<16xf32>,
        %mul3A_1218 = arith.mulf %gather3A_1217, %gather3A_1210 : vector<16xf32>
        %add3A_1219 = arith.addf %add3A_1196, %mul3A_1218 : vector<16xf32>
        %gather3A_1220 = tpu.vector_load_idx %arg10[%add3A_204, %select_n3A_1209] : memref<832x64xf32, #tpu.memory_space<vmem>>[vector<16xi32>, vector<16xi32>], vector<16xf32>,
        %mul3A_1221 = arith.mulf %gather3A_1220, %gather3A_1210 : vector<16xf32>
        %add3A_1222 = arith.addf %add3A_1199, %mul3A_1221 : vector<16xf32>
        %ge3A_1223 = arith.constant 20 : i32
        %ge3A_1224 = vector.broadcast %ge3A_1223 : i32 to vector<16xi32>
        %ge3A_1225 = arith.cmpi sge, %iota3A, %ge3A_1224 : vector<16xi32>
        %add3A_1226 = arith.constant -20 : i32
        %add3A_1227 = vector.broadcast %add3A_1226 : i32 to vector<16xi32>
        %add3A_1228 = arith.addi %iota3A, %add3A_1227 : vector<16xi32>
        %add3A_1229 = arith.constant 44 : i32
        %add3A_1230 = vector.broadcast %add3A_1229 : i32 to vector<16xi32>
        %add3A_1231 = arith.addi %iota3A, %add3A_1230 : vector<16xi32>
        %select_n3A_1232 = arith.select %ge3A_1225, %add3A_1228, %add3A_1231 : vector<16xi1>, vector<16xi32>
        %gather3A_1233 = tpu.vector_load_idx %arg9[%broadcast_in_dim3A_172, %select_n3A_1232] : memref<16x64xf32, #tpu.memory_space<vmem>>[vector<16xi32>, vector<16xi32>], vector<16xf32>,
        %gather3A_1234 = tpu.vector_load_idx %arg10[%add3A_183, %select_n3A_1232] : memref<832x64xf32, #tpu.memory_space<vmem>>[vector<16xi32>, vector<16xi32>], vector<16xf32>,
        %mul3A_1235 = arith.mulf %gather3A_1234, %gather3A_1233 : vector<16xf32>
        %add3A_1236 = arith.addf %add3A_1213, %mul3A_1235 : vector<16xf32>
        %gather3A_1237 = tpu.vector_load_idx %arg10[%add3A_190, %select_n3A_1232] : memref<832x64xf32, #tpu.memory_space<vmem>>[vector<16xi32>, vector<16xi32>], vector<16xf32>,
        %mul3A_1238 = arith.mulf %gather3A_1237, %gather3A_1233 : vector<16xf32>
        %add3A_1239 = arith.addf %add3A_1216, %mul3A_1238 : vector<16xf32>
        %gather3A_1240 = tpu.vector_load_idx %arg10[%add3A_197, %select_n3A_1232] : memref<832x64xf32, #tpu.memory_space<vmem>>[vector<16xi32>, vector<16xi32>], vector<16xf32>,
        %mul3A_1241 = arith.mulf %gather3A_1240, %gather3A_1233 : vector<16xf32>
        %add3A_1242 = arith.addf %add3A_1219, %mul3A_1241 : vector<16xf32>
        %gather3A_1243 = tpu.vector_load_idx %arg10[%add3A_204, %select_n3A_1232] : memref<832x64xf32, #tpu.memory_space<vmem>>[vector<16xi32>, vector<16xi32>], vector<16xf32>,
        %mul3A_1244 = arith.mulf %gather3A_1243, %gather3A_1233 : vector<16xf32>
        %add3A_1245 = arith.addf %add3A_1222, %mul3A_1244 : vector<16xf32>
        %ge3A_1246 = arith.constant 19 : i32
        %ge3A_1247 = vector.broadcast %ge3A_1246 : i32 to vector<16xi32>
        %ge3A_1248 = arith.cmpi sge, %iota3A, %ge3A_1247 : vector<16xi32>
        %add3A_1249 = arith.constant -19 : i32
        %add3A_1250 = vector.broadcast %add3A_1249 : i32 to vector<16xi32>
        %add3A_1251 = arith.addi %iota3A, %add3A_1250 : vector<16xi32>
        %add3A_1252 = arith.constant 45 : i32
        %add3A_1253 = vector.broadcast %add3A_1252 : i32 to vector<16xi32>
        %add3A_1254 = arith.addi %iota3A, %add3A_1253 : vector<16xi32>
        %select_n3A_1255 = arith.select %ge3A_1248, %add3A_1251, %add3A_1254 : vector<16xi1>, vector<16xi32>
        %gather3A_1256 = tpu.vector_load_idx %arg9[%broadcast_in_dim3A_172, %select_n3A_1255] : memref<16x64xf32, #tpu.memory_space<vmem>>[vector<16xi32>, vector<16xi32>], vector<16xf32>,
        %gather3A_1257 = tpu.vector_load_idx %arg10[%add3A_183, %select_n3A_1255] : memref<832x64xf32, #tpu.memory_space<vmem>>[vector<16xi32>, vector<16xi32>], vector<16xf32>,
        %mul3A_1258 = arith.mulf %gather3A_1257, %gather3A_1256 : vector<16xf32>
        %add3A_1259 = arith.addf %add3A_1236, %mul3A_1258 : vector<16xf32>
        %gather3A_1260 = tpu.vector_load_idx %arg10[%add3A_190, %select_n3A_1255] : memref<832x64xf32, #tpu.memory_space<vmem>>[vector<16xi32>, vector<16xi32>], vector<16xf32>,
        %mul3A_1261 = arith.mulf %gather3A_1260, %gather3A_1256 : vector<16xf32>
        %add3A_1262 = arith.addf %add3A_1239, %mul3A_1261 : vector<16xf32>
        %gather3A_1263 = tpu.vector_load_idx %arg10[%add3A_197, %select_n3A_1255] : memref<832x64xf32, #tpu.memory_space<vmem>>[vector<16xi32>, vector<16xi32>], vector<16xf32>,
        %mul3A_1264 = arith.mulf %gather3A_1263, %gather3A_1256 : vector<16xf32>
        %add3A_1265 = arith.addf %add3A_1242, %mul3A_1264 : vector<16xf32>
        %gather3A_1266 = tpu.vector_load_idx %arg10[%add3A_204, %select_n3A_1255] : memref<832x64xf32, #tpu.memory_space<vmem>>[vector<16xi32>, vector<16xi32>], vector<16xf32>,
        %mul3A_1267 = arith.mulf %gather3A_1266, %gather3A_1256 : vector<16xf32>
        %add3A_1268 = arith.addf %add3A_1245, %mul3A_1267 : vector<16xf32>
        %ge3A_1269 = arith.constant 18 : i32
        %ge3A_1270 = vector.broadcast %ge3A_1269 : i32 to vector<16xi32>
        %ge3A_1271 = arith.cmpi sge, %iota3A, %ge3A_1270 : vector<16xi32>
        %add3A_1272 = arith.constant -18 : i32
        %add3A_1273 = vector.broadcast %add3A_1272 : i32 to vector<16xi32>
        %add3A_1274 = arith.addi %iota3A, %add3A_1273 : vector<16xi32>
        %add3A_1275 = arith.constant 46 : i32
        %add3A_1276 = vector.broadcast %add3A_1275 : i32 to vector<16xi32>
        %add3A_1277 = arith.addi %iota3A, %add3A_1276 : vector<16xi32>
        %select_n3A_1278 = arith.select %ge3A_1271, %add3A_1274, %add3A_1277 : vector<16xi1>, vector<16xi32>
        %gather3A_1279 = tpu.vector_load_idx %arg9[%broadcast_in_dim3A_172, %select_n3A_1278] : memref<16x64xf32, #tpu.memory_space<vmem>>[vector<16xi32>, vector<16xi32>], vector<16xf32>,
        %gather3A_1280 = tpu.vector_load_idx %arg10[%add3A_183, %select_n3A_1278] : memref<832x64xf32, #tpu.memory_space<vmem>>[vector<16xi32>, vector<16xi32>], vector<16xf32>,
        %mul3A_1281 = arith.mulf %gather3A_1280, %gather3A_1279 : vector<16xf32>
        %add3A_1282 = arith.addf %add3A_1259, %mul3A_1281 : vector<16xf32>
        %gather3A_1283 = tpu.vector_load_idx %arg10[%add3A_190, %select_n3A_1278] : memref<832x64xf32, #tpu.memory_space<vmem>>[vector<16xi32>, vector<16xi32>], vector<16xf32>,
        %mul3A_1284 = arith.mulf %gather3A_1283, %gather3A_1279 : vector<16xf32>
        %add3A_1285 = arith.addf %add3A_1262, %mul3A_1284 : vector<16xf32>
        %gather3A_1286 = tpu.vector_load_idx %arg10[%add3A_197, %select_n3A_1278] : memref<832x64xf32, #tpu.memory_space<vmem>>[vector<16xi32>, vector<16xi32>], vector<16xf32>,
        %mul3A_1287 = arith.mulf %gather3A_1286, %gather3A_1279 : vector<16xf32>
        %add3A_1288 = arith.addf %add3A_1265, %mul3A_1287 : vector<16xf32>
        %gather3A_1289 = tpu.vector_load_idx %arg10[%add3A_204, %select_n3A_1278] : memref<832x64xf32, #tpu.memory_space<vmem>>[vector<16xi32>, vector<16xi32>], vector<16xf32>,
        %mul3A_1290 = arith.mulf %gather3A_1289, %gather3A_1279 : vector<16xf32>
        %add3A_1291 = arith.addf %add3A_1268, %mul3A_1290 : vector<16xf32>
        %ge3A_1292 = arith.constant 17 : i32
        %ge3A_1293 = vector.broadcast %ge3A_1292 : i32 to vector<16xi32>
        %ge3A_1294 = arith.cmpi sge, %iota3A, %ge3A_1293 : vector<16xi32>
        %add3A_1295 = arith.constant -17 : i32
        %add3A_1296 = vector.broadcast %add3A_1295 : i32 to vector<16xi32>
        %add3A_1297 = arith.addi %iota3A, %add3A_1296 : vector<16xi32>
        %add3A_1298 = arith.constant 47 : i32
        %add3A_1299 = vector.broadcast %add3A_1298 : i32 to vector<16xi32>
        %add3A_1300 = arith.addi %iota3A, %add3A_1299 : vector<16xi32>
        %select_n3A_1301 = arith.select %ge3A_1294, %add3A_1297, %add3A_1300 : vector<16xi1>, vector<16xi32>
        %gather3A_1302 = tpu.vector_load_idx %arg9[%broadcast_in_dim3A_172, %select_n3A_1301] : memref<16x64xf32, #tpu.memory_space<vmem>>[vector<16xi32>, vector<16xi32>], vector<16xf32>,
        %gather3A_1303 = tpu.vector_load_idx %arg10[%add3A_183, %select_n3A_1301] : memref<832x64xf32, #tpu.memory_space<vmem>>[vector<16xi32>, vector<16xi32>], vector<16xf32>,
        %mul3A_1304 = arith.mulf %gather3A_1303, %gather3A_1302 : vector<16xf32>
        %add3A_1305 = arith.addf %add3A_1282, %mul3A_1304 : vector<16xf32>
        %gather3A_1306 = tpu.vector_load_idx %arg10[%add3A_190, %select_n3A_1301] : memref<832x64xf32, #tpu.memory_space<vmem>>[vector<16xi32>, vector<16xi32>], vector<16xf32>,
        %mul3A_1307 = arith.mulf %gather3A_1306, %gather3A_1302 : vector<16xf32>
        %add3A_1308 = arith.addf %add3A_1285, %mul3A_1307 : vector<16xf32>
        %gather3A_1309 = tpu.vector_load_idx %arg10[%add3A_197, %select_n3A_1301] : memref<832x64xf32, #tpu.memory_space<vmem>>[vector<16xi32>, vector<16xi32>], vector<16xf32>,
        %mul3A_1310 = arith.mulf %gather3A_1309, %gather3A_1302 : vector<16xf32>
        %add3A_1311 = arith.addf %add3A_1288, %mul3A_1310 : vector<16xf32>
        %gather3A_1312 = tpu.vector_load_idx %arg10[%add3A_204, %select_n3A_1301] : memref<832x64xf32, #tpu.memory_space<vmem>>[vector<16xi32>, vector<16xi32>], vector<16xf32>,
        %mul3A_1313 = arith.mulf %gather3A_1312, %gather3A_1302 : vector<16xf32>
        %add3A_1314 = arith.addf %add3A_1291, %mul3A_1313 : vector<16xf32>
        %ge3A_1315 = arith.constant 16 : i32
        %ge3A_1316 = vector.broadcast %ge3A_1315 : i32 to vector<16xi32>
        %ge3A_1317 = arith.cmpi sge, %iota3A, %ge3A_1316 : vector<16xi32>
        %add3A_1318 = arith.constant -16 : i32
        %add3A_1319 = vector.broadcast %add3A_1318 : i32 to vector<16xi32>
        %add3A_1320 = arith.addi %iota3A, %add3A_1319 : vector<16xi32>
        %add3A_1321 = arith.constant 48 : i32
        %add3A_1322 = vector.broadcast %add3A_1321 : i32 to vector<16xi32>
        %add3A_1323 = arith.addi %iota3A, %add3A_1322 : vector<16xi32>
        %select_n3A_1324 = arith.select %ge3A_1317, %add3A_1320, %add3A_1323 : vector<16xi1>, vector<16xi32>
        %gather3A_1325 = tpu.vector_load_idx %arg9[%broadcast_in_dim3A_172, %select_n3A_1324] : memref<16x64xf32, #tpu.memory_space<vmem>>[vector<16xi32>, vector<16xi32>], vector<16xf32>,
        %gather3A_1326 = tpu.vector_load_idx %arg10[%add3A_183, %select_n3A_1324] : memref<832x64xf32, #tpu.memory_space<vmem>>[vector<16xi32>, vector<16xi32>], vector<16xf32>,
        %mul3A_1327 = arith.mulf %gather3A_1326, %gather3A_1325 : vector<16xf32>
        %add3A_1328 = arith.addf %add3A_1305, %mul3A_1327 : vector<16xf32>
        %gather3A_1329 = tpu.vector_load_idx %arg10[%add3A_190, %select_n3A_1324] : memref<832x64xf32, #tpu.memory_space<vmem>>[vector<16xi32>, vector<16xi32>], vector<16xf32>,
        %mul3A_1330 = arith.mulf %gather3A_1329, %gather3A_1325 : vector<16xf32>
        %add3A_1331 = arith.addf %add3A_1308, %mul3A_1330 : vector<16xf32>
        %gather3A_1332 = tpu.vector_load_idx %arg10[%add3A_197, %select_n3A_1324] : memref<832x64xf32, #tpu.memory_space<vmem>>[vector<16xi32>, vector<16xi32>], vector<16xf32>,
        %mul3A_1333 = arith.mulf %gather3A_1332, %gather3A_1325 : vector<16xf32>
        %add3A_1334 = arith.addf %add3A_1311, %mul3A_1333 : vector<16xf32>
        %gather3A_1335 = tpu.vector_load_idx %arg10[%add3A_204, %select_n3A_1324] : memref<832x64xf32, #tpu.memory_space<vmem>>[vector<16xi32>, vector<16xi32>], vector<16xf32>,
        %mul3A_1336 = arith.mulf %gather3A_1335, %gather3A_1325 : vector<16xf32>
        %add3A_1337 = arith.addf %add3A_1314, %mul3A_1336 : vector<16xf32>
        %ge3A_1338 = arith.constant 15 : i32
        %ge3A_1339 = vector.broadcast %ge3A_1338 : i32 to vector<16xi32>
        %ge3A_1340 = arith.cmpi sge, %iota3A, %ge3A_1339 : vector<16xi32>
        %add3A_1341 = arith.constant -15 : i32
        %add3A_1342 = vector.broadcast %add3A_1341 : i32 to vector<16xi32>
        %add3A_1343 = arith.addi %iota3A, %add3A_1342 : vector<16xi32>
        %add3A_1344 = arith.constant 49 : i32
        %add3A_1345 = vector.broadcast %add3A_1344 : i32 to vector<16xi32>
        %add3A_1346 = arith.addi %iota3A, %add3A_1345 : vector<16xi32>
        %select_n3A_1347 = arith.select %ge3A_1340, %add3A_1343, %add3A_1346 : vector<16xi1>, vector<16xi32>
        %gather3A_1348 = tpu.vector_load_idx %arg9[%broadcast_in_dim3A_172, %select_n3A_1347] : memref<16x64xf32, #tpu.memory_space<vmem>>[vector<16xi32>, vector<16xi32>], vector<16xf32>,
        %gather3A_1349 = tpu.vector_load_idx %arg10[%add3A_183, %select_n3A_1347] : memref<832x64xf32, #tpu.memory_space<vmem>>[vector<16xi32>, vector<16xi32>], vector<16xf32>,
        %mul3A_1350 = arith.mulf %gather3A_1349, %gather3A_1348 : vector<16xf32>
        %add3A_1351 = arith.addf %add3A_1328, %mul3A_1350 : vector<16xf32>
        %gather3A_1352 = tpu.vector_load_idx %arg10[%add3A_190, %select_n3A_1347] : memref<832x64xf32, #tpu.memory_space<vmem>>[vector<16xi32>, vector<16xi32>], vector<16xf32>,
        %mul3A_1353 = arith.mulf %gather3A_1352, %gather3A_1348 : vector<16xf32>
        %add3A_1354 = arith.addf %add3A_1331, %mul3A_1353 : vector<16xf32>
        %gather3A_1355 = tpu.vector_load_idx %arg10[%add3A_197, %select_n3A_1347] : memref<832x64xf32, #tpu.memory_space<vmem>>[vector<16xi32>, vector<16xi32>], vector<16xf32>,
        %mul3A_1356 = arith.mulf %gather3A_1355, %gather3A_1348 : vector<16xf32>
        %add3A_1357 = arith.addf %add3A_1334, %mul3A_1356 : vector<16xf32>
        %gather3A_1358 = tpu.vector_load_idx %arg10[%add3A_204, %select_n3A_1347] : memref<832x64xf32, #tpu.memory_space<vmem>>[vector<16xi32>, vector<16xi32>], vector<16xf32>,
        %mul3A_1359 = arith.mulf %gather3A_1358, %gather3A_1348 : vector<16xf32>
        %add3A_1360 = arith.addf %add3A_1337, %mul3A_1359 : vector<16xf32>
        %ge3A_1361 = arith.constant 14 : i32
        %ge3A_1362 = vector.broadcast %ge3A_1361 : i32 to vector<16xi32>
        %ge3A_1363 = arith.cmpi sge, %iota3A, %ge3A_1362 : vector<16xi32>
        %add3A_1364 = arith.constant -14 : i32
        %add3A_1365 = vector.broadcast %add3A_1364 : i32 to vector<16xi32>
        %add3A_1366 = arith.addi %iota3A, %add3A_1365 : vector<16xi32>
        %add3A_1367 = arith.constant 50 : i32
        %add3A_1368 = vector.broadcast %add3A_1367 : i32 to vector<16xi32>
        %add3A_1369 = arith.addi %iota3A, %add3A_1368 : vector<16xi32>
        %select_n3A_1370 = arith.select %ge3A_1363, %add3A_1366, %add3A_1369 : vector<16xi1>, vector<16xi32>
        %gather3A_1371 = tpu.vector_load_idx %arg9[%broadcast_in_dim3A_172, %select_n3A_1370] : memref<16x64xf32, #tpu.memory_space<vmem>>[vector<16xi32>, vector<16xi32>], vector<16xf32>,
        %gather3A_1372 = tpu.vector_load_idx %arg10[%add3A_183, %select_n3A_1370] : memref<832x64xf32, #tpu.memory_space<vmem>>[vector<16xi32>, vector<16xi32>], vector<16xf32>,
        %mul3A_1373 = arith.mulf %gather3A_1372, %gather3A_1371 : vector<16xf32>
        %add3A_1374 = arith.addf %add3A_1351, %mul3A_1373 : vector<16xf32>
        %gather3A_1375 = tpu.vector_load_idx %arg10[%add3A_190, %select_n3A_1370] : memref<832x64xf32, #tpu.memory_space<vmem>>[vector<16xi32>, vector<16xi32>], vector<16xf32>,
        %mul3A_1376 = arith.mulf %gather3A_1375, %gather3A_1371 : vector<16xf32>
        %add3A_1377 = arith.addf %add3A_1354, %mul3A_1376 : vector<16xf32>
        %gather3A_1378 = tpu.vector_load_idx %arg10[%add3A_197, %select_n3A_1370] : memref<832x64xf32, #tpu.memory_space<vmem>>[vector<16xi32>, vector<16xi32>], vector<16xf32>,
        %mul3A_1379 = arith.mulf %gather3A_1378, %gather3A_1371 : vector<16xf32>
        %add3A_1380 = arith.addf %add3A_1357, %mul3A_1379 : vector<16xf32>
        %gather3A_1381 = tpu.vector_load_idx %arg10[%add3A_204, %select_n3A_1370] : memref<832x64xf32, #tpu.memory_space<vmem>>[vector<16xi32>, vector<16xi32>], vector<16xf32>,
        %mul3A_1382 = arith.mulf %gather3A_1381, %gather3A_1371 : vector<16xf32>
        %add3A_1383 = arith.addf %add3A_1360, %mul3A_1382 : vector<16xf32>
        %ge3A_1384 = arith.constant 13 : i32
        %ge3A_1385 = vector.broadcast %ge3A_1384 : i32 to vector<16xi32>
        %ge3A_1386 = arith.cmpi sge, %iota3A, %ge3A_1385 : vector<16xi32>
        %add3A_1387 = arith.constant -13 : i32
        %add3A_1388 = vector.broadcast %add3A_1387 : i32 to vector<16xi32>
        %add3A_1389 = arith.addi %iota3A, %add3A_1388 : vector<16xi32>
        %add3A_1390 = arith.constant 51 : i32
        %add3A_1391 = vector.broadcast %add3A_1390 : i32 to vector<16xi32>
        %add3A_1392 = arith.addi %iota3A, %add3A_1391 : vector<16xi32>
        %select_n3A_1393 = arith.select %ge3A_1386, %add3A_1389, %add3A_1392 : vector<16xi1>, vector<16xi32>
        %gather3A_1394 = tpu.vector_load_idx %arg9[%broadcast_in_dim3A_172, %select_n3A_1393] : memref<16x64xf32, #tpu.memory_space<vmem>>[vector<16xi32>, vector<16xi32>], vector<16xf32>,
        %gather3A_1395 = tpu.vector_load_idx %arg10[%add3A_183, %select_n3A_1393] : memref<832x64xf32, #tpu.memory_space<vmem>>[vector<16xi32>, vector<16xi32>], vector<16xf32>,
        %mul3A_1396 = arith.mulf %gather3A_1395, %gather3A_1394 : vector<16xf32>
        %add3A_1397 = arith.addf %add3A_1374, %mul3A_1396 : vector<16xf32>
        %gather3A_1398 = tpu.vector_load_idx %arg10[%add3A_190, %select_n3A_1393] : memref<832x64xf32, #tpu.memory_space<vmem>>[vector<16xi32>, vector<16xi32>], vector<16xf32>,
        %mul3A_1399 = arith.mulf %gather3A_1398, %gather3A_1394 : vector<16xf32>
        %add3A_1400 = arith.addf %add3A_1377, %mul3A_1399 : vector<16xf32>
        %gather3A_1401 = tpu.vector_load_idx %arg10[%add3A_197, %select_n3A_1393] : memref<832x64xf32, #tpu.memory_space<vmem>>[vector<16xi32>, vector<16xi32>], vector<16xf32>,
        %mul3A_1402 = arith.mulf %gather3A_1401, %gather3A_1394 : vector<16xf32>
        %add3A_1403 = arith.addf %add3A_1380, %mul3A_1402 : vector<16xf32>
        %gather3A_1404 = tpu.vector_load_idx %arg10[%add3A_204, %select_n3A_1393] : memref<832x64xf32, #tpu.memory_space<vmem>>[vector<16xi32>, vector<16xi32>], vector<16xf32>,
        %mul3A_1405 = arith.mulf %gather3A_1404, %gather3A_1394 : vector<16xf32>
        %add3A_1406 = arith.addf %add3A_1383, %mul3A_1405 : vector<16xf32>
        %ge3A_1407 = arith.constant 12 : i32
        %ge3A_1408 = vector.broadcast %ge3A_1407 : i32 to vector<16xi32>
        %ge3A_1409 = arith.cmpi sge, %iota3A, %ge3A_1408 : vector<16xi32>
        %add3A_1410 = arith.constant -12 : i32
        %add3A_1411 = vector.broadcast %add3A_1410 : i32 to vector<16xi32>
        %add3A_1412 = arith.addi %iota3A, %add3A_1411 : vector<16xi32>
        %add3A_1413 = arith.constant 52 : i32
        %add3A_1414 = vector.broadcast %add3A_1413 : i32 to vector<16xi32>
        %add3A_1415 = arith.addi %iota3A, %add3A_1414 : vector<16xi32>
        %select_n3A_1416 = arith.select %ge3A_1409, %add3A_1412, %add3A_1415 : vector<16xi1>, vector<16xi32>
        %gather3A_1417 = tpu.vector_load_idx %arg9[%broadcast_in_dim3A_172, %select_n3A_1416] : memref<16x64xf32, #tpu.memory_space<vmem>>[vector<16xi32>, vector<16xi32>], vector<16xf32>,
        %gather3A_1418 = tpu.vector_load_idx %arg10[%add3A_183, %select_n3A_1416] : memref<832x64xf32, #tpu.memory_space<vmem>>[vector<16xi32>, vector<16xi32>], vector<16xf32>,
        %mul3A_1419 = arith.mulf %gather3A_1418, %gather3A_1417 : vector<16xf32>
        %add3A_1420 = arith.addf %add3A_1397, %mul3A_1419 : vector<16xf32>
        %gather3A_1421 = tpu.vector_load_idx %arg10[%add3A_190, %select_n3A_1416] : memref<832x64xf32, #tpu.memory_space<vmem>>[vector<16xi32>, vector<16xi32>], vector<16xf32>,
        %mul3A_1422 = arith.mulf %gather3A_1421, %gather3A_1417 : vector<16xf32>
        %add3A_1423 = arith.addf %add3A_1400, %mul3A_1422 : vector<16xf32>
        %gather3A_1424 = tpu.vector_load_idx %arg10[%add3A_197, %select_n3A_1416] : memref<832x64xf32, #tpu.memory_space<vmem>>[vector<16xi32>, vector<16xi32>], vector<16xf32>,
        %mul3A_1425 = arith.mulf %gather3A_1424, %gather3A_1417 : vector<16xf32>
        %add3A_1426 = arith.addf %add3A_1403, %mul3A_1425 : vector<16xf32>
        %gather3A_1427 = tpu.vector_load_idx %arg10[%add3A_204, %select_n3A_1416] : memref<832x64xf32, #tpu.memory_space<vmem>>[vector<16xi32>, vector<16xi32>], vector<16xf32>,
        %mul3A_1428 = arith.mulf %gather3A_1427, %gather3A_1417 : vector<16xf32>
        %add3A_1429 = arith.addf %add3A_1406, %mul3A_1428 : vector<16xf32>
        %ge3A_1430 = arith.constant 11 : i32
        %ge3A_1431 = vector.broadcast %ge3A_1430 : i32 to vector<16xi32>
        %ge3A_1432 = arith.cmpi sge, %iota3A, %ge3A_1431 : vector<16xi32>
        %add3A_1433 = arith.constant -11 : i32
        %add3A_1434 = vector.broadcast %add3A_1433 : i32 to vector<16xi32>
        %add3A_1435 = arith.addi %iota3A, %add3A_1434 : vector<16xi32>
        %add3A_1436 = arith.constant 53 : i32
        %add3A_1437 = vector.broadcast %add3A_1436 : i32 to vector<16xi32>
        %add3A_1438 = arith.addi %iota3A, %add3A_1437 : vector<16xi32>
        %select_n3A_1439 = arith.select %ge3A_1432, %add3A_1435, %add3A_1438 : vector<16xi1>, vector<16xi32>
        %gather3A_1440 = tpu.vector_load_idx %arg9[%broadcast_in_dim3A_172, %select_n3A_1439] : memref<16x64xf32, #tpu.memory_space<vmem>>[vector<16xi32>, vector<16xi32>], vector<16xf32>,
        %gather3A_1441 = tpu.vector_load_idx %arg10[%add3A_183, %select_n3A_1439] : memref<832x64xf32, #tpu.memory_space<vmem>>[vector<16xi32>, vector<16xi32>], vector<16xf32>,
        %mul3A_1442 = arith.mulf %gather3A_1441, %gather3A_1440 : vector<16xf32>
        %add3A_1443 = arith.addf %add3A_1420, %mul3A_1442 : vector<16xf32>
        %gather3A_1444 = tpu.vector_load_idx %arg10[%add3A_190, %select_n3A_1439] : memref<832x64xf32, #tpu.memory_space<vmem>>[vector<16xi32>, vector<16xi32>], vector<16xf32>,
        %mul3A_1445 = arith.mulf %gather3A_1444, %gather3A_1440 : vector<16xf32>
        %add3A_1446 = arith.addf %add3A_1423, %mul3A_1445 : vector<16xf32>
        %gather3A_1447 = tpu.vector_load_idx %arg10[%add3A_197, %select_n3A_1439] : memref<832x64xf32, #tpu.memory_space<vmem>>[vector<16xi32>, vector<16xi32>], vector<16xf32>,
        %mul3A_1448 = arith.mulf %gather3A_1447, %gather3A_1440 : vector<16xf32>
        %add3A_1449 = arith.addf %add3A_1426, %mul3A_1448 : vector<16xf32>
        %gather3A_1450 = tpu.vector_load_idx %arg10[%add3A_204, %select_n3A_1439] : memref<832x64xf32, #tpu.memory_space<vmem>>[vector<16xi32>, vector<16xi32>], vector<16xf32>,
        %mul3A_1451 = arith.mulf %gather3A_1450, %gather3A_1440 : vector<16xf32>
        %add3A_1452 = arith.addf %add3A_1429, %mul3A_1451 : vector<16xf32>
        %ge3A_1453 = arith.constant 10 : i32
        %ge3A_1454 = vector.broadcast %ge3A_1453 : i32 to vector<16xi32>
        %ge3A_1455 = arith.cmpi sge, %iota3A, %ge3A_1454 : vector<16xi32>
        %add3A_1456 = arith.constant -10 : i32
        %add3A_1457 = vector.broadcast %add3A_1456 : i32 to vector<16xi32>
        %add3A_1458 = arith.addi %iota3A, %add3A_1457 : vector<16xi32>
        %add3A_1459 = arith.constant 54 : i32
        %add3A_1460 = vector.broadcast %add3A_1459 : i32 to vector<16xi32>
        %add3A_1461 = arith.addi %iota3A, %add3A_1460 : vector<16xi32>
        %select_n3A_1462 = arith.select %ge3A_1455, %add3A_1458, %add3A_1461 : vector<16xi1>, vector<16xi32>
        %gather3A_1463 = tpu.vector_load_idx %arg9[%broadcast_in_dim3A_172, %select_n3A_1462] : memref<16x64xf32, #tpu.memory_space<vmem>>[vector<16xi32>, vector<16xi32>], vector<16xf32>,
        %gather3A_1464 = tpu.vector_load_idx %arg10[%add3A_183, %select_n3A_1462] : memref<832x64xf32, #tpu.memory_space<vmem>>[vector<16xi32>, vector<16xi32>], vector<16xf32>,
        %mul3A_1465 = arith.mulf %gather3A_1464, %gather3A_1463 : vector<16xf32>
        %add3A_1466 = arith.addf %add3A_1443, %mul3A_1465 : vector<16xf32>
        %gather3A_1467 = tpu.vector_load_idx %arg10[%add3A_190, %select_n3A_1462] : memref<832x64xf32, #tpu.memory_space<vmem>>[vector<16xi32>, vector<16xi32>], vector<16xf32>,
        %mul3A_1468 = arith.mulf %gather3A_1467, %gather3A_1463 : vector<16xf32>
        %add3A_1469 = arith.addf %add3A_1446, %mul3A_1468 : vector<16xf32>
        %gather3A_1470 = tpu.vector_load_idx %arg10[%add3A_197, %select_n3A_1462] : memref<832x64xf32, #tpu.memory_space<vmem>>[vector<16xi32>, vector<16xi32>], vector<16xf32>,
        %mul3A_1471 = arith.mulf %gather3A_1470, %gather3A_1463 : vector<16xf32>
        %add3A_1472 = arith.addf %add3A_1449, %mul3A_1471 : vector<16xf32>
        %gather3A_1473 = tpu.vector_load_idx %arg10[%add3A_204, %select_n3A_1462] : memref<832x64xf32, #tpu.memory_space<vmem>>[vector<16xi32>, vector<16xi32>], vector<16xf32>,
        %mul3A_1474 = arith.mulf %gather3A_1473, %gather3A_1463 : vector<16xf32>
        %add3A_1475 = arith.addf %add3A_1452, %mul3A_1474 : vector<16xf32>
        %ge3A_1476 = arith.constant 9 : i32
        %ge3A_1477 = vector.broadcast %ge3A_1476 : i32 to vector<16xi32>
        %ge3A_1478 = arith.cmpi sge, %iota3A, %ge3A_1477 : vector<16xi32>
        %add3A_1479 = arith.constant -9 : i32
        %add3A_1480 = vector.broadcast %add3A_1479 : i32 to vector<16xi32>
        %add3A_1481 = arith.addi %iota3A, %add3A_1480 : vector<16xi32>
        %add3A_1482 = arith.constant 55 : i32
        %add3A_1483 = vector.broadcast %add3A_1482 : i32 to vector<16xi32>
        %add3A_1484 = arith.addi %iota3A, %add3A_1483 : vector<16xi32>
        %select_n3A_1485 = arith.select %ge3A_1478, %add3A_1481, %add3A_1484 : vector<16xi1>, vector<16xi32>
        %gather3A_1486 = tpu.vector_load_idx %arg9[%broadcast_in_dim3A_172, %select_n3A_1485] : memref<16x64xf32, #tpu.memory_space<vmem>>[vector<16xi32>, vector<16xi32>], vector<16xf32>,
        %gather3A_1487 = tpu.vector_load_idx %arg10[%add3A_183, %select_n3A_1485] : memref<832x64xf32, #tpu.memory_space<vmem>>[vector<16xi32>, vector<16xi32>], vector<16xf32>,
        %mul3A_1488 = arith.mulf %gather3A_1487, %gather3A_1486 : vector<16xf32>
        %add3A_1489 = arith.addf %add3A_1466, %mul3A_1488 : vector<16xf32>
        %gather3A_1490 = tpu.vector_load_idx %arg10[%add3A_190, %select_n3A_1485] : memref<832x64xf32, #tpu.memory_space<vmem>>[vector<16xi32>, vector<16xi32>], vector<16xf32>,
        %mul3A_1491 = arith.mulf %gather3A_1490, %gather3A_1486 : vector<16xf32>
        %add3A_1492 = arith.addf %add3A_1469, %mul3A_1491 : vector<16xf32>
        %gather3A_1493 = tpu.vector_load_idx %arg10[%add3A_197, %select_n3A_1485] : memref<832x64xf32, #tpu.memory_space<vmem>>[vector<16xi32>, vector<16xi32>], vector<16xf32>,
        %mul3A_1494 = arith.mulf %gather3A_1493, %gather3A_1486 : vector<16xf32>
        %add3A_1495 = arith.addf %add3A_1472, %mul3A_1494 : vector<16xf32>
        %gather3A_1496 = tpu.vector_load_idx %arg10[%add3A_204, %select_n3A_1485] : memref<832x64xf32, #tpu.memory_space<vmem>>[vector<16xi32>, vector<16xi32>], vector<16xf32>,
        %mul3A_1497 = arith.mulf %gather3A_1496, %gather3A_1486 : vector<16xf32>
        %add3A_1498 = arith.addf %add3A_1475, %mul3A_1497 : vector<16xf32>
        %ge3A_1499 = arith.constant 8 : i32
        %ge3A_1500 = vector.broadcast %ge3A_1499 : i32 to vector<16xi32>
        %ge3A_1501 = arith.cmpi sge, %iota3A, %ge3A_1500 : vector<16xi32>
        %add3A_1502 = arith.constant -8 : i32
        %add3A_1503 = vector.broadcast %add3A_1502 : i32 to vector<16xi32>
        %add3A_1504 = arith.addi %iota3A, %add3A_1503 : vector<16xi32>
        %add3A_1505 = arith.constant 56 : i32
        %add3A_1506 = vector.broadcast %add3A_1505 : i32 to vector<16xi32>
        %add3A_1507 = arith.addi %iota3A, %add3A_1506 : vector<16xi32>
        %select_n3A_1508 = arith.select %ge3A_1501, %add3A_1504, %add3A_1507 : vector<16xi1>, vector<16xi32>
        %gather3A_1509 = tpu.vector_load_idx %arg9[%broadcast_in_dim3A_172, %select_n3A_1508] : memref<16x64xf32, #tpu.memory_space<vmem>>[vector<16xi32>, vector<16xi32>], vector<16xf32>,
        %gather3A_1510 = tpu.vector_load_idx %arg10[%add3A_183, %select_n3A_1508] : memref<832x64xf32, #tpu.memory_space<vmem>>[vector<16xi32>, vector<16xi32>], vector<16xf32>,
        %mul3A_1511 = arith.mulf %gather3A_1510, %gather3A_1509 : vector<16xf32>
        %add3A_1512 = arith.addf %add3A_1489, %mul3A_1511 : vector<16xf32>
        %gather3A_1513 = tpu.vector_load_idx %arg10[%add3A_190, %select_n3A_1508] : memref<832x64xf32, #tpu.memory_space<vmem>>[vector<16xi32>, vector<16xi32>], vector<16xf32>,
        %mul3A_1514 = arith.mulf %gather3A_1513, %gather3A_1509 : vector<16xf32>
        %add3A_1515 = arith.addf %add3A_1492, %mul3A_1514 : vector<16xf32>
        %gather3A_1516 = tpu.vector_load_idx %arg10[%add3A_197, %select_n3A_1508] : memref<832x64xf32, #tpu.memory_space<vmem>>[vector<16xi32>, vector<16xi32>], vector<16xf32>,
        %mul3A_1517 = arith.mulf %gather3A_1516, %gather3A_1509 : vector<16xf32>
        %add3A_1518 = arith.addf %add3A_1495, %mul3A_1517 : vector<16xf32>
        %gather3A_1519 = tpu.vector_load_idx %arg10[%add3A_204, %select_n3A_1508] : memref<832x64xf32, #tpu.memory_space<vmem>>[vector<16xi32>, vector<16xi32>], vector<16xf32>,
        %mul3A_1520 = arith.mulf %gather3A_1519, %gather3A_1509 : vector<16xf32>
        %add3A_1521 = arith.addf %add3A_1498, %mul3A_1520 : vector<16xf32>
        %ge3A_1522 = arith.constant 7 : i32
        %ge3A_1523 = vector.broadcast %ge3A_1522 : i32 to vector<16xi32>
        %ge3A_1524 = arith.cmpi sge, %iota3A, %ge3A_1523 : vector<16xi32>
        %add3A_1525 = arith.constant -7 : i32
        %add3A_1526 = vector.broadcast %add3A_1525 : i32 to vector<16xi32>
        %add3A_1527 = arith.addi %iota3A, %add3A_1526 : vector<16xi32>
        %add3A_1528 = arith.constant 57 : i32
        %add3A_1529 = vector.broadcast %add3A_1528 : i32 to vector<16xi32>
        %add3A_1530 = arith.addi %iota3A, %add3A_1529 : vector<16xi32>
        %select_n3A_1531 = arith.select %ge3A_1524, %add3A_1527, %add3A_1530 : vector<16xi1>, vector<16xi32>
        %gather3A_1532 = tpu.vector_load_idx %arg9[%broadcast_in_dim3A_172, %select_n3A_1531] : memref<16x64xf32, #tpu.memory_space<vmem>>[vector<16xi32>, vector<16xi32>], vector<16xf32>,
        %gather3A_1533 = tpu.vector_load_idx %arg10[%add3A_183, %select_n3A_1531] : memref<832x64xf32, #tpu.memory_space<vmem>>[vector<16xi32>, vector<16xi32>], vector<16xf32>,
        %mul3A_1534 = arith.mulf %gather3A_1533, %gather3A_1532 : vector<16xf32>
        %add3A_1535 = arith.addf %add3A_1512, %mul3A_1534 : vector<16xf32>
        %gather3A_1536 = tpu.vector_load_idx %arg10[%add3A_190, %select_n3A_1531] : memref<832x64xf32, #tpu.memory_space<vmem>>[vector<16xi32>, vector<16xi32>], vector<16xf32>,
        %mul3A_1537 = arith.mulf %gather3A_1536, %gather3A_1532 : vector<16xf32>
        %add3A_1538 = arith.addf %add3A_1515, %mul3A_1537 : vector<16xf32>
        %gather3A_1539 = tpu.vector_load_idx %arg10[%add3A_197, %select_n3A_1531] : memref<832x64xf32, #tpu.memory_space<vmem>>[vector<16xi32>, vector<16xi32>], vector<16xf32>,
        %mul3A_1540 = arith.mulf %gather3A_1539, %gather3A_1532 : vector<16xf32>
        %add3A_1541 = arith.addf %add3A_1518, %mul3A_1540 : vector<16xf32>
        %gather3A_1542 = tpu.vector_load_idx %arg10[%add3A_204, %select_n3A_1531] : memref<832x64xf32, #tpu.memory_space<vmem>>[vector<16xi32>, vector<16xi32>], vector<16xf32>,
        %mul3A_1543 = arith.mulf %gather3A_1542, %gather3A_1532 : vector<16xf32>
        %add3A_1544 = arith.addf %add3A_1521, %mul3A_1543 : vector<16xf32>
        %ge3A_1545 = arith.constant 6 : i32
        %ge3A_1546 = vector.broadcast %ge3A_1545 : i32 to vector<16xi32>
        %ge3A_1547 = arith.cmpi sge, %iota3A, %ge3A_1546 : vector<16xi32>
        %add3A_1548 = arith.constant -6 : i32
        %add3A_1549 = vector.broadcast %add3A_1548 : i32 to vector<16xi32>
        %add3A_1550 = arith.addi %iota3A, %add3A_1549 : vector<16xi32>
        %add3A_1551 = arith.constant 58 : i32
        %add3A_1552 = vector.broadcast %add3A_1551 : i32 to vector<16xi32>
        %add3A_1553 = arith.addi %iota3A, %add3A_1552 : vector<16xi32>
        %select_n3A_1554 = arith.select %ge3A_1547, %add3A_1550, %add3A_1553 : vector<16xi1>, vector<16xi32>
        %gather3A_1555 = tpu.vector_load_idx %arg9[%broadcast_in_dim3A_172, %select_n3A_1554] : memref<16x64xf32, #tpu.memory_space<vmem>>[vector<16xi32>, vector<16xi32>], vector<16xf32>,
        %gather3A_1556 = tpu.vector_load_idx %arg10[%add3A_183, %select_n3A_1554] : memref<832x64xf32, #tpu.memory_space<vmem>>[vector<16xi32>, vector<16xi32>], vector<16xf32>,
        %mul3A_1557 = arith.mulf %gather3A_1556, %gather3A_1555 : vector<16xf32>
        %add3A_1558 = arith.addf %add3A_1535, %mul3A_1557 : vector<16xf32>
        %gather3A_1559 = tpu.vector_load_idx %arg10[%add3A_190, %select_n3A_1554] : memref<832x64xf32, #tpu.memory_space<vmem>>[vector<16xi32>, vector<16xi32>], vector<16xf32>,
        %mul3A_1560 = arith.mulf %gather3A_1559, %gather3A_1555 : vector<16xf32>
        %add3A_1561 = arith.addf %add3A_1538, %mul3A_1560 : vector<16xf32>
        %gather3A_1562 = tpu.vector_load_idx %arg10[%add3A_197, %select_n3A_1554] : memref<832x64xf32, #tpu.memory_space<vmem>>[vector<16xi32>, vector<16xi32>], vector<16xf32>,
        %mul3A_1563 = arith.mulf %gather3A_1562, %gather3A_1555 : vector<16xf32>
        %add3A_1564 = arith.addf %add3A_1541, %mul3A_1563 : vector<16xf32>
        %gather3A_1565 = tpu.vector_load_idx %arg10[%add3A_204, %select_n3A_1554] : memref<832x64xf32, #tpu.memory_space<vmem>>[vector<16xi32>, vector<16xi32>], vector<16xf32>,
        %mul3A_1566 = arith.mulf %gather3A_1565, %gather3A_1555 : vector<16xf32>
        %add3A_1567 = arith.addf %add3A_1544, %mul3A_1566 : vector<16xf32>
        %ge3A_1568 = arith.constant 5 : i32
        %ge3A_1569 = vector.broadcast %ge3A_1568 : i32 to vector<16xi32>
        %ge3A_1570 = arith.cmpi sge, %iota3A, %ge3A_1569 : vector<16xi32>
        %add3A_1571 = arith.constant -5 : i32
        %add3A_1572 = vector.broadcast %add3A_1571 : i32 to vector<16xi32>
        %add3A_1573 = arith.addi %iota3A, %add3A_1572 : vector<16xi32>
        %add3A_1574 = arith.constant 59 : i32
        %add3A_1575 = vector.broadcast %add3A_1574 : i32 to vector<16xi32>
        %add3A_1576 = arith.addi %iota3A, %add3A_1575 : vector<16xi32>
        %select_n3A_1577 = arith.select %ge3A_1570, %add3A_1573, %add3A_1576 : vector<16xi1>, vector<16xi32>
        %gather3A_1578 = tpu.vector_load_idx %arg9[%broadcast_in_dim3A_172, %select_n3A_1577] : memref<16x64xf32, #tpu.memory_space<vmem>>[vector<16xi32>, vector<16xi32>], vector<16xf32>,
        %gather3A_1579 = tpu.vector_load_idx %arg10[%add3A_183, %select_n3A_1577] : memref<832x64xf32, #tpu.memory_space<vmem>>[vector<16xi32>, vector<16xi32>], vector<16xf32>,
        %mul3A_1580 = arith.mulf %gather3A_1579, %gather3A_1578 : vector<16xf32>
        %add3A_1581 = arith.addf %add3A_1558, %mul3A_1580 : vector<16xf32>
        %gather3A_1582 = tpu.vector_load_idx %arg10[%add3A_190, %select_n3A_1577] : memref<832x64xf32, #tpu.memory_space<vmem>>[vector<16xi32>, vector<16xi32>], vector<16xf32>,
        %mul3A_1583 = arith.mulf %gather3A_1582, %gather3A_1578 : vector<16xf32>
        %add3A_1584 = arith.addf %add3A_1561, %mul3A_1583 : vector<16xf32>
        %gather3A_1585 = tpu.vector_load_idx %arg10[%add3A_197, %select_n3A_1577] : memref<832x64xf32, #tpu.memory_space<vmem>>[vector<16xi32>, vector<16xi32>], vector<16xf32>,
        %mul3A_1586 = arith.mulf %gather3A_1585, %gather3A_1578 : vector<16xf32>
        %add3A_1587 = arith.addf %add3A_1564, %mul3A_1586 : vector<16xf32>
        %gather3A_1588 = tpu.vector_load_idx %arg10[%add3A_204, %select_n3A_1577] : memref<832x64xf32, #tpu.memory_space<vmem>>[vector<16xi32>, vector<16xi32>], vector<16xf32>,
        %mul3A_1589 = arith.mulf %gather3A_1588, %gather3A_1578 : vector<16xf32>
        %add3A_1590 = arith.addf %add3A_1567, %mul3A_1589 : vector<16xf32>
        %ge3A_1591 = arith.constant 4 : i32
        %ge3A_1592 = vector.broadcast %ge3A_1591 : i32 to vector<16xi32>
        %ge3A_1593 = arith.cmpi sge, %iota3A, %ge3A_1592 : vector<16xi32>
        %add3A_1594 = arith.constant -4 : i32
        %add3A_1595 = vector.broadcast %add3A_1594 : i32 to vector<16xi32>
        %add3A_1596 = arith.addi %iota3A, %add3A_1595 : vector<16xi32>
        %add3A_1597 = arith.constant 60 : i32
        %add3A_1598 = vector.broadcast %add3A_1597 : i32 to vector<16xi32>
        %add3A_1599 = arith.addi %iota3A, %add3A_1598 : vector<16xi32>
        %select_n3A_1600 = arith.select %ge3A_1593, %add3A_1596, %add3A_1599 : vector<16xi1>, vector<16xi32>
        %gather3A_1601 = tpu.vector_load_idx %arg9[%broadcast_in_dim3A_172, %select_n3A_1600] : memref<16x64xf32, #tpu.memory_space<vmem>>[vector<16xi32>, vector<16xi32>], vector<16xf32>,
        %gather3A_1602 = tpu.vector_load_idx %arg10[%add3A_183, %select_n3A_1600] : memref<832x64xf32, #tpu.memory_space<vmem>>[vector<16xi32>, vector<16xi32>], vector<16xf32>,
        %mul3A_1603 = arith.mulf %gather3A_1602, %gather3A_1601 : vector<16xf32>
        %add3A_1604 = arith.addf %add3A_1581, %mul3A_1603 : vector<16xf32>
        %gather3A_1605 = tpu.vector_load_idx %arg10[%add3A_190, %select_n3A_1600] : memref<832x64xf32, #tpu.memory_space<vmem>>[vector<16xi32>, vector<16xi32>], vector<16xf32>,
        %mul3A_1606 = arith.mulf %gather3A_1605, %gather3A_1601 : vector<16xf32>
        %add3A_1607 = arith.addf %add3A_1584, %mul3A_1606 : vector<16xf32>
        %gather3A_1608 = tpu.vector_load_idx %arg10[%add3A_197, %select_n3A_1600] : memref<832x64xf32, #tpu.memory_space<vmem>>[vector<16xi32>, vector<16xi32>], vector<16xf32>,
        %mul3A_1609 = arith.mulf %gather3A_1608, %gather3A_1601 : vector<16xf32>
        %add3A_1610 = arith.addf %add3A_1587, %mul3A_1609 : vector<16xf32>
        %gather3A_1611 = tpu.vector_load_idx %arg10[%add3A_204, %select_n3A_1600] : memref<832x64xf32, #tpu.memory_space<vmem>>[vector<16xi32>, vector<16xi32>], vector<16xf32>,
        %mul3A_1612 = arith.mulf %gather3A_1611, %gather3A_1601 : vector<16xf32>
        %add3A_1613 = arith.addf %add3A_1590, %mul3A_1612 : vector<16xf32>
        %ge3A_1614 = arith.constant 3 : i32
        %ge3A_1615 = vector.broadcast %ge3A_1614 : i32 to vector<16xi32>
        %ge3A_1616 = arith.cmpi sge, %iota3A, %ge3A_1615 : vector<16xi32>
        %add3A_1617 = arith.constant -3 : i32
        %add3A_1618 = vector.broadcast %add3A_1617 : i32 to vector<16xi32>
        %add3A_1619 = arith.addi %iota3A, %add3A_1618 : vector<16xi32>
        %add3A_1620 = arith.constant 61 : i32
        %add3A_1621 = vector.broadcast %add3A_1620 : i32 to vector<16xi32>
        %add3A_1622 = arith.addi %iota3A, %add3A_1621 : vector<16xi32>
        %select_n3A_1623 = arith.select %ge3A_1616, %add3A_1619, %add3A_1622 : vector<16xi1>, vector<16xi32>
        %gather3A_1624 = tpu.vector_load_idx %arg9[%broadcast_in_dim3A_172, %select_n3A_1623] : memref<16x64xf32, #tpu.memory_space<vmem>>[vector<16xi32>, vector<16xi32>], vector<16xf32>,
        %gather3A_1625 = tpu.vector_load_idx %arg10[%add3A_183, %select_n3A_1623] : memref<832x64xf32, #tpu.memory_space<vmem>>[vector<16xi32>, vector<16xi32>], vector<16xf32>,
        %mul3A_1626 = arith.mulf %gather3A_1625, %gather3A_1624 : vector<16xf32>
        %add3A_1627 = arith.addf %add3A_1604, %mul3A_1626 : vector<16xf32>
        %gather3A_1628 = tpu.vector_load_idx %arg10[%add3A_190, %select_n3A_1623] : memref<832x64xf32, #tpu.memory_space<vmem>>[vector<16xi32>, vector<16xi32>], vector<16xf32>,
        %mul3A_1629 = arith.mulf %gather3A_1628, %gather3A_1624 : vector<16xf32>
        %add3A_1630 = arith.addf %add3A_1607, %mul3A_1629 : vector<16xf32>
        %gather3A_1631 = tpu.vector_load_idx %arg10[%add3A_197, %select_n3A_1623] : memref<832x64xf32, #tpu.memory_space<vmem>>[vector<16xi32>, vector<16xi32>], vector<16xf32>,
        %mul3A_1632 = arith.mulf %gather3A_1631, %gather3A_1624 : vector<16xf32>
        %add3A_1633 = arith.addf %add3A_1610, %mul3A_1632 : vector<16xf32>
        %gather3A_1634 = tpu.vector_load_idx %arg10[%add3A_204, %select_n3A_1623] : memref<832x64xf32, #tpu.memory_space<vmem>>[vector<16xi32>, vector<16xi32>], vector<16xf32>,
        %mul3A_1635 = arith.mulf %gather3A_1634, %gather3A_1624 : vector<16xf32>
        %add3A_1636 = arith.addf %add3A_1613, %mul3A_1635 : vector<16xf32>
        %ge3A_1637 = arith.constant 2 : i32
        %ge3A_1638 = vector.broadcast %ge3A_1637 : i32 to vector<16xi32>
        %ge3A_1639 = arith.cmpi sge, %iota3A, %ge3A_1638 : vector<16xi32>
        %add3A_1640 = arith.constant -2 : i32
        %add3A_1641 = vector.broadcast %add3A_1640 : i32 to vector<16xi32>
        %add3A_1642 = arith.addi %iota3A, %add3A_1641 : vector<16xi32>
        %add3A_1643 = arith.constant 62 : i32
        %add3A_1644 = vector.broadcast %add3A_1643 : i32 to vector<16xi32>
        %add3A_1645 = arith.addi %iota3A, %add3A_1644 : vector<16xi32>
        %select_n3A_1646 = arith.select %ge3A_1639, %add3A_1642, %add3A_1645 : vector<16xi1>, vector<16xi32>
        %gather3A_1647 = tpu.vector_load_idx %arg9[%broadcast_in_dim3A_172, %select_n3A_1646] : memref<16x64xf32, #tpu.memory_space<vmem>>[vector<16xi32>, vector<16xi32>], vector<16xf32>,
        %gather3A_1648 = tpu.vector_load_idx %arg10[%add3A_183, %select_n3A_1646] : memref<832x64xf32, #tpu.memory_space<vmem>>[vector<16xi32>, vector<16xi32>], vector<16xf32>,
        %mul3A_1649 = arith.mulf %gather3A_1648, %gather3A_1647 : vector<16xf32>
        %add3A_1650 = arith.addf %add3A_1627, %mul3A_1649 : vector<16xf32>
        %gather3A_1651 = tpu.vector_load_idx %arg10[%add3A_190, %select_n3A_1646] : memref<832x64xf32, #tpu.memory_space<vmem>>[vector<16xi32>, vector<16xi32>], vector<16xf32>,
        %mul3A_1652 = arith.mulf %gather3A_1651, %gather3A_1647 : vector<16xf32>
        %add3A_1653 = arith.addf %add3A_1630, %mul3A_1652 : vector<16xf32>
        %gather3A_1654 = tpu.vector_load_idx %arg10[%add3A_197, %select_n3A_1646] : memref<832x64xf32, #tpu.memory_space<vmem>>[vector<16xi32>, vector<16xi32>], vector<16xf32>,
        %mul3A_1655 = arith.mulf %gather3A_1654, %gather3A_1647 : vector<16xf32>
        %add3A_1656 = arith.addf %add3A_1633, %mul3A_1655 : vector<16xf32>
        %gather3A_1657 = tpu.vector_load_idx %arg10[%add3A_204, %select_n3A_1646] : memref<832x64xf32, #tpu.memory_space<vmem>>[vector<16xi32>, vector<16xi32>], vector<16xf32>,
        %mul3A_1658 = arith.mulf %gather3A_1657, %gather3A_1647 : vector<16xf32>
        %add3A_1659 = arith.addf %add3A_1636, %mul3A_1658 : vector<16xf32>
        %ge3A_1660 = arith.constant 1 : i32
        %ge3A_1661 = vector.broadcast %ge3A_1660 : i32 to vector<16xi32>
        %ge3A_1662 = arith.cmpi sge, %iota3A, %ge3A_1661 : vector<16xi32>
        %add3A_1663 = arith.constant -1 : i32
        %add3A_1664 = vector.broadcast %add3A_1663 : i32 to vector<16xi32>
        %add3A_1665 = arith.addi %iota3A, %add3A_1664 : vector<16xi32>
        %add3A_1666 = arith.constant 63 : i32
        %add3A_1667 = vector.broadcast %add3A_1666 : i32 to vector<16xi32>
        %add3A_1668 = arith.addi %iota3A, %add3A_1667 : vector<16xi32>
        %select_n3A_1669 = arith.select %ge3A_1662, %add3A_1665, %add3A_1668 : vector<16xi1>, vector<16xi32>
        %gather3A_1670 = tpu.vector_load_idx %arg9[%broadcast_in_dim3A_172, %select_n3A_1669] : memref<16x64xf32, #tpu.memory_space<vmem>>[vector<16xi32>, vector<16xi32>], vector<16xf32>,
        %gather3A_1671 = tpu.vector_load_idx %arg10[%add3A_183, %select_n3A_1669] : memref<832x64xf32, #tpu.memory_space<vmem>>[vector<16xi32>, vector<16xi32>], vector<16xf32>,
        %mul3A_1672 = arith.mulf %gather3A_1671, %gather3A_1670 : vector<16xf32>
        %add3A_1673 = arith.addf %add3A_1650, %mul3A_1672 : vector<16xf32>
        %gather3A_1674 = tpu.vector_load_idx %arg10[%add3A_190, %select_n3A_1669] : memref<832x64xf32, #tpu.memory_space<vmem>>[vector<16xi32>, vector<16xi32>], vector<16xf32>,
        %mul3A_1675 = arith.mulf %gather3A_1674, %gather3A_1670 : vector<16xf32>
        %add3A_1676 = arith.addf %add3A_1653, %mul3A_1675 : vector<16xf32>
        %gather3A_1677 = tpu.vector_load_idx %arg10[%add3A_197, %select_n3A_1669] : memref<832x64xf32, #tpu.memory_space<vmem>>[vector<16xi32>, vector<16xi32>], vector<16xf32>,
        %mul3A_1678 = arith.mulf %gather3A_1677, %gather3A_1670 : vector<16xf32>
        %add3A_1679 = arith.addf %add3A_1656, %mul3A_1678 : vector<16xf32>
        %gather3A_1680 = tpu.vector_load_idx %arg10[%add3A_204, %select_n3A_1669] : memref<832x64xf32, #tpu.memory_space<vmem>>[vector<16xi32>, vector<16xi32>], vector<16xf32>,
        %mul3A_1681 = arith.mulf %gather3A_1680, %gather3A_1670 : vector<16xf32>
        %add3A_1682 = arith.addf %add3A_1659, %mul3A_1681 : vector<16xf32>
        %neg3A = arith.constant 0.000000e+00 : f32
        %neg3A_1683 = vector.broadcast %neg3A : f32 to vector<16xf32>
        %neg3A_1684 = arith.subf %neg3A_1683, %add3A_1673 : vector<16xf32>
        %exp3A = math.exp %neg3A_1684 : vector<16xf32>
        %add3A_1685 = arith.constant 1.000000e+00 : f32
        %add3A_1686 = vector.broadcast %add3A_1685 : f32 to vector<16xf32>
        %add3A_1687 = arith.addf %add3A_1686, %exp3A : vector<16xf32>
        %div3A = arith.constant 1.000000e+00 : f32
        %div3A_1688 = vector.broadcast %div3A : f32 to vector<16xf32>
        %div3A_1689 = arith.divf %div3A_1688, %add3A_1687 : vector<16xf32>
        %add3A_1690 = arith.constant 0 : i32
        %add3A_1691 = vector.broadcast %add3A_1690 : i32 to vector<16xi32>
        %add3A_1692 = arith.addi %add3A_1691, %iota3A : vector<16xi32>
        tpu.vector_store_idx %arg11[%add3A_1692, %broadcast_in_dim3A_176], %div3A_1689 : memref<50x129xf32, #tpu.memory_space<vmem>>[vector<16xi32>, vector<16xi32>], vector<16xf32>,
        %neg3A_1693 = arith.constant 0.000000e+00 : f32
        %neg3A_1694 = vector.broadcast %neg3A_1693 : f32 to vector<16xf32>
        %neg3A_1695 = arith.subf %neg3A_1694, %add3A_1676 : vector<16xf32>
        %exp3A_1696 = math.exp %neg3A_1695 : vector<16xf32>
        %add3A_1697 = arith.constant 1.000000e+00 : f32
        %add3A_1698 = vector.broadcast %add3A_1697 : f32 to vector<16xf32>
        %add3A_1699 = arith.addf %add3A_1698, %exp3A_1696 : vector<16xf32>
        %div3A_1700 = arith.constant 1.000000e+00 : f32
        %div3A_1701 = vector.broadcast %div3A_1700 : f32 to vector<16xf32>
        %div3A_1702 = arith.divf %div3A_1701, %add3A_1699 : vector<16xf32>
        %add3A_1703 = arith.constant 16 : i32
        %add3A_1704 = vector.broadcast %add3A_1703 : i32 to vector<16xi32>
        %add3A_1705 = arith.addi %add3A_1704, %iota3A : vector<16xi32>
        tpu.vector_store_idx %arg11[%add3A_1705, %broadcast_in_dim3A_176], %div3A_1702 : memref<50x129xf32, #tpu.memory_space<vmem>>[vector<16xi32>, vector<16xi32>], vector<16xf32>,
        %neg3A_1706 = arith.constant 0.000000e+00 : f32
        %neg3A_1707 = vector.broadcast %neg3A_1706 : f32 to vector<16xf32>
        %neg3A_1708 = arith.subf %neg3A_1707, %add3A_1679 : vector<16xf32>
        %exp3A_1709 = math.exp %neg3A_1708 : vector<16xf32>
        %add3A_1710 = arith.constant 1.000000e+00 : f32
        %add3A_1711 = vector.broadcast %add3A_1710 : f32 to vector<16xf32>
        %add3A_1712 = arith.addf %add3A_1711, %exp3A_1709 : vector<16xf32>
        %div3A_1713 = arith.constant 1.000000e+00 : f32
        %div3A_1714 = vector.broadcast %div3A_1713 : f32 to vector<16xf32>
        %div3A_1715 = arith.divf %div3A_1714, %add3A_1712 : vector<16xf32>
        %add3A_1716 = arith.constant 32 : i32
        %add3A_1717 = vector.broadcast %add3A_1716 : i32 to vector<16xi32>
        %add3A_1718 = arith.addi %add3A_1717, %iota3A : vector<16xi32>
        tpu.vector_store_idx %arg11[%add3A_1718, %broadcast_in_dim3A_176], %div3A_1715 : memref<50x129xf32, #tpu.memory_space<vmem>>[vector<16xi32>, vector<16xi32>], vector<16xf32>,
        %neg3A_1719 = arith.constant 0.000000e+00 : f32
        %neg3A_1720 = vector.broadcast %neg3A_1719 : f32 to vector<16xf32>
        %neg3A_1721 = arith.subf %neg3A_1720, %add3A_1682 : vector<16xf32>
        %exp3A_1722 = math.exp %neg3A_1721 : vector<16xf32>
        %add3A_1723 = arith.constant 1.000000e+00 : f32
        %add3A_1724 = vector.broadcast %add3A_1723 : f32 to vector<16xf32>
        %add3A_1725 = arith.addf %add3A_1724, %exp3A_1722 : vector<16xf32>
        %div3A_1726 = arith.constant 1.000000e+00 : f32
        %div3A_1727 = vector.broadcast %div3A_1726 : f32 to vector<16xf32>
        %div3A_1728 = arith.divf %div3A_1727, %add3A_1725 : vector<16xf32>
        %add3A_1729 = arith.constant 48 : i32
        %add3A_1730 = vector.broadcast %add3A_1729 : i32 to vector<16xi32>
        %add3A_1731 = arith.addi %add3A_1730, %iota3A : vector<16xi32>
        %lt3A_1732 = arith.constant 2 : i32
        %lt3A_1733 = vector.broadcast %lt3A_1732 : i32 to vector<16xi32>
        %lt3A_1734 = arith.cmpi slt, %iota3A, %lt3A_1733 : vector<16xi32>
        tpu.vector_store_idx %arg11[%add3A_1731, %broadcast_in_dim3A_176], %div3A_1728 masked %lt3A_1734 : memref<50x129xf32, #tpu.memory_space<vmem>>[vector<16xi32>, vector<16xi32>], vector<16xf32>, vector<16xi1>
      }
      %scan3A_169 = arith.constant 8 : i32
    }
    %scan3A_130 = arith.constant 16 : i32
    "tpu.region"() ({
      %run_scoped3A = tpu.sem_alloc : memref<!tpu.dma_semaphore, #tpu.memory_space<semaphore_mem>>
      %dma_start3A_131 = arith.constant 0 : i32
      %dma_start3A_132 = arith.constant 0 : i32
      %dma_start3A_133 = tpu.memref_slice %arg11[%dma_start3A_131, %dma_start3A_132] : memref<50x129xf32, #tpu.memory_space<vmem>> -> memref<50x128xf32, #tpu.memory_space<vmem>>
      %dma_start3A_134 = arith.constant 0 : i32
      %dma_start3A_135 = tpu.memref_slice %arg5[%dma_start3A_134, %mul3A_2] : memref<50x4096xf32, #tpu.memory_space<hbm>> -> memref<50x128xf32, #tpu.memory_space<hbm>>
      %dma_start3A_136 = arith.constant 0 : i32
      %dma_start3A_137 = tpu.memref_slice %arg5[%dma_start3A_136, %mul3A_2] : memref<50x4096xf32, #tpu.memory_space<hbm>> -> memref<50x128xf32, #tpu.memory_space<hbm>>
      %dma_start3A_138 = arith.constant 0 : i32
      %dma_start3A_139 = arith.constant 0 : i32
      %dma_start3A_140 = tpu.memref_slice %arg11[%dma_start3A_138, %dma_start3A_139] : memref<50x129xf32, #tpu.memory_space<vmem>> -> memref<50x128xf32, #tpu.memory_space<vmem>>
      tpu.enqueue_dma source(%dma_start3A_140 : memref<50x128xf32, #tpu.memory_space<vmem>>) target(%dma_start3A_137 : memref<50x128xf32, #tpu.memory_space<hbm>>) target_semaphore(%run_scoped3A : memref<!tpu.dma_semaphore, #tpu.memory_space<semaphore_mem>>)
      %dma_wait3A = arith.constant 0 : i32
      %dma_wait3A_141 = arith.constant 0 : i32
      %dma_wait3A_142 = tpu.memref_slice %arg11[%dma_wait3A, %dma_wait3A_141] : memref<50x129xf32, #tpu.memory_space<vmem>> -> memref<50x128xf32, #tpu.memory_space<vmem>>
      %dma_wait3A_143 = arith.constant 0 : i32
      %dma_wait3A_144 = tpu.memref_slice %arg5[%dma_wait3A_143, %mul3A_2] : memref<50x4096xf32, #tpu.memory_space<hbm>> -> memref<50x128xf32, #tpu.memory_space<hbm>>
      %dma_wait3A_145 = arith.constant 0 : i32
      %dma_wait3A_146 = tpu.memref_slice %arg5[%dma_wait3A_145, %mul3A_2] : memref<50x4096xf32, #tpu.memory_space<hbm>> -> memref<50x128xf32, #tpu.memory_space<hbm>>
      %dma_wait3A_147 = arith.constant 0 : i32
      %dma_wait3A_148 = arith.constant 0 : i32
      %dma_wait3A_149 = tpu.memref_slice %arg11[%dma_wait3A_147, %dma_wait3A_148] : memref<50x129xf32, #tpu.memory_space<vmem>> -> memref<50x128xf32, #tpu.memory_space<vmem>>
      tpu.wait_dma2 semaphore(%run_scoped3A : memref<!tpu.dma_semaphore, #tpu.memory_space<semaphore_mem>>) src(%dma_wait3A_149 : memref<50x128xf32, #tpu.memory_space<vmem>>) dst(%dma_wait3A_146 : memref<50x128xf32, #tpu.memory_space<hbm>>)
      tpu.yield
    }) : () -> ()
    return
  }
}

</mosaic_0001>

<sc_bundles>
// kernel: kernel.3.cloned.1.call-start
scs
__scs_entry_jumppad:
0x0: {  	(pc) =	sbr.rel $0x88, $3  }
0x1: {  	(tag) =	ssettag $0x0;
	lr =	simm.s32 $0x1  }
0x2: {  	[smem:$0x3F9E] =	sst lr;
	_ =	strace $0xD0000000  }
0x3: {  	_ = 	snop  }
0x4: {  	_ = 	snop  }
0x5: {  	_ = 	snop  }
0x6: {  	_ = 	snop  }
0x7: {  	_ = 	snop  }
__scs_overlays_trampoline_lowered:
0x8: {  	[smem:$0x3FAD] =	sst s0  }
0x9: {  	[smem:$0x3FAE] =	sst s1  }
0xa: {  	[smem:$0x3FAF] =	sst s2  }
0xb: {  	[smem:$0x3FB0] =	sst s3  }
0xc: {  	[smem:$0x3FB1] =	sst s4  }
0xd: {  	[smem:$0x3FB2] =	sst s5  }
0xe: {  	[smem:$0x3FB3] =	sst s6  }
0xf: {  	[smem:$0x3FB4] =	sst s7  }
0x10: {  	[smem:$0x3FB5] =	sst s8  }
0x11: {  	[smem:$0x3FB6] =	sst s9;
	s0 =	simm.s32 @!p0 $0x0  }
0x12: {  	s1 =	sld [smem:$0x3F9C];
	s0 =	simm.s32 @p0 $0x1  }
0x13: {  	[smem:$0x3FB7] =	sst s0;
	s0 =	simm.s32 @!p1 $0x0  }
0x14: {  	s2 =	sld [smem:$0x3F9B];
	s0 =	simm.s32 @p1 $0x1  }
0x15: {  	[smem:$0x3FB8] =	sst s0;
	s0 =	simm.s32 @!p2 $0x0  }
0x16: {  	s3 =	sld [smem:$0x3FDB];
	s0 =	simm.s32 @p2 $0x1  }
0x17: {  	s4 =	simm.s32 $0x1BF5;
	[smem:$0x3FBA] =	sst s0  }
0x18: {  	s0 =	sld [smem:$0x3F9D];
	_ =	swait.ge [sflag:s4], $0x0  }
0x19: {  	s7 =	sld [smem:$0x3F9E]  }
0x1a: {  	s8 =	sadd.s32 $0xFFFFE003, lr  }
0x1b: {  	s9 =	sadd.s32 $0xFFFFFEF7, lr;
	s5 =	simm.s32 $0xFFFFFFFF;
	p2 =	slt.u32 s8, $0xFFFFF086  }
0x1c: {  	p1 =	slt.u32 s9, $0xF7A;
	s5 =	simm.s32 @!p2 $0x0  }
0x1d: {  	s5 =	simm.s32 @p1 $0x1;
	p0 =	seq.s32 s7, s2  }
0x1e: {  	s7 =	smul.u32 @!p0 $0xF7A, s2;
	p2 =	seq.s32 @!p0 s5, $0x0  }
0x1f: {  	s9 =	smul.u32 $0xF7A, s1;
	s8 =	simm.s32 @!p0 $0x1BF5;
	p2 =	por !p2, p0  }
0x20: {  	[sflag:s8] =	ssyncset.s32 @!p0 $0xFFFFF086;
	s6 =	sadd.s32 @!p0 s3, s7;
	s7 =	simm.s32 @!p0 $0x108  }
0x21: {  	s3 =	sadd.s32 s3, s9;
	s6 =	sadd.s32 @!p0 $0x88, s6;
	s7 =	simm.s32 @p2 $0x1082  }
0x22: {  	[simem:s7], [sflag:s8] =	dma.local @!p0 [hbm:s6], $0xF7A  }
0x23: {  	s9 =	sor.u32 $0xD0000000, s2;
	s6 =	simm.s32 $0x108;
	_ =	swait.ge @!p0 [sflag:s8], $0x0  }
0x24: {  	s3 =	sadd.s32 $0x88, s3;
	s6 =	simm.s32 @!p1 $0x1082;
	[sflag:s4] =	ssyncset.s32 $0xFFFFF086  }
0x25: {  	[simem:s6], [sflag:s4] =	dma.local [hbm:s3], $0xF7A  }
0x26: {  	[smem:$0x3F9E] =	sst s1;
	(tag) =	ssettag s2;
	_ =	strace s9  }
0x27: {  	s1 =	sld [smem:$0x3FAE]  }
0x28: {  	s2 =	sld [smem:$0x3FAF]  }
0x29: {  	s4 =	sld [smem:$0x3FB1]  }
0x2a: {  	p0 =	seq.s32 s5, $0x0;
	s5 =	sld [smem:$0x3FB2]  }
0x2b: {  	s6 =	sld [smem:$0x3FB3]  }
0x2c: {  	s7 =	sld [smem:$0x3FB4]  }
0x2d: {  	s3 =	simm.s32 $0x108;
	s8 =	sld [smem:$0x3FB5]  }
0x2e: {  	s3 =	simm.s32 @!p0 $0x1082;
	s9 =	sld [smem:$0x3FB6]  }
0x2f: {  	lr =	sadd.s32 s0, s3;
	s0 =	sld [smem:$0x3FAD]  }
0x30: {  	s3 =	sld [smem:$0x3FB0]  }
0x31: {  	[smem:$0x3FB9] =	sst s10  }
0x32: {  	s10 =	sld [smem:$0x3FB7];
	_ =	sdelay $0x3  }
0x33: {  	p0 =	seq.s32 s10, $0x1;
	s10 =	sld [smem:$0x3FB9];
	_ =	sdelay $0x3  }
0x34: {  	[smem:$0x3FB9] =	sst s10  }
0x35: {  	s10 =	sld [smem:$0x3FB8];
	_ =	sdelay $0x3  }
0x36: {  	p1 =	seq.s32 s10, $0x1;
	s10 =	sld [smem:$0x3FB9];
	_ =	sdelay $0x3  }
0x37: {  	[smem:$0x3FB9] =	sst s10  }
0x38: {  	s10 =	sld [smem:$0x3FBA]  }
0x39: {  	_ = 	snop;
	(pc) =	sbr.ind lr, $3  }
0x3a: {  	_ = 	snop  }
0x3b: {  	_ = 	snop  }
0x3c: {  	p2 =	seq.s32 s10, $0x1;
	s10 =	sld [smem:$0x3FB9]  }
0x3d: {  	_ =	shalt  }
0x3e: {  	_ =	shalt  }
0x3f: {  	_ =	shalt  }
0x40: {  	_ =	shalt  }
0x41: {  	_ =	shalt  }
0x42: {  	_ =	shalt  }
0x43: {  	_ =	shalt  }
0x44: {  	_ =	shalt  }
0x45: {  	_ =	shalt  }
0x46: {  	_ =	shalt  }
0x47: {  	_ =	shalt  }
0x48: {  	_ =	shalt  }
0x49: {  	_ =	shalt  }
0x4a: {  	_ =	shalt  }
0x4b: {  	_ =	shalt  }
0x4c: {  	_ =	shalt  }
0x4d: {  	_ =	shalt  }
0x4e: {  	_ =	shalt  }
0x4f: {  	_ =	shalt  }
0x50: {  	_ =	shalt  }
0x51: {  	_ =	shalt  }
0x52: {  	_ =	shalt  }
0x53: {  	_ =	shalt  }
0x54: {  	_ =	shalt  }
0x55: {  	_ =	shalt  }
0x56: {  	_ =	shalt  }
0x57: {  	_ =	shalt  }
0x58: {  	_ =	shalt  }
0x59: {  	_ =	shalt  }
0x5a: {  	_ =	shalt  }
0x5b: {  	_ =	shalt  }
0x5c: {  	_ =	shalt  }
0x5d: {  	_ =	shalt  }
0x5e: {  	_ =	shalt  }
0x5f: {  	_ =	shalt  }
0x60: {  	_ =	shalt  }
0x61: {  	_ =	shalt  }
0x62: {  	_ =	shalt  }
0x63: {  	_ =	shalt  }
0x64: {  	_ =	shalt  }
0x65: {  	_ =	shalt  }
0x66: {  	_ =	shalt  }
0x67: {  	_ =	shalt  }
0x68: {  	_ =	shalt  }
0x69: {  	_ =	shalt  }
0x6a: {  	_ =	shalt  }
0x6b: {  	_ =	shalt  }
0x6c: {  	_ =	shalt  }
0x6d: {  	_ =	shalt  }
0x6e: {  	_ =	shalt  }
0x6f: {  	_ =	shalt  }
0x70: {  	_ =	shalt  }
0x71: {  	_ =	shalt  }
0x72: {  	_ =	shalt  }
0x73: {  	_ =	shalt  }
0x74: {  	_ =	shalt  }
0x75: {  	_ =	shalt  }
0x76: {  	_ =	shalt  }
0x77: {  	_ =	shalt  }
0x78: {  	_ =	shalt  }
0x79: {  	_ =	shalt  }
0x7a: {  	_ =	shalt  }
0x7b: {  	_ =	shalt  }
0x7c: {  	_ =	shalt  }
0x7d: {  	_ =	shalt  }
0x7e: {  	_ =	shalt  }
0x7f: {  	_ =	shalt  }
0x80: {  	_ =	shalt  }
0x81: {  	_ =	shalt  }
0x82: {  	_ =	shalt  }
0x83: {  	_ =	shalt  }
0x84: {  	_ =	shalt  }
0x85: {  	_ =	shalt  }
0x86: {  	_ =	shalt  }
0x87: {  	_ =	shalt  }
.Lfunc_end0:
.L_simem_size_0:
called_computation_lowered:
.L_overlay_start_0:
0x88: {  	s2 =	sld [smem:$0x3FD9]  }
0x89: {  	s3 =	sld [smem:$0x3FFE];
	_ =	sdelay $0x1  }
0x8a: {  	s1 =	srdreg.scid  }
0x8b: {  	s0 =	sand.u32 $0x1, s1  }
0x8c: {  	s17 =	sshll.u32 s0, $0xA;
	s2 =	sadd.s32 s3, s2  }
0x8d: {  	s2 =	sadd.s32 s2, s17  }
0x8e: {  	[smem:$0x3FC5] =	sst s2  }
0x8f: {  	_ = 	snop  }
0x90: {  	s2 =	sld [smem:$0x3FD0];
	(tm) =	ssettm $0x1  }
0x91: {  	s18 =	sld [smem:$0x3FFB];
	_ =	sdelay $0x3  }
0x92: {  	_ =	strace s18  }
0x93: {  	s3 =	sld [smem:$0x3FFC];
	_ =	sdelay $0x3  }
0x94: {  	_ =	strace s3  }
0x95: {  	s3 =	sld [smem:$0x3FFD];
	_ =	sdelay $0x3  }
0x96: {  	_ =	strace s3  }
0x97: {  	_ =	strace $0x8FFFFFFF  }
0x98: {  	s19 =	sld [smem:$0x3FDB];
	_ =	sdelay $0x1  }
0x99: {  	s4 =	simm.s32 $_scs_section_size  }
0x9a: {  	s5 =	simm.s32 $_size__tile_overlayer_lowered;
	s6 =	simm.s32 $_tile_overlayer_lowered  }
0x9b: {  	s22 =	simm.s32 $0x1BFF;
	s21 =	sshll.u32 s6, $0x1;
	s3 =	sadd.s32 s4, s19  }
0x9c: {  	s7 =	simm.s32 $0x0;
	s20 =	sshll.u32 s5, $0x1;
	s5 =	sadd.s32 s21, s3  }
0x9d: {  	[timem:s7], [sflag:s22] =	dma.local [hbm:s5], s20  }
0x9e: {  	_ =	swait.ge [sflag:s22], s20  }
0x9f: {  	s4 =	ssub.s32 $0x0, s20;
	[sflag:s22] =	ssyncset.done $0x0  }
0xa0: {  	[sflag:s22] =	ssyncadd.s32 s4;
	_ =	sdelay $0x1  }
0xa1: {  	s23 =	simm.s32 $0x1B8B  }
0xa2: {  	_ =	swait.ge [sflag:s23], $0x1  }
0xa3: {  	[sflag:s23] =	ssyncset.done $0x0  }
0xa4: {  	s25 =	simm.s32 $0x1B8E;
	s24 =	sld [smem:$0x3FFE];
	[sflag:s23] =	ssyncadd.s32 $0xFFFFFFFF  }
0xa5: {  	s26 =	simm.s32 $execute0_lowered;
	[smem:$0x3FD2] =	sst s25  }
0xa6: {  	s5 =	sshll.u32 s26, $0x1;
	_ =	strace $0x80000046;
	[dreg:$0x1] =	wrdreg $0xFFFFFFFF  }
0xa7: {  	s28 =	simm.s32 $_size_execute0_lowered;
	s3 =	sadd.s32 s3, s5;
	[dreg:$0x0] =	wrdreg $0x0  }
0xa8: {  	s5 =	sshll.u32 s28, $0x1;
	[dreg:$0x2] =	wrdreg s3  }
0xa9: {  	[dreg:$0x3] =	wrdreg s5  }
0xaa: {  	[dreg:$0x4] =	wrdreg $0xC0  }
0xab: {  	_ =	task [dreg:s7], $0x5FFFF  }
0xac: {  	[dreg:$0x1] =	wrdreg $0xFFFFFFFF  }
0xad: {  	[dreg:$0x0] =	wrdreg $0x60  }
0xae: {  	[dreg:$0x2] =	wrdreg s24  }
0xaf: {  	[dreg:$0x3] =	wrdreg s2  }
0xb0: {  	[dreg:$0x4] =	wrdreg $0x9  }
0xb1: {  	_ =	task.clear_ibuf [dreg:s7], $0x5FFFF;
	_ =	strace $0x90000046  }
0xb2: {  	s29 =	simm.s32 $0x9;
	_ =	strace $0x80000048  }
0xb3: {  	_ =	swait.ge [sflag:s29], $0x1  }
0xb4: {  	[sflag:s29] =	ssyncadd.s32 $0xFFFFFFFF  }
0xb5: {  	_ =	strace $0x90000048  }
0xb6: {  	_ =	sfence  }
0xb7: {  	s30 =	sld [smem:$0x0];
	_ =	sdelay $0x2  }
0xb8: {  	s31 =	sshll.u32 s1, $0xD;
	s1 =	sshrl.u32 s1, $0x2  }
0xb9: {  	s3 =	sand.u32 $0x4000, s31;
	s1 =	sadd.s32 s1, s30  }
0xba: {  	s0 =	sor.u32 s3, s0;
	s1 =	sshll.u32 s1, $0x11  }
0xbb: {  	s0 =	sor.u32 s1, s0  }
0xbc: {  	s0 =	sadd.s32 $0x8F2B, s0  }
0xbd: {  	[sflag:s0] =	ssyncadd.remote.s32 $0x1  }
0xbe: {  	_ =	sfence.sel $0xFFFF  }
0xbf: {  	[dreg:$0x0] =	wrdreg $0xFFFFFFFF;
	(pc) =	sbr.abs _section_cstart, $3  }
0xc0: {  	[dreg:$0x1] =	wrdreg $0xFFFFFFFF  }
0xc1: {  	_ =	task.clear_ibuf [dreg:s7], $0x2FFFF;
	_ =	strace $0x9FFFFFFF  }
0xc2: {  	(tm) =	ssettm $0x7FFFFFFF  }
0xc3: {  	_ =	shalt  }
tec
execute0_lowered:
.L_overlay_start_1:
0x0: {  	(tag) =	ssettag $0x1  }
0x1: {  	v9 =	vlaneseq.u32  }
0x2: {  	v63 =	vadd.s32 $0xC, v9  }
0x3: {  	v4 =	vadd.s32 $0xD, v9;
	[tilespmem:$0x1FB50] =	vst v63  }
0x4: {  	v5 =	vadd.s32 $0xE, v9;
	[tilespmem:$0x1FB60] =	vst v4  }
0x5: {  	v6 =	vadd.s32 $0xF, v9;
	[tilespmem:$0x1FB70] =	vst v5  }
0x6: {  	v7 =	vor.u32 $0x10, v9;
	[tilespmem:$0x1FB80] =	vst v6  }
0x7: {  	v0 =	vmul.u32 $0x80, v9;
	v37 =	vadd.s32 $0x1C, v9;
	[tilespmem:$0x1FB90] =	vst v7  }
0x8: {  	[tilespmem:$0x1FBA0] =	vst v37  }
0x9: {  	v1 =	vor.u32 $0x800, v0;
	[tilespmem:$0x1FB30] =	vst v0  }
0xa: {  	v58 =	vor.u32 $0x1000, v0;
	[tilespmem:$0x1FAD0] =	vst v1  }
0xb: {  	v59 =	vor.u32 $0x1800, v0;
	[tilespmem:$0x1FAE0] =	vst v58  }
0xc: {  	v60 =	vor.u32 $0x2000, v0;
	[tilespmem:$0x1FAF0] =	vst v59  }
0xd: {  	v61 =	vor.u32 $0x2800, v0;
	[tilespmem:$0x1FB00] =	vst v60  }
0xe: {  	s2 =	srdreg.scid;
	v62 =	vor.u32 $0x3000, v0;
	[tilespmem:$0x1FB10] =	vst v61  }
0xf: {  	s0 =	rddreg [dreg:$0x0];
	s4 =	sand.u32 $0x1, s2;
	s2 =	simm.s32 $0x0;
	v0 =	vor.u32 $0x3800, v0;
	[tilespmem:$0x1FB20] =	vst v62  }
0x10: {  	v15 =	vadd.s32 $0x25, v9;
	[smem:$0x7FF] =	sst s2;
	[tilespmem:$0x1FB40] =	vst v0  }
0x11: {  	s6 =	rddreg [dreg:$0x1];
	v16 =	vadd.s32 $0x27, v9;
	_ =	strace $0x80000047;
	[tilespmem:$0x1FBB0] =	vst v15  }
0x12: {  	v17 =	vadd.s32 $0x29, v9;
	[tilespmem:$0x1FBC0] =	vst v16  }
0x13: {  	v10 =	vmul.u32 $0x51EC, v9;
	v20 =	vadd.s32 $0x2B, v9;
	[tilespmem:$0x1FBD0] =	vst v17  }
0x14: {  	[tilespmem:$0x1FBE0] =	vst v20  }
0x15: {  	v11 =	vadd.s32 $0x1, v9;
	v12 =	vmul.u32 $0x40, v9;
	[tilespmem:$0x1FC10] =	vst v10  }
0x16: {  	[tilespmem:$0x1FC20] =	vst v11  }
0x17: {  	v13 =	vadd.s32 $0x2, v9;
	[tilespmem:$0x1FC30] =	vst v12  }
0x18: {  	v14 =	vadd.s32 $0x3, v9;
	[tilespmem:$0x1FC40] =	vst v13  }
0x19: {  	v18 =	vadd.s32 $0x4, v9;
	[tilespmem:$0x1FC50] =	vst v14  }
0x1a: {  	v19 =	vadd.s32 $0x5, v9;
	[tilespmem:$0x1FC60] =	vst v18  }
0x1b: {  	v24 =	vadd.s32 $0x6, v9;
	[tilespmem:$0x1FC70] =	vst v19  }
0x1c: {  	v25 =	vadd.s32 $0x7, v9;
	[tilespmem:$0x1FC80] =	vst v24  }
0x1d: {  	v26 =	vadd.s32 $0x8, v9;
	[tilespmem:$0x1FC90] =	vst v25  }
0x1e: {  	v32 =	vadd.s32 $0x9, v9;
	[tilespmem:$0x1FCA0] =	vst v26  }
0x1f: {  	v39 =	vadd.s32 $0xA, v9;
	[tilespmem:$0x1FCB0] =	vst v32  }
0x20: {  	v57 =	vadd.s32 $0xB, v9;
	[tilespmem:$0x1FCC0] =	vst v39  }
0x21: {  	v23 =	vadd.s32 $0x11, v9;
	[tilespmem:$0x1FCD0] =	vst v57  }
0x22: {  	v27 =	vadd.s32 $0x12, v9;
	[tilespmem:$0x1FCE0] =	vst v23  }
0x23: {  	v28 =	vadd.s32 $0x13, v9;
	[tilespmem:$0x1FCF0] =	vst v27  }
0x24: {  	v21 =	vimm.s32 $0x34333231;
	v22 =	vimm.s32 $0x38373635;
	v29 =	vadd.s32 $0x14, v9;
	[tilespmem:$0x1FD00] =	vst v28  }
0x25: {  	v2 =	vimm.s32 $0x3C3B3A39;
	v3 =	vimm.s32 $0x3F3E3D;
	v30 =	vadd.s32 $0x15, v9;
	[tilespmem:$0x1FD10] =	vst v29  }
0x26: {  	vm0 =	vcmask $0x1F10;
	v47 =	vimm.s32 $0x35343332;
	v31 =	vadd.s32 $0x16, v9;
	[tilespmem:$0x1FD20] =	vst v30  }
0x27: {  	v49 =	vimm.s32 $0x39383736;
	v50 =	vimm.s32 $0x36353433;
	v33 =	vadd.s32 $0x17, v9;
	[tilespmem:$0x1FD30] =	vst v31  }
0x28: {  	v51 =	vimm.s32 $0x1003F3E;
	v52 =	vimm.s32 $0x201003F;
	v34 =	vadd.s32 $0x18, v9;
	[tilespmem:$0x1FD40] =	vst v33  }
0x29: {  	v53 =	vimm.s32 $0x3020100;
	v54 =	vimm.s32 $0x3F3E3D3C;
	v35 =	vadd.s32 $0x19, v9;
	[tilespmem:$0x1FD50] =	vst v34  }
0x2a: {  	v55 =	vimm.s32 $0x37363534;
	v36 =	vadd.s32 $0x1A, v9;
	v40 =	vunpack.c.0.s8.s32 v22;
	[tilespmem:$0x1FD60] =	vst v35  }
0x2b: {  	v56 =	vimm.s32 $0x4030201;
	v8 =	vimm.s32 $0x32107654;
	v41 =	vunpack.c.0.s8.s32 v2;
	[tilespmem:$0x1FD70] =	vst v36  }
0x2c: {  	vm1 =	vcmask $0x2F10;
	vm2 =	vcmask $0x3F30;
	v48 =	vunpack.c.0.s8.s32 v47;
	[tilespmem:$0x1FD80] =	vst v40  }
0x2d: {  	v43 =	vunpack.c.0.s8.s32 v49;
	v4 =	vimm.s32 $0x3A393837;
	v58 =	vadd.s32 $0x1B, v9;
	[tilespmem:$0x1FD90] =	vst v41  }
0x2e: {  	v47 =	vunpack.c.0.s8.s32 v51;
	v49 =	vunpack.c.0.s8.s32 v54;
	v44 =	vunpack.c.0.s8.s32 v4;
	[tilespmem:$0x1FDA0] =	vst v58  }
0x2f: {  	v8 =	vunpack.c.l.s4.s8 v8;
	v22 =	vimm.s32 $0x98765432;
	v5 =	vimm.s32 $0x3D3C3B3A;
	[tilespmem:$0x1FDC0] =	vst v43  }
0x30: {  	v6 =	vimm.s32 $0x3B3A3938;
	v45 =	vsel vm0, v43, v48;
	v46 =	vunpack.c.0.s8.s32 v5;
	[tilespmem:$0x1FDD0] =	vst v44  }
0x31: {  	v51 =	vunpack.c.0.s8.s32 v52;
	v7 =	vimm.s32 $0x87654321;
	v63 =	vimm.s32 $0xB0A0908;
	[tilespmem:$0x1FDE0] =	vst v45  }
0x32: {  	v4 =	vunpack.c.0.s8.s32 v53;
	v5 =	vunpack.c.0.s8.s32 v55;
	v7 =	vunpack.c.l.s4.s8 v7;
	[tilespmem:$0x1FDF0] =	vst v46  }
0x33: {  	v0 =	vunpack.c.0.s8.s32 v21;
	v1 =	vunpack.c.0.s8.s32 v3;
	v3 =	vunpack.c.0.s8.s32 v50;
	[tilespmem:$0x1FE00] =	vst v47  }
0x34: {  	v50 =	vunpack.c.0.s8.s32 v6;
	v6 =	vunpack.c.0.s8.s32 v56;
	v59 =	vimm.s32 $0x5040302;
	[tilespmem:$0x1FE20] =	vst v49  }
0x35: {  	v61 =	vunpack.c.0.s8.s32 v8;
	v21 =	vimm.s32 $0x43218765;
	v56 =	vimm.s32 $0xC0B0A09;
	[tilespmem:$0x1FE40] =	vst v51  }
0x36: {  	v8 =	vimm.s32 $0x6543A987;
	v4 =	vsel vm0, v4, v49;
	v15 =	vadd.s32 $0x26, v9;
	[tilespmem:$0x1FE30] =	vst v50  }
0x37: {  	v7 =	vunpack.c.0.s8.s32 v7;
	v8 =	vunpack.c.l.s4.s8 v8;
	v16 =	vadd.s32 $0x28, v9;
	[tilespmem:$0x1FFA0] =	vst v15  }
0x38: {  	v17 =	vadd.s32 $0x2A, v9;
	v20 =	vadd.s32 $0x2C, v9;
	v0 =	vsel vm0, v40, v0;
	[tilespmem:$0x1FFB0] =	vst v16  }
0x39: {  	v38 =	vsel vm0, v1, v41;
	v48 =	vsel vm0, v44, v3;
	v5 =	vsel vm0, v50, v5;
	[tilespmem:$0x1FFC0] =	vst v17  }
0x3a: {  	v53 =	vsel vm0, v6, v1;
	v3 =	vunpack.c.0.s8.s32 v59;
	v6 =	vimm.s32 $0x6050403;
	[tilespmem:$0x1FFD0] =	vst v20  }
0x3b: {  	v62 =	vand.u32 $0xF, v61;
	v42 =	vcombine.low v0, v38;
	v60 =	vand.u32 $0xF, v7;
	[tilespmem:$0x1FE10] =	vst v48  }
0x3c: {  	v7 =	vunpack.c.l.s4.s8 v22;
	v22 =	vunpack.c.0.s8.s32 v6;
	v6 =	vadd.s32 $0x1E, v9;
	[tilespmem:$0x1FE60] =	vst v53  }
0x3d: {  	v52 =	vcombine.low v5, v4;
	v61 =	vunpack.c.0.s8.s32 v8;
	v8 =	vor.u32 $0x20, v9;
	[tilespmem:$0x1FF30] =	vst v6  }
0x3e: {  	v4 =	vunpack.c.0.s8.s32 v63;
	v5 =	vunpack.c.l.s4.s8 v21;
	v2 =	vsel vm1, v62, v49;
	[tilespmem:$0x1FF50] =	vst v8  }
0x3f: {  	v54 =	vcombine.low v38, v60;
	v38 =	vimm.s32 $0x54329876;
	v3 =	vsel vm0, v3, v47;
	[tilespmem:$0x1FDB0] =	vst v42  }
0x40: {  	v55 =	vsel vm2, v4, v2;
	v37 =	vunpack.c.0.s8.s32 v5;
	v4 =	vunpack.c.l.s4.s8 v38;
	[tilespmem:$0x1FE50] =	vst v52  }
0x41: {  	v62 =	vimm.s32 $0xE0D0C0B;
	v21 =	vimm.s32 $0x76543210;
	[tilespmem:$0x1FED0] =	vst v3  }
0x42: {  	v5 =	vunpack.c.0.s8.s32 v56;
	[tilespmem:$0x1FE70] =	vst v54;
	v2 =	vand.u32 $0xF, v37;
	v59 =	vunpack.c.0.s8.s32 v4  }
0x43: {  	[tilespmem:$0x1FE80] =	vst v55;
	v4 =	vand.u32 $0xF, v61;
	v61 =	vadd.s32 $0x23, v9;
	v1 =	vsel vm1, v2, v1  }
0x44: {  	v60 =	vimm.s32 $0xD0C0B0A;
	[tilespmem:$0x1FF80] =	vst v61;
	v37 =	vsel vm2, v5, v1;
	v2 =	vand.u32 $0xF, v59  }
0x45: {  	v1 =	vunpack.c.0.s8.s32 v60;
	v59 =	vunpack.c.0.s8.s32 v7;
	v7 =	vadd.s32 $0x1F, v9;
	[tilespmem:$0x1FE90] =	vst v37  }
0x46: {  	v5 =	vunpack.c.0.s8.s32 v62;
	v60 =	vadd.s32 $0x22, v9;
	v2 =	vsel vm1, v2, v47;
	[tilespmem:$0x1FF40] =	vst v7  }
0x47: {  	[tilespmem:$0x1FF70] =	vst v60;
	v56 =	vsel vm2, v1, v2;
	v2 =	vunpack.c.l.s4.s8 v21;
	v21 =	vadd.s32 $0x2D, v9  }
0x48: {  	v4 =	vsel vm1, v4, v51;
	[tilespmem:$0x1FBF0] =	vst v21  }
0x49: {  	v38 =	vsel vm2, v5, v4;
	[tilespmem:$0x1FEA0] =	vst v56  }
0x4a: {  	s10 =	simm.s32 $0x4000;
	v4 =	vand.u32 $0xF, v59;
	[tilespmem:$0x1FEB0] =	vst v38  }
0x4b: {  	s1 =	stileid.u32;
	v0 =	vimm.s32 $0x3E3D3C3B;
	v63 =	vimm.s32 $0xA9876543;
	v5 =	vadd.s32 $0x1D, v9;
	[tilespmem:$0x1FF00] =	vst v4  }
0x4c: {  	s11 =	simm.s32 $0x5980;
	s12 =	simm.s32 $0x80;
	s13 =	simm.s32 $0x4080;
	v1 =	vunpack.c.l.s4.s8 v63;
	v63 =	vunpack.c.0.s8.s32 v0;
	v59 =	vadd.s32 $0x21, v9;
	[tilespmem:$0x1FF20] =	vst v5  }
0x4d: {  	s14 =	simm.s32 $0x5D80;
	s15 =	simm.s32 $0x4100;
	s16 =	simm.s32 $0x7D80;
	[tilespmem:$0x1FF60] =	vst v59  }
0x4e: {  	s17 =	simm.s32 $0x4180;
	s18 =	simm.s32 $0x9D80;
	s19 =	simm.s32 $0x10;
	v21 =	vadd.s32 $0x2E, v9;
	[tilespmem:$0x1FEC0] =	vst v63  }
0x4f: {  	s20 =	simm.s32 $0x4200;
	s21 =	simm.s32 $0xBD80;
	s22 =	simm.s32 $0x1;
	v62 =	vunpack.c.0.s8.s32 v1;
	v1 =	vsel vm0, v22, v51;
	v22 =	vadd.s32 $0x2F, v9;
	[tilespmem:$0x1FFE0] =	vst v21  }
0x50: {  	s23 =	simm.s32 $0x12D80;
	s3 =	sshll.u32 s1, $0x8;
	s5 =	sshll.u32 s4, $0x7;
	v2 =	vunpack.c.0.s8.s32 v2;
	[tilespmem:$0x1FC00] =	vst v22  }
0x51: {  	s24 =	simm.s32 $0x0;
	s8 =	ssub.s32 $0x2, s4;
	s5 =	sor.u32 s5, s3;
	[tilespmem:$0x1FEE0] =	vst v1  }
0x52: {  	s4 =	sadd.s32 $0x188C00, s0;
	s31 =	sshrl.u32 s8, $0x1;
	s3 =	sshll.u32 s5, $0x4;
	v22 =	vor.u32 $0x30, v9;
	[tilespmem:$0x1FEF0] =	vst v2  }
0x53: {  	s9 =	sshrl.u32 s5, $0x3;
	s7 =	sadd.s32 s3, s0;
	s3 =	sadd.s32 $0x24C200, s0;
	v0 =	vand.u32 $0xF, v62;
	[tilespmem:$0x1FFF0] =	vst v22  }
0x54: {  	s0 =	ssub.s32 s8, s31;
	s6 =	sadd.s32 s6, s9;
	s8 =	simm.s32 $0x2;
	v62 =	vadd.s32 $0x24, v9;
	[tilespmem:$0x1FF10] =	vst v0  }
0x55: {  	s9 =	simm.s32 $0x8;
	s5 =	sadd.s32 $0x2200, s7;
	s7 =	smax.u32 s0, $0x1;
	[tilespmem:$0x1FF90] =	vst v62  }
.LBB2_1:
0x56: {  	[tilespmem:s2], [sflag:$0x2] =	stream.linear.gather [hbm4b:s5+s2], $0x4000, $0x38;
	[tilespmem:$0x14810] =	vst v63  }
0x57: {  	_ =	swait.ge [sflag:s8], $0x4000  }
0x58: {  	v0 =	vld [tilespmem:$0x1FB30];
	_ =	sdelay $0x5  }
0x59: {  	[sflag:s8] =	ssyncset.done $0x0  }
0x5a: {  	[sflag:s8] =	ssyncadd.s32 $0xFFFFC000  }
0x5b: {  	v0 =	vld.idx.msk [tilespmem:v0+s2+$0x0], $0xffff;
	_ =	sdelay $0x4  }
0x5c: {  	[tilespmem:$0x4000] =	vst v0;
	v0 =	vld [tilespmem:$0x1FAD0];
	_ =	sdelay $0x7  }
0x5d: {  	v0 =	vld.idx.msk [tilespmem:v0+s2+$0x0], $0xffff;
	_ =	sdelay $0x4  }
0x5e: {  	[tilespmem:$0x4010] =	vst v0;
	v0 =	vld [tilespmem:$0x1FAE0];
	_ =	sdelay $0x7  }
0x5f: {  	v0 =	vld.idx.msk [tilespmem:v0+s2+$0x0], $0xffff;
	_ =	sdelay $0x4  }
0x60: {  	[tilespmem:$0x4020] =	vst v0;
	v0 =	vld [tilespmem:$0x1FAF0];
	_ =	sdelay $0x7  }
0x61: {  	v0 =	vld.idx.msk [tilespmem:v0+s2+$0x0], $0xffff;
	_ =	sdelay $0x4  }
0x62: {  	[tilespmem:$0x4030] =	vst v0;
	v0 =	vld [tilespmem:$0x1FB00];
	_ =	sdelay $0x7  }
0x63: {  	v0 =	vld.idx.msk [tilespmem:v0+s2+$0x0], $0xffff;
	_ =	sdelay $0x4  }
0x64: {  	[tilespmem:$0x4040] =	vst v0;
	v0 =	vld [tilespmem:$0x1FB10];
	_ =	sdelay $0x7  }
0x65: {  	v0 =	vld.idx.msk [tilespmem:v0+s2+$0x0], $0xffff  }
0x66: {  	v1 =	vmov s2  }
0x67: {  	v1 =	vmul.u32 $0x51EC, v1;
	_ =	sdelay $0x1  }
0x68: {  	v1 =	vadd.s32 v10, v1  }
0x69: {  	[tilespmem:$0x4050] =	vst v0;
	v0 =	vshrl.u32 v1, $0x14;
	v1 =	vld [tilespmem:$0x1FB20];
	_ =	sdelay $0x5  }
0x6a: {  	v5 =	vld [tilespmem:$0x1FB40];
	_ =	sdelay $0x1  }
0x6b: {  	v1 =	vld.idx.msk [tilespmem:v1+s2+$0x0], $0xffff  }
0x6c: {  	s0 =	simm.s32 $0x10;
	v2 =	vmul.u32 $0xFFFFFFCE, v0  }
0x6d: {  	v3 =	vmov s0  }
0x6e: {  	v3 =	vmul.u32 $0x51EC, v3;
	v2 =	vadd.s32 s2, v2  }
0x6f: {  	v2 =	vadd.s32 v11, v2  }
0x70: {  	v3 =	vadd.s32 v10, v3;
	v0 =	vshll.u32 v0, $0x7;
	v4 =	vand.u32 $0xFFFFFFF8, v2;
	[tilespmem:$0x4060] =	vst v1  }
0x71: {  	s25 =	simm.s32 $0x20;
	v0 =	vadd.s32 v0, v4;
	v1 =	vand.u32 $0x7, v2;
	v2 =	vshrl.u32 v3, $0x14;
	v5 =	vld.idx.msk [tilespmem:v5+s2+$0x0], $0xffff  }
0x72: {  	v3 =	vmov s25;
	v4 =	vmul.u32 $0xFFFFFFCE, v2;
	v1 =	vor.u32 v1, v0  }
0x73: {  	v3 =	vmul.u32 $0x51EC, v3  }
0x74: {  	v0 =	vadd.s32 s0, v4  }
0x75: {  	v3 =	vadd.s32 v10, v3;
	v4 =	vadd.s32 v11, v0  }
0x76: {  	v2 =	vshll.u32 v2, $0x7;
	v0 =	vshrl.u32 v3, $0x14;
	v3 =	vand.u32 $0xFFFFFFF8, v4;
	[tilespmem:$0x4070] =	vst v5  }
0x77: {  	v2 =	vadd.s32 v2, v3;
	v3 =	vand.u32 $0x7, v4;
	v1 =	vld.idx.msk [tilespmem:v1+s2+$0x0], $0xffff  }
0x78: {  	v2 =	vor.u32 v3, v2  }
0x79: {  	v6 =	vmul.u32 $0xFFFFFFCE, v0  }
0x7a: {  	s0 =	simm.s32 $0x30  }
0x7b: {  	s26 =	simm.s32 $0x40;
	v3 =	vmov s0;
	v4 =	vadd.s32 s25, v6;
	s25 =	simm.s32 $0x4080  }
.LBB2_2:
0x7c: {  	p0 =	sne.s32 s26, $0x18F0;
	v3 =	vmul.u32 $0x51EC, v3;
	v4 =	vadd.s32 v11, v4;
	[tilespmem:s25+$0x0] =	vst v1  }
0x7d: {  	v0 =	vshll.u32 v0, $0x7;
	v5 =	vand.u32 $0xFFFFFFF8, v4;
	v1 =	vld.idx.msk [tilespmem:v2+s2+$0x0], $0xffff  }
.Ltmp0:
0x7e: {  	v2 =	vadd.s32 v10, v3;
	v3 =	vand.u32 $0x7, v4;
	v4 =	vadd.s32 v0, v5;
	(pc) =	sbr.rel @p0 .LBB2_2-.Ltmp0, $3  }
0x7f: {  	v0 =	vshrl.u32 v2, $0x14;
	v2 =	vor.u32 v3, v4  }
0x80: {  	v4 =	vmul.u32 $0xFFFFFFCE, v0;
	_ =	sdelay $0x1  }
0x81: {  	s25 =	sadd.s32 $0x10, s25;
	v3 =	vmov s26;
	v4 =	vadd.s32 s0, v4;
	s0 =	smov.u32 s26;
	s26 =	sadd.s32 $0x10, s26  }
0x82: {  	_ = 	snop  }
0x83: {  	v3 =	vmul.u32 $0x51EC, v3  }
0x84: {  	v4 =	vadd.s32 v11, v4  }
0x85: {  	[tilespmem:s25+$0x0] =	vst v1;
	v0 =	vshll.u32 v0, $0x7;
	v61 =	vand.u32 $0xFFFFFFF8, v4;
	v3 =	vadd.s32 v10, v3  }
0x86: {  	v2 =	vld.idx.msk [tilespmem:v2+s2+$0x0], $0xffff;
	v4 =	vand.u32 $0x7, v4;
	v0 =	vadd.s32 v0, v61;
	v62 =	vshrl.u32 v3, $0x14  }
0x87: {  	v0 =	vor.u32 v4, v0;
	v3 =	vmul.u32 $0xFFFFFFCE, v62;
	_ =	sdelay $0x1  }
0x88: {  	v3 =	vadd.s32 s0, v3  }
0x89: {  	s31 =	sadd.s32 $0x10, s25;
	v3 =	vadd.s32 v11, v3  }
0x8a: {  	v1 =	vshll.u32 v62, $0x7;
	[tilespmem:s31+$0x0] =	vst v2;
	v63 =	vand.u32 $0xFFFFFFF8, v3  }
0x8b: {  	v0 =	vld.idx.msk [tilespmem:v0+s2+$0x0], $0xffff;
	v3 =	vand.u32 $0x7, v3;
	v1 =	vadd.s32 v1, v63  }
0x8c: {  	v1 =	vor.u32 v3, v1;
	_ =	sdelay $0x2  }
0x8d: {  	s0 =	sadd.s32 $0x10, s31  }
0x8e: {  	[tilespmem:s0+$0x0] =	vst v0  }
0x8f: {  	v0 =	vld.idx.msk [tilespmem:v1+s2+$0x0], $0xffff;
	_ =	sdelay $0x3  }
0x90: {  	s0 =	sadd.s32 $0x10, s0  }
0x91: {  	[tilespmem:s0+$0x0] =	vst v0  }
0x92: {  	[tilespmem:s11], [sflag:$0x1] =	stream.indirect.gather [hbm4b:s3+s9], $0x40, s10, s9, $0xb8;
	[tilespmem:$0x14810] =	vst v63  }
0x93: {  	_ = 	snop  }
0x94: {  	[tilespmem:s14], [sflag:$0x1] =	stream.indirect.gather [hbm4b:s4+s12], $0x40, s13, s12, $0xb8;
	[tilespmem:$0x14810] =	vst v63  }
0x95: {  	_ = 	snop  }
0x96: {  	[tilespmem:s16], [sflag:$0x1] =	stream.indirect.gather [hbm4b:s4+s12], $0x40, s15, s12, $0xb8;
	[tilespmem:$0x14810] =	vst v63  }
0x97: {  	_ = 	snop  }
0x98: {  	[tilespmem:s18], [sflag:$0x1] =	stream.indirect.gather [hbm4b:s4+s12], $0x40, s17, s12, $0xb8;
	[tilespmem:$0x14810] =	vst v63  }
0x99: {  	p0 =	por $0x0, $0x0;
	s25 =	simm.s32 $0x0;
	s26 =	simm.s32 $0x0  }
0x9a: {  	[tilespmem:s21], [sflag:$0x1] =	stream.indirect.gather [hbm4b:s4+s19], $0x40, s20, s19, $0xb8;
	[tilespmem:$0x14810] =	vst v63  }
.LBB2_5:
0x9b: {  	s0 =	smov.u32 s26  }
0x9c: {  	s26 =	sadd.s32 $0x1, s26;
	p1 =	seq.s32 s0, $0xF  }
0x9d: {  	s0 =	sand.u32 @!p1 $0x1, s26;
	s29 =	sshll.u32 @!p1 s26, $0x3;
	s30 =	simm.s32 @!p1 $0x8  }
0x9e: {  	s31 =	smul.u32 @!p1 $0x640, s26;
	s28 =	sshll.u32 @!p1 s0, $0x9;
	s29 =	sand.u32 @!p1 $0x3FFFFFF8, s29  }
0x9f: {  	s0 =	smul.u32 @!p1 $0x1A000, s0;
	s28 =	sor.u32 @!p1 $0x5980, s28;
	s29 =	sadd.s32 @!p1 $0x4000, s29  }
0xa0: {  	[tilespmem:s28], [sflag:$0x1] =	stream.indirect.gather @!p1 [hbm4b:s3+s30], $0x40, s29, s30, $0xb8;
	[tilespmem:$0x14810] =	vst v63  }
0xa1: {  	s0 =	sshrl.u32 @!p1 s0, $0x2;
	s28 =	sshra.s32 @!p1 s31, $0x2  }
0xa2: {  	s31 =	simm.s32 @!p1 $0x80;
	s29 =	sadd.s32 @!p1 $0x5D80, s0;
	s30 =	sadd.s32 @!p1 $0x4080, s28  }
0xa3: {  	[tilespmem:s29], [sflag:$0x1] =	stream.indirect.gather @!p1 [hbm4b:s4+s31], $0x40, s30, s31, $0xb8;
	[tilespmem:$0x14810] =	vst v63  }
0xa4: {  	s29 =	sadd.s32 @!p1 $0x7D80, s0;
	s30 =	sadd.s32 @!p1 $0x4100, s28  }
0xa5: {  	[tilespmem:s29], [sflag:$0x1] =	stream.indirect.gather @!p1 [hbm4b:s4+s31], $0x40, s30, s31, $0xb8;
	[tilespmem:$0x14810] =	vst v63  }
0xa6: {  	s29 =	sadd.s32 @!p1 $0x9D80, s0;
	s30 =	sadd.s32 @!p1 $0x4180, s28  }
0xa7: {  	[tilespmem:s29], [sflag:$0x1] =	stream.indirect.gather @!p1 [hbm4b:s4+s31], $0x40, s30, s31, $0xb8;
	[tilespmem:$0x14810] =	vst v63  }
0xa8: {  	s0 =	sadd.s32 @!p1 $0xBD80, s0;
	s28 =	sadd.s32 @!p1 $0x4200, s28;
	s29 =	simm.s32 @!p1 $0x10  }
0xa9: {  	[tilespmem:s0], [sflag:$0x1] =	stream.indirect.gather @!p1 [hbm4b:s4+s29], $0x40, s28, s29, $0xb8;
	[tilespmem:$0x14810] =	vst v63  }
0xaa: {  	_ =	swait.ge [sflag:s22], $0x6400  }
0xab: {  	[sflag:s22] =	ssyncset.done $0x0  }
0xac: {  	s0 =	simm.s32 $0x1;
	[sflag:s22] =	ssyncadd.s32 $0xFFFF9C00  }
0xad: {  	s0 =	simm.s32 @!p0 $0x0;
	_ =	swait.ge [sflag:s22], $0x200  }
0xae: {  	s30 =	smov.u32 s25;
	s28 =	smul.u32 $0x1A0, s0;
	[sflag:s22] =	ssyncset.done $0x0  }
0xaf: {  	s31 =	simm.s32 $0x0;
	s29 =	sshll.u32 s0, $0x3;
	[sflag:s22] =	ssyncadd.s32 $0xFFFFFE00  }
.LBB2_6:
0xb0: {  	s1 =	sadd.s32 s31, s28  }
0xb1: {  	s0 =	sadd.s32 $0x10, s1  }
0xb2: {  	v1 =	vmov s0;
	s0 =	sadd.s32 $0x20, s1  }
0xb3: {  	v2 =	vmov s0;
	s0 =	sshll.u32 s29, $0x6  }
0xb4: {  	v3 =	vor.u32 s0, v9  }
0xb5: {  	v0 =	vmov s1;
	v43 =	vor.u32 s0, v11  }
0xb6: {  	v0 =	vshll.u32 v0, $0x6;
	v5 =	vor.u32 s0, v13  }
0xb7: {  	v1 =	vshll.u32 v1, $0x6;
	v62 =	vadd.s32 v12, v0;
	v50 =	vor.u32 s0, v14  }
0xb8: {  	s1 =	sadd.s32 $0x30, s1;
	v61 =	vadd.s32 v12, v1;
	v4 =	vor.u32 v9, v62  }
0xb9: {  	v42 =	vmov s1;
	v1 =	vor.u32 v9, v61;
	v15 =	vld.idx.msk [tilespmem:v3+s11+$0x0], $0xffff  }
0xba: {  	v2 =	vshll.u32 v2, $0x6;
	v0 =	vshll.u32 v42, $0x6;
	v44 =	vor.u32 v11, v62;
	v21 =	vld.idx.msk [tilespmem:v43+s11+$0x0], $0xffff  }
0xbb: {  	v60 =	vadd.s32 v12, v2;
	v59 =	vadd.s32 v12, v0;
	v45 =	vor.u32 v11, v61;
	v12 =	vld.idx.msk [tilespmem:v5+s11+$0x0], $0xffff  }
0xbc: {  	v6 =	vor.u32 v13, v62;
	v16 =	vld.idx.msk [tilespmem:v50+s11+$0x0], $0xffff  }
0xbd: {  	v48 =	vor.u32 v13, v61;
	v63 =	vld.idx.msk [tilespmem:v4+s14+$0x0], $0xffff  }
0xbe: {  	v51 =	vor.u32 v14, v62;
	v27 =	vld.idx.msk [tilespmem:v1+s14+$0x0], $0xffff  }
0xbf: {  	v52 =	vor.u32 v14, v61;
	v17 =	vld.idx.msk [tilespmem:v44+s14+$0x0], $0xffff  }
0xc0: {  	v54 =	vor.u32 v18, v62;
	v58 =	vld.idx.msk [tilespmem:v45+s14+$0x0], $0xffff  }
0xc1: {  	v55 =	vor.u32 v18, v61;
	v30 =	vld.idx.msk [tilespmem:v6+s14+$0x0], $0xffff  }
0xc2: {  	v8 =	vor.u32 v13, v59;
	v33 =	vld.idx.msk [tilespmem:v48+s14+$0x0], $0xffff  }
0xc3: {  	v2 =	vor.u32 v9, v60;
	v31 =	vld.idx.msk [tilespmem:v51+s14+$0x0], $0xffff  }
0xc4: {  	v0 =	vor.u32 v9, v59;
	v36 =	vld.idx.msk [tilespmem:v52+s14+$0x0], $0xffff  }
0xc5: {  	v46 =	vor.u32 v11, v60;
	v57 =	vld.idx.msk [tilespmem:v54+s14+$0x0], $0xffff  }
0xc6: {  	v47 =	vor.u32 v11, v59;
	v11 =	vor.u32 v19, v61;
	v51 =	vld.idx.msk [tilespmem:v55+s14+$0x0], $0xffff  }
0xc7: {  	v40 =	vld.idx.msk [tilespmem:v8+s14+$0x0], $0xffff;
	v8 =	vor.u32 v14, v59  }
0xc8: {  	v23 =	vld.idx.msk [tilespmem:v2+s14+$0x0], $0xffff  }
0xc9: {  	v9 =	vor.u32 s0, v18;
	v28 =	vld.idx.msk [tilespmem:v0+s14+$0x0], $0xffff  }
0xca: {  	v10 =	vor.u32 v18, v60;
	v20 =	vld.idx.msk [tilespmem:v46+s14+$0x0], $0xffff  }
0xcb: {  	v42 =	vld.idx.msk [tilespmem:v11+s14+$0x0], $0xffff;
	v11 =	vor.u32 v24, v61  }
0xcc: {  	v41 =	vld.idx.msk [tilespmem:v8+s14+$0x0], $0xffff;
	v8 =	vor.u32 v18, v59;
	v18 =	vor.u32 v24, v60  }
0xcd: {  	v22 =	vld.idx.msk [tilespmem:v47+s14+$0x0], $0xffff  }
0xce: {  	v49 =	vor.u32 v13, v60;
	v13 =	vld.idx.msk [tilespmem:v9+s11+$0x0], $0xffff  }
0xcf: {  	v53 =	vor.u32 v14, v60;
	v38 =	vld.idx.msk [tilespmem:v10+s14+$0x0], $0xffff  }
0xd0: {  	v48 =	vld.idx.msk [tilespmem:v11+s14+$0x0], $0xffff;
	v11 =	vor.u32 v25, v61  }
0xd1: {  	v3 =	vor.u32 v19, v62;
	v9 =	vor.u32 s0, v19;
	v44 =	vld.idx.msk [tilespmem:v18+s14+$0x0], $0xffff;
	v18 =	vor.u32 v25, v60  }
0xd2: {  	v10 =	vor.u32 v19, v60;
	v54 =	vld.idx.msk [tilespmem:v8+s14+$0x0], $0xffff;
	v8 =	vor.u32 v19, v59;
	v19 =	vor.u32 v24, v59  }
0xd3: {  	v35 =	vld.idx.msk [tilespmem:v49+s14+$0x0], $0xffff  }
0xd4: {  	v46 =	vld.idx.msk [tilespmem:v53+s14+$0x0], $0xffff  }
0xd5: {  	v47 =	vld.idx.msk [tilespmem:v11+s14+$0x0], $0xffff;
	v11 =	vor.u32 v26, v61  }
0xd6: {  	v56 =	vld.idx.msk [tilespmem:v18+s14+$0x0], $0xffff;
	v18 =	vor.u32 v26, v60  }
0xd7: {  	v50 =	vld.idx.msk [tilespmem:v19+s14+$0x0], $0xffff;
	v19 =	vor.u32 v25, v59  }
0xd8: {  	v14 =	vor.u32 v24, v62;
	v29 =	vld.idx.msk [tilespmem:v9+s11+$0x0], $0xffff  }
0xd9: {  	v9 =	vor.u32 s0, v24;
	v43 =	vld.idx.msk [tilespmem:v10+s14+$0x0], $0xffff;
	v24 =	vor.u32 s0, v25  }
0xda: {  	v5 =	vld.idx.msk [tilespmem:v11+s14+$0x0], $0xffff;
	v11 =	vor.u32 v32, v61  }
0xdb: {  	v6 =	vld.idx.msk [tilespmem:v18+s14+$0x0], $0xffff;
	v18 =	vor.u32 v32, v60  }
0xdc: {  	v4 =	vld.idx.msk [tilespmem:v19+s14+$0x0], $0xffff  }
0xdd: {  	v10 =	vld.idx.msk [tilespmem:v14+s14+$0x0], $0xffff  }
0xde: {  	v53 =	vld.idx.msk [tilespmem:v24+s11+$0x0], $0xffff  }
0xdf: {  	v14 =	vor.u32 v25, v62;
	v7 =	vld.idx.msk [tilespmem:v11+s14+$0x0], $0xffff  }
0xe0: {  	v25 =	vor.u32 v32, v59;
	v34 =	vld.idx.msk [tilespmem:v18+s14+$0x0], $0xffff  }
0xe1: {  	v24 =	vor.u32 s0, v26;
	[tilespmem:$0x1F9A0] =	vst v4;
	v4 =	vld [tilespmem:$0x1FCD0]  }
0xe2: {  	v37 =	vld.idx.msk [tilespmem:v3+s14+$0x0], $0xffff;
	v11 =	vor.u32 v39, v61  }
0xe3: {  	v3 =	vld [tilespmem:$0x1FB50]  }
0xe4: {  	v52 =	vld.idx.msk [tilespmem:v14+s14+$0x0], $0xffff;
	v14 =	vor.u32 v26, v62  }
0xe5: {  	v45 =	vld.idx.msk [tilespmem:v25+s14+$0x0], $0xffff;
	[tilespmem:$0x1F9E0] =	vst v34;
	v34 =	vor.u32 v39, v60  }
0xe6: {  	v55 =	vld.idx.msk [tilespmem:v24+s11+$0x0], $0xffff;
	[tilespmem:$0x1F9D0] =	vst v7;
	v7 =	vor.u32 v4, v60  }
0xe7: {  	v24 =	vor.u32 s0, v32;
	[tilespmem:$0x1F9B0] =	vst v5;
	v5 =	vld.idx.msk [tilespmem:v11+s14+$0x0], $0xffff  }
0xe8: {  	v9 =	vld.idx.msk [tilespmem:v9+s11+$0x0], $0xffff;
	v19 =	vor.u32 v26, v59;
	v26 =	vor.u32 s0, v39  }
0xe9: {  	v49 =	vld.idx.msk [tilespmem:v14+s14+$0x0], $0xffff;
	v14 =	vor.u32 v32, v62;
	[tilespmem:$0x1F9C0] =	vst v6  }
0xea: {  	[tilespmem:$0x1F9F0] =	vst v45;
	v45 =	vor.u32 v4, v61;
	v6 =	vld.idx.msk [tilespmem:v34+s14+$0x0], $0xffff  }
0xeb: {  	v0 =	vld.idx.msk [tilespmem:v7+s14+$0x0], $0xffff  }
0xec: {  	v32 =	vld.idx.msk [tilespmem:v24+s11+$0x0], $0xffff;
	[tilespmem:$0x1FA00] =	vst v5;
	v5 =	vor.u32 v3, v60  }
0xed: {  	v18 =	vld.idx.msk [tilespmem:v26+s11+$0x0], $0xffff;
	v26 =	vor.u32 s0, v4  }
0xee: {  	v2 =	vor.u32 v3, v61;
	v24 =	vld.idx.msk [tilespmem:v14+s14+$0x0], $0xffff  }
0xef: {  	[tilespmem:$0x1FA10] =	vst v6;
	v6 =	vld.idx.msk [tilespmem:v45+s14+$0x0], $0xffff  }
0xf0: {  	[tilespmem:$0x1FA30] =	vst v0;
	v0 =	vld [tilespmem:$0x1FB60]  }
0xf1: {  	v14 =	vor.u32 v39, v62;
	v5 =	vld.idx.msk [tilespmem:v5+s14+$0x0], $0xffff  }
0xf2: {  	v25 =	vor.u32 v39, v59;
	v11 =	vld.idx.msk [tilespmem:v26+s11+$0x0], $0xffff  }
0xf3: {  	v1 =	vor.u32 v3, v62;
	v26 =	vor.u32 s0, v3;
	v3 =	vor.u32 v3, v59;
	v7 =	vld.idx.msk [tilespmem:v2+s14+$0x0], $0xffff  }
0xf4: {  	v8 =	vld.idx.msk [tilespmem:v8+s14+$0x0], $0xffff  }
0xf5: {  	v19 =	vld.idx.msk [tilespmem:v19+s14+$0x0], $0xffff;
	[tilespmem:$0x1FA20] =	vst v6;
	v6 =	vor.u32 v0, v62  }
0xf6: {  	v14 =	vld.idx.msk [tilespmem:v14+s14+$0x0], $0xffff;
	[tilespmem:$0x1FA50] =	vst v5;
	v5 =	vor.u32 v0, v60  }
0xf7: {  	v39 =	vor.u32 v4, v62;
	v34 =	vld.idx.msk [tilespmem:v25+s14+$0x0], $0xffff  }
0xf8: {  	v25 =	vor.u32 v4, v59;
	[tilespmem:$0x1FA40] =	vst v7;
	v7 =	vld.idx.msk [tilespmem:v3+s14+$0x0], $0xffff  }
0xf9: {  	v4 =	vor.u32 s0, v0;
	v2 =	vor.u32 v0, v61;
	v3 =	vor.u32 v0, v59;
	v0 =	vld [tilespmem:$0x1FB70]  }
0xfa: {  	v6 =	vld.idx.msk [tilespmem:v6+s14+$0x0], $0xffff  }
0xfb: {  	v5 =	vld.idx.msk [tilespmem:v5+s14+$0x0], $0xffff  }
0xfc: {  	v63 =	vmul.f32 v63, v15;
	v39 =	vld.idx.msk [tilespmem:v39+s14+$0x0], $0xffff  }
0xfd: {  	v17 =	vmul.f32 v17, v21;
	v45 =	vld.idx.msk [tilespmem:v26+s11+$0x0], $0xffff  }
0xfe: {  	v27 =	vmul.f32 v27, v15;
	v20 =	vmul.f32 v20, v21;
	v26 =	vld.idx.msk [tilespmem:v1+s14+$0x0], $0xffff;
	v1 =	vadd.f32 $0.0e+00, v63;
	[tilespmem:$0x1FA60] =	vst v7  }
0xff: {  	v22 =	vmul.f32 v22, v21;
	v25 =	vld.idx.msk [tilespmem:v25+s14+$0x0], $0xffff;
	[tilespmem:$0x1FA70] =	vst v6;
	v6 =	vor.u32 v0, v62  }
0x100: {  	v7 =	vadd.f32 v17, v1;
	v17 =	vmul.f32 v58, v21;
	v21 =	vld [tilespmem:$0x1FB80];
	[tilespmem:$0x1FA90] =	vst v5;
	v5 =	vor.u32 v0, v60  }
0x101: {  	v23 =	vmul.f32 v23, v15;
	v1 =	vld.idx.msk [tilespmem:v2+s14+$0x0], $0xffff  }
0x102: {  	v28 =	vmul.f32 v28, v15;
	v27 =	vadd.f32 $0.0e+00, v27;
	v15 =	vld.idx.msk [tilespmem:v3+s14+$0x0], $0xffff;
	v3 =	vor.u32 v0, v59  }
0x103: {  	v63 =	vld.idx.msk [tilespmem:v4+s11+$0x0], $0xffff;
	v4 =	vor.u32 s0, v0  }
0x104: {  	v27 =	vadd.f32 v17, v27;
	v17 =	vmul.f32 v30, v12;
	v2 =	vor.u32 v0, v61;
	v30 =	vld.idx.msk [tilespmem:v6+s14+$0x0], $0xffff  }
0x105: {  	v5 =	vld.idx.msk [tilespmem:v5+s14+$0x0], $0xffff  }
0x106: {  	v31 =	vmul.f32 v31, v16;
	v23 =	vadd.f32 $0.0e+00, v23;
	[tilespmem:$0x1FA80] =	vst v1;
	v1 =	vor.u32 v21, v62;
	v6 =	vld [tilespmem:$0x1FB90]  }
0x107: {  	v28 =	vadd.f32 $0.0e+00, v28;
	v0 =	vadd.f32 v17, v7;
	v17 =	vld.idx.msk [tilespmem:v3+s14+$0x0], $0xffff;
	v3 =	vor.u32 v21, v59  }
0x108: {  	v46 =	vmul.f32 v46, v16;
	v57 =	vmul.f32 v57, v13;
	v58 =	vld.idx.msk [tilespmem:v4+s11+$0x0], $0xffff;
	v4 =	vor.u32 s0, v21  }
0x109: {  	v20 =	vadd.f32 v20, v23;
	v23 =	vadd.f32 v22, v28;
	v22 =	vld.idx.msk [tilespmem:v2+s14+$0x0], $0xffff;
	[tilespmem:$0x1FAA0] =	vst v30  }
0x10a: {  	v2 =	vor.u32 v21, v61;
	v30 =	vmul.f32 v33, v12;
	[tilespmem:$0x1FAB0] =	vst v5;
	v5 =	vor.u32 v21, v60  }
0x10b: {  	v33 =	vmul.f32 v35, v12;
	v35 =	vmul.f32 v40, v12;
	v21 =	vld.idx.msk [tilespmem:v1+s14+$0x0], $0xffff;
	v1 =	vor.u32 v6, v62  }
0x10c: {  	v40 =	vmul.f32 v36, v16;
	v36 =	vor.u32 v6, v61;
	v16 =	vmul.f32 v41, v16;
	v41 =	vld.idx.msk [tilespmem:v3+s14+$0x0], $0xffff  }
0x10d: {  	v3 =	vor.u32 v6, v59;
	v27 =	vadd.f32 v30, v27;
	v30 =	vld.idx.msk [tilespmem:v4+s11+$0x0], $0xffff;
	v20 =	vadd.f32 v33, v20  }
0x10e: {  	v4 =	vor.u32 s0, v6;
	v7 =	vadd.f32 v35, v23;
	v23 =	vadd.f32 v31, v0;
	v0 =	vld [tilespmem:$0x1FCE0]  }
0x10f: {  	v28 =	vld.idx.msk [tilespmem:v2+s14+$0x0], $0xffff;
	v12 =	vmul.f32 v54, v13;
	v31 =	vmul.f32 v37, v29;
	v27 =	vadd.f32 v40, v27  }
0x110: {  	v20 =	vadd.f32 v46, v20;
	v7 =	vadd.f32 v16, v7;
	v40 =	vmul.f32 v38, v13;
	v33 =	vld.idx.msk [tilespmem:v5+s14+$0x0], $0xffff  }
0x111: {  	v23 =	vadd.f32 v57, v23;
	v38 =	vmul.f32 v42, v29;
	v42 =	vmul.f32 v43, v29;
	v57 =	vld.idx.msk [tilespmem:v1+s14+$0x0], $0xffff  }
0x112: {  	v43 =	vmul.f32 v10, v9;
	v5 =	vor.u32 v6, v60;
	v6 =	vmul.f32 v51, v13;
	v51 =	vld.idx.msk [tilespmem:v36+s14+$0x0], $0xffff  }
0x113: {  	v20 =	vadd.f32 v40, v20;
	v7 =	vadd.f32 v12, v7;
	v16 =	vld.idx.msk [tilespmem:v4+s11+$0x0], $0xffff;
	v4 =	vor.u32 s0, v0  }
0x114: {  	v40 =	vld.idx.msk [tilespmem:v3+s14+$0x0], $0xffff;
	v1 =	vor.u32 v0, v62;
	v46 =	vor.u32 v0, v61;
	v27 =	vadd.f32 v6, v27  }
0x115: {  	v37 =	vor.u32 v0, v60;
	v12 =	vor.u32 v0, v59;
	v6 =	vadd.f32 v31, v23;
	v0 =	vld [tilespmem:$0x1FCF0]  }
0x116: {  	v20 =	vadd.f32 v42, v20;
	v42 =	vmul.f32 v44, v9;
	v44 =	vmul.f32 v49, v55;
	v49 =	vld [tilespmem:$0x1F9D0]  }
0x117: {  	v6 =	vadd.f32 v43, v6;
	v43 =	vmul.f32 v52, v53;
	v52 =	vld [tilespmem:$0x1F9A0]  }
0x118: {  	v13 =	vmul.f32 v8, v29;
	v54 =	vld.idx.msk [tilespmem:v5+s14+$0x0], $0xffff  }
0x119: {  	v23 =	vld.idx.msk [tilespmem:v4+s11+$0x0], $0xffff  }
0x11a: {  	v48 =	vmul.f32 v48, v9;
	v13 =	vadd.f32 v13, v7;
	v9 =	vmul.f32 v50, v9;
	v3 =	vld.idx.msk [tilespmem:v46+s14+$0x0], $0xffff  }
0x11b: {  	v50 =	vmul.f32 v56, v53;
	v20 =	vadd.f32 v42, v20;
	v4 =	vor.u32 s0, v0;
	v46 =	vld.idx.msk [tilespmem:v37+s14+$0x0], $0xffff  }
0x11c: {  	v13 =	vadd.f32 v9, v13;
	v35 =	vor.u32 v0, v62;
	v10 =	vor.u32 v0, v61;
	v7 =	vld.idx.msk [tilespmem:v12+s14+$0x0], $0xffff  }
0x11d: {  	v5 =	vor.u32 v0, v60;
	v12 =	vor.u32 v0, v59;
	v0 =	vld [tilespmem:$0x1FD00];
	v56 =	vmul.f32 v52, v53  }
0x11e: {  	v20 =	vadd.f32 v50, v20;
	v50 =	vld [tilespmem:$0x1F9B0]  }
0x11f: {  	v13 =	vadd.f32 v56, v13;
	v56 =	vld [tilespmem:$0x1F9C0]  }
0x120: {  	v31 =	vld.idx.msk [tilespmem:v4+s11+$0x0], $0xffff  }
0x121: {  	[tilespmem:$0x1FAC0] =	vst v46;
	v46 =	vld.idx.msk [tilespmem:v35+s14+$0x0], $0xffff  }
0x122: {  	v27 =	vadd.f32 v38, v27;
	v9 =	vld.idx.msk [tilespmem:v10+s14+$0x0], $0xffff  }
0x123: {  	v4 =	vor.u32 s0, v0;
	v37 =	vld.idx.msk [tilespmem:v5+s14+$0x0], $0xffff  }
0x124: {  	v27 =	vadd.f32 v48, v27;
	v48 =	vmul.f32 v47, v53;
	v35 =	vor.u32 v0, v62;
	v47 =	vld.idx.msk [tilespmem:v12+s14+$0x0], $0xffff  }
0x125: {  	v10 =	vor.u32 v0, v61;
	v5 =	vor.u32 v0, v60;
	v12 =	vor.u32 v0, v59;
	v0 =	vld [tilespmem:$0x1FD10]  }
0x126: {  	v52 =	vmul.f32 v50, v55;
	v50 =	vld [tilespmem:$0x1F9E0]  }
0x127: {  	v2 =	vmul.f32 v56, v55;
	v56 =	vld [tilespmem:$0x1F9F0]  }
0x128: {  	v53 =	vld.idx.msk [tilespmem:v4+s11+$0x0], $0xffff  }
0x129: {  	v27 =	vadd.f32 v48, v27;
	v48 =	vld.idx.msk [tilespmem:v35+s14+$0x0], $0xffff  }
0x12a: {  	v42 =	vld.idx.msk [tilespmem:v10+s14+$0x0], $0xffff  }
0x12b: {  	v6 =	vadd.f32 v43, v6;
	v27 =	vadd.f32 v52, v27;
	v4 =	vor.u32 s0, v0;
	v38 =	vld.idx.msk [tilespmem:v5+s14+$0x0], $0xffff  }
0x12c: {  	v35 =	vor.u32 v0, v62;
	v10 =	vor.u32 v0, v61;
	v5 =	vor.u32 v0, v60;
	v43 =	vld.idx.msk [tilespmem:v12+s14+$0x0], $0xffff  }
0x12d: {  	v12 =	vor.u32 v0, v59;
	v0 =	vld [tilespmem:$0x1FD20];
	v52 =	vmul.f32 v50, v32;
	v20 =	vadd.f32 v2, v20  }
0x12e: {  	v19 =	vmul.f32 v19, v55;
	v50 =	vld [tilespmem:$0x1FA00]  }
0x12f: {  	v24 =	vmul.f32 v24, v32;
	v6 =	vadd.f32 v44, v6;
	v20 =	vadd.f32 v52, v20;
	v52 =	vld [tilespmem:$0x1FA10]  }
0x130: {  	v14 =	vmul.f32 v14, v18;
	v55 =	vld.idx.msk [tilespmem:v4+s11+$0x0], $0xffff  }
0x131: {  	v6 =	vadd.f32 v24, v6;
	v13 =	vadd.f32 v19, v13;
	v19 =	vmul.f32 v49, v32;
	v49 =	vld.idx.msk [tilespmem:v35+s14+$0x0], $0xffff  }
0x132: {  	v29 =	vmul.f32 v56, v32;
	v32 =	vld.idx.msk [tilespmem:v10+s14+$0x0], $0xffff  }
0x133: {  	v6 =	vadd.f32 v14, v6;
	v24 =	vor.u32 v0, v62;
	v44 =	vld.idx.msk [tilespmem:v5+s14+$0x0], $0xffff  }
0x134: {  	v19 =	vadd.f32 v19, v27;
	v4 =	vor.u32 s0, v0;
	v10 =	vor.u32 v0, v61;
	v56 =	vld.idx.msk [tilespmem:v12+s14+$0x0], $0xffff  }
0x135: {  	v5 =	vor.u32 v0, v60;
	v12 =	vor.u32 v0, v59;
	v14 =	vmul.f32 v50, v18;
	v0 =	vld [tilespmem:$0x1FD30]  }
0x136: {  	v13 =	vadd.f32 v29, v13;
	v29 =	vld [tilespmem:$0x1FA20]  }
0x137: {  	v14 =	vadd.f32 v14, v19;
	v19 =	vmul.f32 v39, v11;
	v39 =	vld [tilespmem:$0x1FA30]  }
0x138: {  	v34 =	vmul.f32 v34, v18;
	v35 =	vld.idx.msk [tilespmem:v24+s14+$0x0], $0xffff  }
0x139: {  	v2 =	vmul.f32 v52, v18;
	v18 =	vld.idx.msk [tilespmem:v10+s14+$0x0], $0xffff  }
0x13a: {  	v13 =	vadd.f32 v34, v13;
	v27 =	vor.u32 s0, v0;
	v34 =	vld.idx.msk [tilespmem:v5+s14+$0x0], $0xffff  }
0x13b: {  	v6 =	vadd.f32 v19, v6;
	v50 =	vor.u32 v0, v62;
	v24 =	vld.idx.msk [tilespmem:v12+s14+$0x0], $0xffff  }
0x13c: {  	v20 =	vadd.f32 v2, v20;
	v19 =	vmul.f32 v29, v11;
	v29 =	vld [tilespmem:$0x1FA40];
	v52 =	vmul.f32 v39, v11  }
0x13d: {  	v10 =	vor.u32 v0, v61;
	v36 =	vor.u32 v0, v60;
	v12 =	vor.u32 v0, v59;
	v0 =	vld [tilespmem:$0x1FD40]  }
0x13e: {  	v20 =	vadd.f32 v52, v20;
	v52 =	vld [tilespmem:$0x1FA50]  }
0x13f: {  	v11 =	vmul.f32 v25, v11;
	v25 =	vmul.f32 v26, v45;
	v5 =	vld.idx.msk [tilespmem:v27+s11+$0x0], $0xffff  }
0x140: {  	v26 =	vld.idx.msk [tilespmem:v50+s14+$0x0], $0xffff  }
0x141: {  	v39 =	vadd.f32 v25, v6;
	v6 =	vmul.f32 v29, v45;
	v29 =	vld [tilespmem:$0x1FA60]  }
0x142: {  	v14 =	vadd.f32 v19, v14;
	v50 =	vor.u32 v0, v62;
	v19 =	vld.idx.msk [tilespmem:v10+s14+$0x0], $0xffff  }
0x143: {  	v25 =	vld.idx.msk [tilespmem:v36+s14+$0x0], $0xffff  }
0x144: {  	v11 =	vadd.f32 v11, v13;
	v27 =	vor.u32 s0, v0;
	v10 =	vor.u32 v0, v61;
	v13 =	vld.idx.msk [tilespmem:v12+s14+$0x0], $0xffff  }
0x145: {  	v36 =	vor.u32 v0, v60;
	v12 =	vor.u32 v0, v59;
	v0 =	vld [tilespmem:$0x1FD50];
	v52 =	vmul.f32 v52, v45  }
0x146: {  	v45 =	vmul.f32 v29, v45;
	v29 =	vadd.f32 v6, v14;
	v6 =	vld [tilespmem:$0x1FA70]  }
0x147: {  	v52 =	vadd.f32 v52, v20;
	v20 =	vld.idx.msk [tilespmem:v50+s14+$0x0], $0xffff  }
0x148: {  	v50 =	vld [tilespmem:$0x1FA80]  }
0x149: {  	v8 =	vld.idx.msk [tilespmem:v1+s14+$0x0], $0xffff  }
0x14a: {  	v1 =	vld [tilespmem:$0x1FA90];
	_ =	sdelay $0x1  }
0x14b: {  	v14 =	vmul.f32 v6, v63;
	v6 =	vld.idx.msk [tilespmem:v27+s11+$0x0], $0xffff;
	v27 =	vor.u32 s0, v0  }
0x14c: {  	v11 =	vadd.f32 v45, v11;
	v45 =	vor.u32 v0, v62;
	v50 =	vmul.f32 v50, v63  }
0x14d: {  	v39 =	vadd.f32 v14, v39;
	v14 =	vld.idx.msk [tilespmem:v10+s14+$0x0], $0xffff  }
0x14e: {  	v15 =	vmul.f32 v15, v63;
	v10 =	vmul.f32 v1, v63;
	v1 =	vadd.f32 v50, v29;
	v50 =	vld [tilespmem:$0x1FAA0]  }
0x14f: {  	v63 =	vld.idx.msk [tilespmem:v36+s14+$0x0], $0xffff  }
0x150: {  	v15 =	vadd.f32 v15, v11;
	v11 =	vld.idx.msk [tilespmem:v27+s11+$0x0], $0xffff  }
0x151: {  	v27 =	vmul.f32 v22, v58;
	v22 =	vld.idx.msk [tilespmem:v45+s14+$0x0], $0xffff  }
0x152: {  	v45 =	vld [tilespmem:$0x1FAB0]  }
0x153: {  	v36 =	vor.u32 v0, v60;
	v29 =	vmul.f32 v50, v58;
	v50 =	vld.idx.msk [tilespmem:v12+s14+$0x0], $0xffff  }
0x154: {  	v2 =	vor.u32 v0, v61;
	v12 =	vor.u32 v0, v59;
	v0 =	vld [tilespmem:$0x1FD60];
	_ =	sdelay $0x2  }
0x155: {  	v10 =	vadd.f32 v10, v52;
	v1 =	vadd.f32 v27, v1;
	v27 =	vmul.f32 v21, v30  }
0x156: {  	v21 =	vld.idx.msk [tilespmem:v36+s14+$0x0], $0xffff;
	v29 =	vadd.f32 v29, v39;
	v45 =	vmul.f32 v45, v58;
	v58 =	vmul.f32 v17, v58  }
0x157: {  	v17 =	vld.idx.msk [tilespmem:v2+s14+$0x0], $0xffff;
	v52 =	vor.u32 s0, v0;
	v39 =	vor.u32 v0, v62;
	v2 =	vor.u32 v0, v61  }
0x158: {  	v36 =	vor.u32 v0, v60;
	v15 =	vadd.f32 v58, v15;
	v58 =	vor.u32 v0, v59;
	v0 =	vld [tilespmem:$0x1FD70];
	_ =	sdelay $0x2  }
0x159: {  	v28 =	vmul.f32 v28, v30;
	v45 =	vadd.f32 v45, v10;
	v10 =	vld.idx.msk [tilespmem:v12+s14+$0x0], $0xffff  }
0x15a: {  	v27 =	vadd.f32 v27, v29;
	v29 =	vmul.f32 v33, v30;
	v33 =	vmul.f32 v41, v30;
	v12 =	vld.idx.msk [tilespmem:v52+s11+$0x0], $0xffff  }
0x15b: {  	v41 =	vadd.f32 v28, v1;
	v52 =	vor.u32 s0, v0;
	v30 =	vld.idx.msk [tilespmem:v39+s14+$0x0], $0xffff  }
0x15c: {  	v1 =	vmul.f32 v57, v16;
	v15 =	vadd.f32 v33, v15;
	v57 =	vor.u32 v0, v60;
	v33 =	vld.idx.msk [tilespmem:v58+s14+$0x0], $0xffff  }
0x15d: {  	v58 =	vld [tilespmem:$0x1FDA0]  }
0x15e: {  	v54 =	vmul.f32 v54, v16;
	v27 =	vadd.f32 v1, v27;
	v45 =	vadd.f32 v29, v45;
	v28 =	vld.idx.msk [tilespmem:v2+s14+$0x0], $0xffff  }
0x15f: {  	v39 =	vor.u32 v0, v62;
	v29 =	vld.idx.msk [tilespmem:v36+s14+$0x0], $0xffff;
	v36 =	vmul.f32 v51, v16;
	v16 =	vmul.f32 v40, v16  }
0x160: {  	v1 =	vmul.f32 v8, v23;
	v2 =	vor.u32 v0, v61;
	v51 =	vor.u32 v0, v59;
	v0 =	vld.idx.msk [tilespmem:v52+s11+$0x0], $0xffff  }
0x161: {  	v15 =	vadd.f32 v16, v15;
	v16 =	vld.idx.msk [tilespmem:v57+s14+$0x0], $0xffff  }
0x162: {  	v27 =	vadd.f32 v1, v27;
	v40 =	vor.u32 s0, v58;
	v52 =	vld [tilespmem:$0x1FAC0]  }
0x163: {  	v1 =	vmul.f32 v3, v23;
	v41 =	vadd.f32 v36, v41;
	v57 =	vld [tilespmem:$0x1FBA0];
	v3 =	vor.u32 v58, v60  }
0x164: {  	v45 =	vadd.f32 v54, v45;
	v36 =	vld.idx.msk [tilespmem:v39+s14+$0x0], $0xffff  }
0x165: {  	v41 =	vadd.f32 v1, v41;
	v39 =	vor.u32 v58, v62;
	v8 =	vld.idx.msk [tilespmem:v2+s14+$0x0], $0xffff;
	v2 =	vmul.f32 v7, v23  }
0x166: {  	v54 =	vor.u32 v58, v61;
	v7 =	vld.idx.msk [tilespmem:v51+s14+$0x0], $0xffff;
	v51 =	vor.u32 v58, v59;
	v58 =	vmul.f32 v46, v31  }
0x167: {  	v46 =	vmul.f32 v48, v53;
	v2 =	vadd.f32 v2, v15;
	v52 =	vmul.f32 v52, v23;
	v1 =	vld.idx.msk [tilespmem:v40+s11+$0x0], $0xffff  }
0x168: {  	v40 =	vor.u32 s0, v57;
	v15 =	vor.u32 v57, v62;
	v23 =	vld.idx.msk [tilespmem:v3+s14+$0x0], $0xffff;
	v3 =	vor.u32 v57, v60  }
0x169: {  	v48 =	vor.u32 v57, v59;
	v45 =	vadd.f32 v52, v45;
	v52 =	vor.u32 v57, v61;
	v57 =	vld [tilespmem:$0x1FF20];
	_ =	sdelay $0x1  }
0x16a: {  	v47 =	vmul.f32 v47, v31;
	v4 =	vld.idx.msk [tilespmem:v4+s11+$0x0], $0xffff  }
0x16b: {  	v37 =	vmul.f32 v37, v31;
	v27 =	vadd.f32 v58, v27;
	v58 =	vmul.f32 v9, v31;
	v31 =	vld.idx.msk [tilespmem:v51+s14+$0x0], $0xffff  }
0x16c: {  	v42 =	vmul.f32 v42, v53;
	v47 =	vadd.f32 v47, v2;
	v2 =	vld.idx.msk [tilespmem:v40+s11+$0x0], $0xffff  }
0x16d: {  	v43 =	vmul.f32 v43, v53;
	v27 =	vadd.f32 v46, v27;
	v40 =	vld.idx.msk [tilespmem:v15+s14+$0x0], $0xffff;
	v51 =	vor.u32 s0, v57  }
0x16e: {  	v46 =	vmul.f32 v38, v53;
	v45 =	vadd.f32 v37, v45;
	v38 =	vld.idx.msk [tilespmem:v3+s14+$0x0], $0xffff;
	v15 =	vor.u32 v57, v62  }
0x16f: {  	v41 =	vadd.f32 v58, v41;
	v58 =	vmul.f32 v49, v55;
	v37 =	vld.idx.msk [tilespmem:v52+s14+$0x0], $0xffff;
	v52 =	vor.u32 v57, v61  }
0x170: {  	v45 =	vadd.f32 v46, v45;
	v49 =	vor.u32 v57, v60;
	v46 =	vor.u32 v57, v59;
	v57 =	vld [tilespmem:$0x1FF30]  }
0x171: {  	v53 =	vadd.f32 v42, v41;
	v41 =	vld.idx.msk [tilespmem:v48+s14+$0x0], $0xffff  }
0x172: {  	v32 =	vmul.f32 v32, v55;
	v43 =	vadd.f32 v43, v47;
	v48 =	vmul.f32 v56, v55;
	v3 =	vld.idx.msk [tilespmem:v51+s11+$0x0], $0xffff  }
0x173: {  	v44 =	vmul.f32 v44, v55;
	v27 =	vadd.f32 v58, v27;
	v58 =	vmul.f32 v35, v4;
	v42 =	vld.idx.msk [tilespmem:v15+s14+$0x0], $0xffff  }
0x174: {  	v43 =	vadd.f32 v48, v43;
	v48 =	vmul.f32 v18, v4;
	v51 =	vadd.f32 v32, v53;
	v32 =	vld.idx.msk [tilespmem:v52+s14+$0x0], $0xffff  }
0x175: {  	v44 =	vadd.f32 v44, v45;
	v47 =	vor.u32 s0, v57;
	v15 =	vor.u32 v57, v62;
	v18 =	vld.idx.msk [tilespmem:v46+s14+$0x0], $0xffff  }
0x176: {  	v52 =	vor.u32 v57, v61;
	v45 =	vor.u32 v57, v60;
	v46 =	vor.u32 v57, v59;
	v57 =	vld [tilespmem:$0x1FF40]  }
0x177: {  	v39 =	vld.idx.msk [tilespmem:v39+s14+$0x0], $0xffff  }
0x178: {  	v34 =	vmul.f32 v34, v4;
	v26 =	vmul.f32 v26, v5;
	v9 =	vld.idx.msk [tilespmem:v54+s14+$0x0], $0xffff;
	v27 =	vadd.f32 v58, v27  }
0x179: {  	v54 =	vld [tilespmem:$0x1FE70]  }
0x17a: {  	v26 =	vadd.f32 v26, v27;
	v27 =	vmul.f32 v19, v5;
	v34 =	vadd.f32 v34, v44;
	v35 =	vld.idx.msk [tilespmem:v49+s14+$0x0], $0xffff  }
0x17b: {  	v48 =	vadd.f32 v48, v51;
	v58 =	vor.u32 s0, v57;
	v49 =	vor.u32 v57, v62;
	v19 =	vld.idx.msk [tilespmem:v45+s14+$0x0], $0xffff  }
0x17c: {  	v44 =	vor.u32 v57, v61;
	v45 =	vor.u32 v57, v60;
	v51 =	vor.u32 v57, v59;
	v57 =	vld [tilespmem:$0x1FF50]  }
0x17d: {  	v24 =	vmul.f32 v24, v4;
	v56 =	vld [tilespmem:$0x1FEA0]  }
0x17e: {  	v20 =	vmul.f32 v20, v6;
	v55 =	vld [tilespmem:$0x1FE80]  }
0x17f: {  	v25 =	vmul.f32 v25, v5;
	v13 =	vmul.f32 v13, v5;
	v43 =	vadd.f32 v24, v43;
	v4 =	vld.idx.msk [tilespmem:v47+s11+$0x0], $0xffff  }
0x180: {  	v14 =	vmul.f32 v14, v6;
	v20 =	vadd.f32 v20, v26;
	v5 =	vld.idx.msk [tilespmem:v58+s11+$0x0], $0xffff  }
0x181: {  	v13 =	vadd.f32 v13, v43;
	v25 =	vadd.f32 v25, v34;
	v47 =	vor.u32 s0, v57;
	v34 =	vld.idx.msk [tilespmem:v49+s14+$0x0], $0xffff  }
0x182: {  	v43 =	vor.u32 v57, v62;
	v26 =	vld.idx.msk [tilespmem:v44+s14+$0x0], $0xffff;
	v44 =	vor.u32 v57, v61;
	v58 =	vmul.f32 v63, v6  }
0x183: {  	v6 =	vmul.f32 v50, v6;
	v49 =	vor.u32 v57, v60;
	v50 =	vor.u32 v57, v59;
	v57 =	vld [tilespmem:$0x1FF60]  }
0x184: {  	v53 =	vld [tilespmem:$0x1FE60]  }
0x185: {  	v15 =	vld.idx.msk [tilespmem:v15+s14+$0x0], $0xffff  }
0x186: {  	v24 =	vld.idx.msk [tilespmem:v52+s14+$0x0], $0xffff  }
0x187: {  	v52 =	vld [tilespmem:$0x1FE50]  }
0x188: {  	v27 =	vadd.f32 v27, v48;
	v46 =	vld.idx.msk [tilespmem:v46+s14+$0x0], $0xffff;
	v25 =	vadd.f32 v58, v25;
	v58 =	vor.u32 s0, v57  }
0x189: {  	v63 =	vld [tilespmem:$0x1FEC0]  }
0x18a: {  	v22 =	vmul.f32 v22, v11;
	v17 =	vmul.f32 v17, v11;
	v14 =	vadd.f32 v14, v27;
	v45 =	vld.idx.msk [tilespmem:v45+s14+$0x0], $0xffff  }
0x18b: {  	v10 =	vmul.f32 v10, v11;
	v27 =	vld.idx.msk [tilespmem:v51+s14+$0x0], $0xffff;
	v13 =	vadd.f32 v6, v13  }
0x18c: {  	v20 =	vadd.f32 v22, v20;
	v14 =	vadd.f32 v17, v14;
	v17 =	vmul.f32 v30, v12;
	v51 =	vld [tilespmem:$0x1FE40]  }
0x18d: {  	v13 =	vadd.f32 v10, v13;
	v10 =	vld.idx.msk [tilespmem:v58+s11+$0x0], $0xffff  }
0x18e: {  	v17 =	vadd.f32 v17, v20;
	v20 =	vmul.f32 v28, v12;
	v58 =	vld [tilespmem:$0x1FF70]  }
0x18f: {  	v21 =	vmul.f32 v21, v11;
	v8 =	vmul.f32 v8, v0;
	v6 =	vld.idx.msk [tilespmem:v47+s11+$0x0], $0xffff  }
0x190: {  	v14 =	vadd.f32 v20, v14;
	v20 =	vmul.f32 v36, v0;
	v22 =	vld.idx.msk [tilespmem:v43+s14+$0x0], $0xffff;
	v43 =	vor.u32 v57, v62  }
0x191: {  	v9 =	vmul.f32 v9, v1;
	v21 =	vadd.f32 v21, v25;
	v11 =	vld.idx.msk [tilespmem:v44+s14+$0x0], $0xffff;
	v44 =	vor.u32 v57, v61  }
0x192: {  	v17 =	vadd.f32 v20, v17;
	v8 =	vadd.f32 v8, v14;
	v30 =	vld.idx.msk [tilespmem:v49+s14+$0x0], $0xffff;
	v48 =	vor.u32 v57, v60  }
0x193: {  	v14 =	vmul.f32 v39, v1;
	v25 =	vld.idx.msk [tilespmem:v50+s14+$0x0], $0xffff;
	v49 =	vor.u32 v57, v59;
	v57 =	vor.u32 s0, v58  }
0x194: {  	v29 =	vmul.f32 v29, v12;
	v12 =	vmul.f32 v33, v12;
	v50 =	vld [tilespmem:$0x1FE30]  }
0x195: {  	v14 =	vadd.f32 v14, v17;
	v8 =	vadd.f32 v9, v8;
	v9 =	vmul.f32 v40, v2;
	v33 =	vld.idx.msk [tilespmem:v43+s14+$0x0], $0xffff  }
0x196: {  	v16 =	vmul.f32 v16, v0;
	v12 =	vadd.f32 v12, v13;
	v36 =	vld.idx.msk [tilespmem:v44+s14+$0x0], $0xffff  }
0x197: {  	v9 =	vadd.f32 v9, v14;
	v14 =	vmul.f32 v37, v2;
	v13 =	vld.idx.msk [tilespmem:v48+s14+$0x0], $0xffff;
	v43 =	vor.u32 v58, v62  }
0x198: {  	v0 =	vmul.f32 v7, v0;
	v21 =	vadd.f32 v29, v21;
	v44 =	vor.u32 v58, v61;
	v7 =	vld.idx.msk [tilespmem:v57+s11+$0x0], $0xffff  }
0x199: {  	v8 =	vadd.f32 v14, v8;
	v14 =	vmul.f32 v42, v3;
	v29 =	vor.u32 v58, v60;
	v57 =	vld [tilespmem:$0x1FF80]  }
0x19a: {  	v48 =	vld [tilespmem:$0x1FE10]  }
0x19b: {  	v20 =	vld.idx.msk [tilespmem:v49+s14+$0x0], $0xffff;
	v9 =	vadd.f32 v14, v9;
	v14 =	vmul.f32 v32, v3  }
0x19c: {  	v16 =	vadd.f32 v16, v21;
	v39 =	vld.idx.msk [tilespmem:v43+s14+$0x0], $0xffff  }
0x19d: {  	v0 =	vadd.f32 v0, v12;
	v8 =	vadd.f32 v14, v8;
	v47 =	vor.u32 v58, v59;
	v12 =	vld.idx.msk [tilespmem:v44+s14+$0x0], $0xffff  }
0x19e: {  	v14 =	vmul.f32 v15, v4;
	v17 =	vld.idx.msk [tilespmem:v29+s14+$0x0], $0xffff;
	v58 =	vor.u32 s0, v57;
	v43 =	vor.u32 v57, v62  }
0x19f: {  	v21 =	vor.u32 v57, v61;
	v29 =	vor.u32 v57, v60;
	v44 =	vor.u32 v57, v59;
	v57 =	vld [tilespmem:$0x1FF90]  }
0x1a0: {  	v23 =	vmul.f32 v23, v1;
	v19 =	vmul.f32 v19, v4;
	v49 =	vld [tilespmem:$0x1FE20]  }
0x1a1: {  	v9 =	vadd.f32 v14, v9;
	v14 =	vmul.f32 v24, v4;
	v4 =	vmul.f32 v46, v4;
	v46 =	vld [tilespmem:$0x1FDF0]  }
0x1a2: {  	v1 =	vmul.f32 v31, v1;
	v31 =	vld.idx.msk [tilespmem:v47+s14+$0x0], $0xffff  }
0x1a3: {  	v38 =	vmul.f32 v38, v2;
	v2 =	vmul.f32 v41, v2;
	v16 =	vadd.f32 v23, v16;
	v28 =	vld.idx.msk [tilespmem:v58+s11+$0x0], $0xffff  }
0x1a4: {  	v0 =	vadd.f32 v1, v0;
	v58 =	vor.u32 s0, v57;
	v1 =	vld.idx.msk [tilespmem:v43+s14+$0x0], $0xffff;
	v23 =	vor.u32 v57, v62  }
0x1a5: {  	v37 =	vor.u32 v57, v61;
	v41 =	vor.u32 v57, v60;
	v43 =	vor.u32 v57, v59;
	v57 =	vld [tilespmem:$0x1FBB0]  }
0x1a6: {  	v47 =	vld [tilespmem:$0x1FE00]  }
0x1a7: {  	v35 =	vmul.f32 v35, v3;
	v16 =	vadd.f32 v38, v16;
	v21 =	vld.idx.msk [tilespmem:v21+s14+$0x0], $0xffff  }
0x1a8: {  	v0 =	vadd.f32 v2, v0;
	v29 =	vld.idx.msk [tilespmem:v29+s14+$0x0], $0xffff  }
0x1a9: {  	v3 =	vmul.f32 v18, v3;
	v16 =	vadd.f32 v35, v16;
	v8 =	vadd.f32 v14, v8;
	v2 =	vld.idx.msk [tilespmem:v58+s11+$0x0], $0xffff  }
0x1aa: {  	v14 =	vmul.f32 v34, v5;
	v58 =	vor.u32 s0, v57;
	v32 =	vor.u32 v57, v62;
	v18 =	vld.idx.msk [tilespmem:v37+s14+$0x0], $0xffff  }
0x1ab: {  	v37 =	vor.u32 v57, v61;
	v40 =	vor.u32 v57, v60;
	v35 =	vor.u32 v57, v59;
	v57 =	vld [tilespmem:$0x1FFA0]  }
0x1ac: {  	v42 =	vld.idx.msk [tilespmem:v44+s14+$0x0], $0xffff  }
0x1ad: {  	v9 =	vadd.f32 v14, v9;
	v14 =	vmul.f32 v26, v5;
	v44 =	vld [tilespmem:$0x1FDD0]  }
0x1ae: {  	v23 =	vld.idx.msk [tilespmem:v23+s14+$0x0], $0xffff  }
0x1af: {  	v0 =	vadd.f32 v3, v0;
	v8 =	vadd.f32 v14, v8;
	v14 =	vmul.f32 v22, v6;
	v15 =	vld.idx.msk [tilespmem:v41+s14+$0x0], $0xffff  }
0x1b0: {  	v11 =	vmul.f32 v11, v6;
	v24 =	vld.idx.msk [tilespmem:v58+s11+$0x0], $0xffff;
	v58 =	vor.u32 s0, v57  }
0x1b1: {  	v0 =	vadd.f32 v4, v0;
	v9 =	vadd.f32 v14, v9;
	v41 =	vor.u32 v57, v62;
	v34 =	vld.idx.msk [tilespmem:v37+s14+$0x0], $0xffff  }
0x1b2: {  	v8 =	vadd.f32 v11, v8;
	v11 =	vmul.f32 v33, v10;
	v37 =	vor.u32 v57, v61;
	v4 =	vld.idx.msk [tilespmem:v40+s14+$0x0], $0xffff  }
0x1b3: {  	v16 =	vadd.f32 v19, v16;
	v19 =	vor.u32 v57, v60;
	v26 =	vld.idx.msk [tilespmem:v35+s14+$0x0], $0xffff  }
0x1b4: {  	v9 =	vadd.f32 v11, v9;
	v11 =	vmul.f32 v36, v10;
	v35 =	vor.u32 v57, v59;
	v57 =	vld [tilespmem:$0x1FBC0]  }
0x1b5: {  	v40 =	vmul.f32 v45, v5;
	v5 =	vmul.f32 v27, v5;
	v27 =	vld.idx.msk [tilespmem:v58+s11+$0x0], $0xffff  }
0x1b6: {  	v8 =	vadd.f32 v11, v8;
	v11 =	vmul.f32 v39, v7;
	v22 =	vld.idx.msk [tilespmem:v41+s14+$0x0], $0xffff  }
0x1b7: {  	v0 =	vadd.f32 v5, v0;
	v5 =	vld.idx.msk [tilespmem:v37+s14+$0x0], $0xffff  }
0x1b8: {  	v30 =	vmul.f32 v30, v6;
	v6 =	vmul.f32 v25, v6;
	v9 =	vadd.f32 v11, v9;
	v14 =	vld.idx.msk [tilespmem:v19+s14+$0x0], $0xffff  }
0x1b9: {  	v1 =	vmul.f32 v1, v28;
	v58 =	vor.u32 s0, v57;
	v41 =	vor.u32 v57, v62;
	v25 =	vld.idx.msk [tilespmem:v35+s14+$0x0], $0xffff  }
0x1ba: {  	v37 =	vor.u32 v57, v61;
	v19 =	vor.u32 v57, v60;
	v35 =	vor.u32 v57, v59;
	v57 =	vld [tilespmem:$0x1FFB0]  }
0x1bb: {  	v3 =	vld.idx.msk [tilespmem:v43+s14+$0x0], $0xffff  }
0x1bc: {  	v11 =	vmul.f32 v12, v7;
	v43 =	vld [tilespmem:$0x1FDC0];
	v29 =	vmul.f32 v29, v28;
	v1 =	vadd.f32 v1, v9  }
0x1bd: {  	v9 =	vmul.f32 v21, v28;
	v28 =	vmul.f32 v42, v28;
	v42 =	vld [tilespmem:$0x1FDB0];
	v16 =	vadd.f32 v40, v16  }
0x1be: {  	v13 =	vmul.f32 v13, v10;
	v8 =	vadd.f32 v11, v8;
	v32 =	vld.idx.msk [tilespmem:v32+s14+$0x0], $0xffff  }
0x1bf: {  	v10 =	vmul.f32 v20, v10;
	v16 =	vadd.f32 v30, v16;
	v33 =	vld.idx.msk [tilespmem:v58+s11+$0x0], $0xffff;
	v30 =	vor.u32 v57, v62  }
0x1c0: {  	v8 =	vadd.f32 v9, v8;
	v9 =	vmul.f32 v23, v2;
	v36 =	vld.idx.msk [tilespmem:v37+s14+$0x0], $0xffff;
	v37 =	vor.u32 v57, v61  }
0x1c1: {  	v38 =	vor.u32 s0, v57;
	v20 =	vor.u32 v57, v60;
	v58 =	vor.u32 v57, v59;
	v57 =	vld [tilespmem:$0x1FBD0]  }
0x1c2: {  	v45 =	vld [tilespmem:$0x1FDE0]  }
0x1c3: {  	v40 =	vld [tilespmem:$0x1FD80];
	v1 =	vadd.f32 v9, v1;
	v9 =	vmul.f32 v18, v2;
	v0 =	vadd.f32 v6, v0  }
0x1c4: {  	v17 =	vmul.f32 v17, v7;
	v7 =	vmul.f32 v31, v7;
	v13 =	vadd.f32 v13, v16;
	v12 =	vld.idx.msk [tilespmem:v30+s14+$0x0], $0xffff  }
0x1c5: {  	v8 =	vadd.f32 v9, v8;
	v9 =	vmul.f32 v32, v24;
	v0 =	vadd.f32 v10, v0;
	v31 =	vld.idx.msk [tilespmem:v37+s14+$0x0], $0xffff  }
0x1c6: {  	v13 =	vadd.f32 v17, v13;
	v16 =	vor.u32 s0, v57;
	v30 =	vor.u32 v57, v62;
	v11 =	vld.idx.msk [tilespmem:v20+s14+$0x0], $0xffff  }
0x1c7: {  	v37 =	vor.u32 v57, v61;
	v20 =	vor.u32 v57, v60;
	v17 =	vor.u32 v57, v59;
	v57 =	vld [tilespmem:$0x1FFC0]  }
0x1c8: {  	v6 =	vld.idx.msk [tilespmem:v41+s14+$0x0], $0xffff  }
0x1c9: {  	v1 =	vadd.f32 v9, v1;
	v9 =	vmul.f32 v34, v24;
	v0 =	vadd.f32 v7, v0;
	v41 =	vld [tilespmem:$0x1FD90]  }
0x1ca: {  	v10 =	vld.idx.msk [tilespmem:v38+s11+$0x0], $0xffff  }
0x1cb: {  	v8 =	vadd.f32 v9, v8;
	v0 =	vadd.f32 v28, v0;
	v7 =	vld.idx.msk [tilespmem:v58+s14+$0x0], $0xffff  }
0x1cc: {  	v5 =	vmul.f32 v5, v27;
	v58 =	vor.u32 s0, v57;
	v38 =	vor.u32 v57, v62;
	v23 =	vld.idx.msk [tilespmem:v37+s14+$0x0], $0xffff  }
0x1cd: {  	v37 =	vor.u32 v57, v61;
	v28 =	vor.u32 v57, v60;
	v18 =	vor.u32 v57, v59;
	v57 =	vld [tilespmem:$0x1FBE0]  }
0x1ce: {  	v19 =	vld.idx.msk [tilespmem:v19+s14+$0x0], $0xffff;
	v5 =	vadd.f32 v5, v8;
	v36 =	vmul.f32 v36, v33  }
0x1cf: {  	v35 =	vld.idx.msk [tilespmem:v35+s14+$0x0], $0xffff  }
0x1d0: {  	v15 =	vmul.f32 v15, v2;
	v13 =	vadd.f32 v29, v13;
	v5 =	vadd.f32 v36, v5;
	v36 =	vld [tilespmem:$0x1FFE0]  }
0x1d1: {  	v2 =	vmul.f32 v3, v2;
	v16 =	vld.idx.msk [tilespmem:v16+s11+$0x0], $0xffff  }
0x1d2: {  	v4 =	vmul.f32 v4, v24;
	v13 =	vadd.f32 v15, v13;
	v3 =	vld.idx.msk [tilespmem:v58+s11+$0x0], $0xffff;
	v58 =	vor.u32 s0, v57  }
0x1d3: {  	v30 =	vld.idx.msk [tilespmem:v30+s14+$0x0], $0xffff  }
0x1d4: {  	v14 =	vmul.f32 v14, v27;
	v4 =	vadd.f32 v4, v13;
	v20 =	vld.idx.msk [tilespmem:v20+s14+$0x0], $0xffff  }
0x1d5: {  	v17 =	vld.idx.msk [tilespmem:v17+s14+$0x0], $0xffff  }
0x1d6: {  	v19 =	vmul.f32 v19, v33;
	v4 =	vadd.f32 v14, v4;
	v29 =	vld.idx.msk [tilespmem:v38+s14+$0x0], $0xffff  }
0x1d7: {  	v24 =	vmul.f32 v26, v24;
	v15 =	vor.u32 v57, v61;
	v21 =	vld.idx.msk [tilespmem:v58+s11+$0x0], $0xffff  }
0x1d8: {  	v4 =	vadd.f32 v19, v4;
	v11 =	vmul.f32 v11, v10;
	v26 =	vor.u32 v57, v59;
	v58 =	vld [tilespmem:$0x1FFD0]  }
0x1d9: {  	v0 =	vadd.f32 v2, v0;
	v2 =	vld.idx.msk [tilespmem:v37+s14+$0x0], $0xffff  }
0x1da: {  	v9 =	vmul.f32 v22, v27;
	v4 =	vadd.f32 v11, v4;
	v11 =	vor.u32 v36, v60;
	v28 =	vld.idx.msk [tilespmem:v28+s14+$0x0], $0xffff  }
0x1db: {  	v32 =	vor.u32 v57, v62;
	v18 =	vld.idx.msk [tilespmem:v18+s14+$0x0], $0xffff  }
0x1dc: {  	v1 =	vadd.f32 v9, v1;
	v0 =	vadd.f32 v24, v0;
	v34 =	vor.u32 v57, v60;
	v9 =	vld.idx.msk [tilespmem:v15+s14+$0x0], $0xffff  }
0x1dd: {  	v6 =	vmul.f32 v6, v33;
	v8 =	vld.idx.msk [tilespmem:v26+s14+$0x0], $0xffff;
	v38 =	vor.u32 s0, v58;
	v24 =	vor.u32 v58, v62  }
0x1de: {  	v15 =	vor.u32 v58, v61;
	v57 =	vor.u32 v58, v60;
	v26 =	vor.u32 v58, v59;
	v58 =	vld [tilespmem:$0x1FBF0]  }
0x1df: {  	v25 =	vmul.f32 v25, v27;
	v1 =	vadd.f32 v6, v1;
	v6 =	vld.idx.msk [tilespmem:v11+s14+$0x0], $0xffff  }
0x1e0: {  	v13 =	vld.idx.msk [tilespmem:v32+s14+$0x0], $0xffff  }
0x1e1: {  	v33 =	vmul.f32 v35, v33;
	v0 =	vadd.f32 v25, v0;
	v27 =	vld.idx.msk [tilespmem:v34+s14+$0x0], $0xffff  }
0x1e2: {  	v14 =	vld.idx.msk [tilespmem:v38+s11+$0x0], $0xffff  }
0x1e3: {  	v0 =	vadd.f32 v33, v0;
	v38 =	vmul.f32 v12, v10;
	v12 =	vld.idx.msk [tilespmem:v57+s14+$0x0], $0xffff;
	v57 =	vor.u32 v58, v60  }
0x1e4: {  	v20 =	vmul.f32 v20, v16;
	v22 =	vor.u32 s0, v58;
	v19 =	vld.idx.msk [tilespmem:v26+s14+$0x0], $0xffff;
	v26 =	vor.u32 v58, v59  }
0x1e5: {  	v24 =	vld.idx.msk [tilespmem:v24+s14+$0x0], $0xffff;
	v25 =	vor.u32 v58, v62;
	v34 =	vor.u32 v58, v61;
	v58 =	vmul.f32 v31, v10  }
0x1e6: {  	v7 =	vmul.f32 v7, v10;
	v4 =	vadd.f32 v20, v4;
	v28 =	vmul.f32 v28, v3;
	v15 =	vld.idx.msk [tilespmem:v15+s14+$0x0], $0xffff  }
0x1e7: {  	v37 =	vor.u32 s0, v36;
	v5 =	vadd.f32 v58, v5;
	v58 =	vld [tilespmem:$0x1FC00]  }
0x1e8: {  	v0 =	vadd.f32 v7, v0;
	v4 =	vadd.f32 v28, v4;
	v7 =	vld.idx.msk [tilespmem:v57+s14+$0x0], $0xffff  }
0x1e9: {  	v27 =	vmul.f32 v27, v21;
	v57 =	vmul.f32 v23, v16;
	v23 =	vld.idx.msk [tilespmem:v26+s14+$0x0], $0xffff;
	v26 =	vor.u32 v36, v59  }
0x1ea: {  	v33 =	vor.u32 v36, v61;
	v1 =	vadd.f32 v38, v1;
	v38 =	vmul.f32 v30, v16;
	v22 =	vld.idx.msk [tilespmem:v22+s11+$0x0], $0xffff  }
0x1eb: {  	v2 =	vmul.f32 v2, v3;
	v4 =	vadd.f32 v27, v4;
	v27 =	vor.u32 s0, v42;
	v10 =	vld.idx.msk [tilespmem:v25+s14+$0x0], $0xffff  }
0x1ec: {  	v1 =	vadd.f32 v38, v1;
	v16 =	vmul.f32 v17, v16;
	v17 =	vld.idx.msk [tilespmem:v37+s11+$0x0], $0xffff;
	v37 =	vmul.f32 v29, v3  }
0x1ed: {  	v25 =	vor.u32 v36, v62;
	v30 =	vld.idx.msk [tilespmem:v34+s14+$0x0], $0xffff;
	v3 =	vmul.f32 v18, v3;
	v12 =	vmul.f32 v12, v14  }
0x1ee: {  	v36 =	vor.u32 s0, v58;
	v5 =	vadd.f32 v57, v5;
	v38 =	vor.u32 v58, v62;
	v18 =	vld.idx.msk [tilespmem:v26+s14+$0x0], $0xffff  }
0x1ef: {  	v20 =	vor.u32 v58, v61;
	v11 =	vor.u32 v58, v60;
	v26 =	vor.u32 v58, v59;
	v58 =	vld [tilespmem:$0x1FFF0]  }
0x1f0: {  	v0 =	vadd.f32 v16, v0;
	v16 =	vld.idx.msk [tilespmem:v33+s14+$0x0], $0xffff;
	v1 =	vadd.f32 v37, v1  }
0x1f1: {  	v37 =	vmul.f32 v9, v21;
	v4 =	vadd.f32 v12, v4;
	v12 =	vld.idx.msk [tilespmem:v27+s11+$0x0], $0xffff;
	v2 =	vadd.f32 v2, v5  }
0x1f2: {  	v25 =	vld.idx.msk [tilespmem:v25+s14+$0x0], $0xffff  }
0x1f3: {  	v57 =	vmul.f32 v13, v21;
	v2 =	vadd.f32 v37, v2;
	v37 =	vor.u32 v42, v61;
	v13 =	vld.idx.msk [tilespmem:v36+s11+$0x0], $0xffff  }
0x1f4: {  	v0 =	vadd.f32 v3, v0;
	v3 =	vld.idx.msk [tilespmem:v38+s14+$0x0], $0xffff;
	v35 =	vor.u32 s0, v58  }
0x1f5: {  	v8 =	vmul.f32 v8, v21;
	v31 =	vsel vm0, v47, v46;
	v9 =	vld.idx.msk [tilespmem:v20+s14+$0x0], $0xffff;
	v36 =	vor.u32 v58, v62  }
0x1f6: {  	v45 =	vcombine.low v45, v31;
	v1 =	vadd.f32 v57, v1;
	v11 =	vld.idx.msk [tilespmem:v11+s14+$0x0], $0xffff;
	v38 =	vor.u32 v58, v60  }
0x1f7: {  	v57 =	vmul.f32 v24, v14;
	v0 =	vadd.f32 v8, v0;
	v20 =	vor.u32 v58, v61;
	v24 =	vld.idx.msk [tilespmem:v26+s14+$0x0], $0xffff  }
0x1f8: {  	v26 =	vor.u32 v58, v59;
	v58 =	vmul.f32 v15, v14;
	v14 =	vmul.f32 v19, v14;
	v29 =	vld.idx.msk [tilespmem:v37+s14+$0x0], $0xffff  }
0x1f9: {  	v33 =	vsel vm0, v51, v63;
	v47 =	vmul.f32 v10, v22;
	v37 =	vor.u32 v45, v60;
	v8 =	vld.idx.msk [tilespmem:v35+s11+$0x0], $0xffff  }
0x1fa: {  	v1 =	vadd.f32 v57, v1;
	v0 =	vadd.f32 v14, v0;
	v14 =	vor.u32 s0, v45;
	v15 =	vld.idx.msk [tilespmem:v36+s14+$0x0], $0xffff  }
0x1fb: {  	v7 =	vmul.f32 v7, v22;
	v57 =	vmul.f32 v30, v22;
	v19 =	vld.idx.msk [tilespmem:v38+s14+$0x0], $0xffff;
	v38 =	vor.u32 v42, v60  }
0x1fc: {  	v22 =	vmul.f32 v23, v22;
	v1 =	vadd.f32 v47, v1;
	v36 =	vor.u32 v42, v62;
	v20 =	vld.idx.msk [tilespmem:v20+s14+$0x0], $0xffff  }
0x1fd: {  	v2 =	vadd.f32 v58, v2;
	v10 =	vld.idx.msk [tilespmem:v26+s14+$0x0], $0xffff;
	v26 =	vor.u32 v42, v59;
	v42 =	vmul.f32 v25, v17  }
0x1fe: {  	v47 =	vmul.f32 v16, v17;
	v58 =	vor.u32 v45, v62;
	v3 =	vmul.f32 v3, v13;
	v23 =	vld.idx.msk [tilespmem:v37+s14+$0x0], $0xffff  }
0x1ff: {  	v2 =	vadd.f32 v57, v2;
	v35 =	vmul.f32 v9, v13;
	v14 =	vld.idx.msk [tilespmem:v14+s11+$0x0], $0xffff;
	v1 =	vadd.f32 v42, v1  }
0x200: {  	v9 =	vmul.f32 v11, v13;
	v37 =	vor.u32 v52, v62;
	v21 =	vld.idx.msk [tilespmem:v38+s14+$0x0], $0xffff;
	v38 =	vcombine.low v48, v33  }
0x201: {  	v42 =	vsel vm0, v46, v43;
	v1 =	vadd.f32 v3, v1;
	v27 =	vld.idx.msk [tilespmem:v36+s14+$0x0], $0xffff;
	v36 =	vor.u32 v45, v61  }
0x202: {  	v25 =	vld.idx.msk [tilespmem:v26+s14+$0x0], $0xffff;
	v26 =	vor.u32 v45, v59;
	v45 =	vor.u32 s0, v38;
	v48 =	vor.u32 v38, v62  }
0x203: {  	v16 =	vld.idx.msk [tilespmem:v58+s14+$0x0], $0xffff;
	v51 =	vor.u32 v38, v61;
	v57 =	vor.u32 v38, v60;
	v58 =	vor.u32 v38, v59  }
0x204: {  	v46 =	vld [tilespmem:$0x1FED0];
	v38 =	vsel vm0, v41, v40;
	v41 =	vmul.f32 v24, v13;
	v13 =	vmul.f32 v15, v8  }
0x205: {  	v6 =	vmul.f32 v6, v17;
	v4 =	vadd.f32 v7, v4;
	v5 =	vcombine.low v38, v53;
	v38 =	vld [tilespmem:$0x1FEB0]  }
0x206: {  	v1 =	vadd.f32 v13, v1;
	v13 =	vmul.f32 v20, v8;
	v20 =	vld.idx.msk [tilespmem:v37+s14+$0x0], $0xffff  }
0x207: {  	v4 =	vadd.f32 v6, v4;
	v0 =	vadd.f32 v22, v0;
	v17 =	vmul.f32 v18, v17;
	v37 =	vld [tilespmem:$0x1FE90]  }
0x208: {  	v18 =	vld.idx.msk [tilespmem:v36+s14+$0x0], $0xffff;
	v36 =	vor.u32 s0, v52  }
0x209: {  	v0 =	vadd.f32 v17, v0;
	v4 =	vadd.f32 v9, v4;
	v9 =	vor.u32 v52, v60;
	v17 =	vld.idx.msk [tilespmem:v26+s14+$0x0], $0xffff  }
0x20a: {  	v26 =	vld.idx.msk [tilespmem:v45+s11+$0x0], $0xffff  }
0x20b: {  	v11 =	vld.idx.msk [tilespmem:v48+s14+$0x0], $0xffff  }
0x20c: {  	v28 =	vld.idx.msk [tilespmem:v51+s14+$0x0], $0xffff  }
0x20d: {  	v15 =	vor.u32 s0, v5;
	v7 =	vld.idx.msk [tilespmem:v36+s11+$0x0], $0xffff  }
0x20e: {  	v2 =	vadd.f32 v47, v2;
	v40 =	vor.u32 v52, v61;
	v3 =	vcombine.low v42, v46;
	v36 =	vld.idx.msk [tilespmem:v9+s14+$0x0], $0xffff  }
0x20f: {  	v9 =	vld [tilespmem:$0x1FEE0]  }
0x210: {  	v2 =	vadd.f32 v35, v2;
	v53 =	vor.u32 v3, v62;
	v24 =	vld.idx.msk [tilespmem:v57+s14+$0x0], $0xffff  }
0x211: {  	v47 =	vor.u32 v5, v61;
	v27 =	vmul.f32 v27, v12;
	v30 =	vld.idx.msk [tilespmem:v58+s14+$0x0], $0xffff  }
0x212: {  	v19 =	vmul.f32 v19, v8;
	v13 =	vadd.f32 v13, v2;
	v2 =	vld.idx.msk [tilespmem:v15+s11+$0x0], $0xffff;
	v15 =	vor.u32 v3, v61  }
0x213: {  	v16 =	vmul.f32 v16, v14;
	v32 =	vld.idx.msk [tilespmem:v40+s14+$0x0], $0xffff;
	v51 =	vsel vm0, v63, v44;
	v1 =	vadd.f32 v27, v1  }
0x214: {  	v4 =	vadd.f32 v19, v4;
	v45 =	vor.u32 v5, v62;
	v6 =	vcombine.low v51, v9;
	v9 =	vld [tilespmem:$0x1FEF0]  }
0x215: {  	v8 =	vmul.f32 v10, v8;
	v10 =	vmul.f32 v29, v12;
	v1 =	vadd.f32 v16, v1;
	v16 =	vld.idx.msk [tilespmem:v53+s14+$0x0], $0xffff  }
0x216: {  	v42 =	vor.u32 v54, v62;
	v48 =	vor.u32 s0, v3;
	v22 =	vld.idx.msk [tilespmem:v47+s14+$0x0], $0xffff;
	v11 =	vmul.f32 v11, v26  }
0x217: {  	v43 =	vadd.f32 v41, v0;
	v57 =	vsel vm0, v49, v50;
	v10 =	vadd.f32 v10, v13;
	v34 =	vld.idx.msk [tilespmem:v15+s14+$0x0], $0xffff  }
0x218: {  	v1 =	vadd.f32 v11, v1;
	v13 =	vmul.f32 v20, v7;
	v15 =	vld [tilespmem:$0x1FF00];
	v27 =	vor.u32 s0, v6  }
0x219: {  	v21 =	vmul.f32 v21, v12;
	v19 =	vld.idx.msk [tilespmem:v45+s14+$0x0], $0xffff;
	v58 =	vor.u32 v6, v62;
	v9 =	vcombine.low v57, v9  }
0x21a: {  	v12 =	vmul.f32 v25, v12;
	v20 =	vor.u32 s0, v54;
	v25 =	vadd.f32 v13, v1;
	v13 =	vld [tilespmem:$0x1FF10]  }
0x21b: {  	v0 =	vld.idx.msk [tilespmem:v48+s11+$0x0], $0xffff;
	v40 =	vor.u32 s0, v9  }
0x21c: {  	v8 =	vadd.f32 v8, v43;
	v47 =	vld.idx.msk [tilespmem:v42+s14+$0x0], $0xffff;
	v41 =	vor.u32 v9, v62  }
0x21d: {  	v21 =	vadd.f32 v21, v4;
	v63 =	vor.u32 v6, v61;
	v15 =	vcombine.low v31, v15;
	v11 =	vld.idx.msk [tilespmem:v27+s11+$0x0], $0xffff  }
0x21e: {  	v18 =	vmul.f32 v18, v14;
	v48 =	vor.u32 s0, v55;
	v19 =	vmul.f32 v19, v2;
	v27 =	vld.idx.msk [tilespmem:v58+s14+$0x0], $0xffff  }
0x21f: {  	v45 =	vadd.f32 v12, v8;
	v4 =	vld.idx.msk [tilespmem:v20+s11+$0x0], $0xffff;
	v44 =	vor.u32 s0, v15;
	v13 =	vcombine.low v33, v13  }
0x220: {  	v16 =	vmul.f32 v16, v0;
	v8 =	vadd.f32 v19, v25;
	v46 =	vor.u32 v15, v62;
	v1 =	vld.idx.msk [tilespmem:v40+s11+$0x0], $0xffff  }
0x221: {  	v20 =	vmul.f32 v23, v14;
	v14 =	vmul.f32 v17, v14;
	v19 =	vor.u32 s0, v13;
	v12 =	vld.idx.msk [tilespmem:v41+s14+$0x0], $0xffff  }
0x222: {  	v16 =	vadd.f32 v16, v8;
	v29 =	vld.idx.msk [tilespmem:v63+s14+$0x0], $0xffff;
	v25 =	vor.u32 v13, v62  }
0x223: {  	v43 =	vor.u32 v9, v61;
	v57 =	vadd.f32 v14, v45;
	v14 =	vld.idx.msk [tilespmem:v48+s11+$0x0], $0xffff;
	v27 =	vmul.f32 v27, v11  }
0x224: {  	v10 =	vadd.f32 v18, v10;
	v18 =	vadd.f32 v20, v21;
	v20 =	vor.u32 v55, v62;
	v8 =	vld.idx.msk [tilespmem:v44+s11+$0x0], $0xffff  }
0x225: {  	v50 =	vor.u32 s0, v37;
	v17 =	vmul.f32 v28, v26;
	v16 =	vadd.f32 v27, v16;
	v27 =	vld.idx.msk [tilespmem:v46+s14+$0x0], $0xffff  }
0x226: {  	v24 =	vmul.f32 v24, v26;
	v49 =	vmul.f32 v12, v1;
	v12 =	vld.idx.msk [tilespmem:v19+s11+$0x0], $0xffff;
	v19 =	vor.u32 v37, v62  }
0x227: {  	v32 =	vmul.f32 v32, v7;
	v10 =	vadd.f32 v17, v10;
	v17 =	vor.u32 v56, v62;
	v53 =	vld.idx.msk [tilespmem:v25+s14+$0x0], $0xffff  }
0x228: {  	v51 =	vmul.f32 v47, v4;
	v31 =	vld.idx.msk [tilespmem:v43+s14+$0x0], $0xffff;
	v25 =	vor.u32 s0, v56;
	v16 =	vadd.f32 v49, v16  }
0x229: {  	v22 =	vmul.f32 v22, v2;
	v58 =	vor.u32 s0, v38;
	v18 =	vadd.f32 v24, v18;
	v20 =	vld.idx.msk [tilespmem:v20+s14+$0x0], $0xffff  }
0x22a: {  	v62 =	vor.u32 v38, v62;
	v27 =	vmul.f32 v27, v8;
	v21 =	vadd.f32 v51, v16;
	v16 =	vld.idx.msk [tilespmem:v50+s11+$0x0], $0xffff  }
0x22b: {  	v24 =	vmul.f32 v30, v26;
	v26 =	vor.u32 v54, v61;
	v63 =	vadd.f32 v32, v10;
	v19 =	vld.idx.msk [tilespmem:v19+s14+$0x0], $0xffff  }
0x22c: {  	v40 =	vld.idx.msk [tilespmem:v17+s14+$0x0], $0xffff;
	v23 =	vmul.f32 v53, v12;
	v21 =	vadd.f32 v27, v21  }
0x22d: {  	v42 =	vmul.f32 v34, v0;
	v22 =	vadd.f32 v22, v63;
	v10 =	vld.idx.msk [tilespmem:v25+s11+$0x0], $0xffff;
	v27 =	vor.u32 v15, v61  }
0x22e: {  	v17 =	vld.idx.msk [tilespmem:v58+s11+$0x0], $0xffff;
	v43 =	vor.u32 v13, v61;
	v20 =	vmul.f32 v20, v14;
	v21 =	vadd.f32 v23, v21  }
0x22f: {  	v41 =	vor.u32 v5, v60;
	v29 =	vmul.f32 v29, v11;
	v22 =	vadd.f32 v42, v22;
	v44 =	vld.idx.msk [tilespmem:v62+s14+$0x0], $0xffff  }
0x230: {  	v48 =	vor.u32 v37, v61;
	v26 =	vld.idx.msk [tilespmem:v26+s14+$0x0], $0xffff;
	v20 =	vadd.f32 v20, v21;
	v19 =	vmul.f32 v19, v16  }
0x231: {  	v46 =	vor.u32 v55, v61;
	v22 =	vadd.f32 v29, v22  }
0x232: {  	v32 =	vmul.f32 v40, v10;
	v27 =	vld.idx.msk [tilespmem:v27+s14+$0x0], $0xffff;
	v19 =	vadd.f32 v19, v20;
	v20 =	vor.u32 v3, v60  }
0x233: {  	v47 =	vmul.f32 v31, v1;
	v33 =	vld.idx.msk [tilespmem:v43+s14+$0x0], $0xffff;
	v25 =	vmul.f32 v36, v7;
	v50 =	vor.u32 v56, v61  }
0x234: {  	v49 =	vor.u32 v6, v60;
	v23 =	vld.idx.msk [tilespmem:v41+s14+$0x0], $0xffff;
	v34 =	vmul.f32 v44, v17;
	v19 =	vadd.f32 v32, v19  }
0x235: {  	v45 =	vor.u32 v52, v59;
	v31 =	vld.idx.msk [tilespmem:v48+s14+$0x0], $0xffff;
	v22 =	vadd.f32 v47, v22;
	v26 =	vmul.f32 v26, v4  }
0x236: {  	v30 =	vld.idx.msk [tilespmem:v46+s14+$0x0], $0xffff;
	v18 =	vadd.f32 v25, v18;
	v25 =	vor.u32 v9, v60;
	v19 =	vadd.f32 v34, v19  }
0x237: {  	v22 =	vadd.f32 v26, v22;
	v26 =	vmul.f32 v27, v8;
	v27 =	vor.u32 v38, v61;
	v20 =	vld.idx.msk [tilespmem:v20+s14+$0x0], $0xffff  }
0x238: {  	v24 =	vadd.f32 v24, v57;
	v51 =	vor.u32 v54, v60;
	v29 =	vld.idx.msk [tilespmem:v50+s14+$0x0], $0xffff;
	v19 =	vsub.f32 $0.0e+00, v19  }
0x239: {  	v52 =	vmul.f32 v33, v12;
	v23 =	vmul.f32 v23, v2;
	v22 =	vadd.f32 v26, v22;
	v26 =	vld.idx.msk [tilespmem:v49+s14+$0x0], $0xffff  }
0x23a: {  	v5 =	vor.u32 v5, v59;
	v53 =	vor.u32 v15, v60;
	v21 =	vld.idx.msk [tilespmem:v45+s14+$0x0], $0xffff;
	v19 =	vmul.f32 $1.442695020e+00, v19  }
0x23b: {  	v57 =	vmul.f32 v30, v14;
	v25 =	vld.idx.msk [tilespmem:v25+s14+$0x0], $0xffff;
	v18 =	vadd.f32 v23, v18;
	v22 =	vadd.f32 v52, v22  }
0x23c: {  	v27 =	vld.idx.msk [tilespmem:v27+s14+$0x0], $0xffff;
	v20 =	vmul.f32 v20, v0;
	(erf) = vpow2.f32 v19;
	v19 =	vor.u32 v13, v60  }
0x23d: {  	v62 =	vmul.f32 v31, v16;
	v3 =	vor.u32 v3, v59;
	v61 =	vld.idx.msk [tilespmem:v51+s14+$0x0], $0xffff;
	v58 =	vadd.f32 v57, v22  }
0x23e: {  	v18 =	vadd.f32 v20, v18;
	v20 =	vmul.f32 v26, v11;
	v26 =	vor.u32 v55, v60  }
0x23f: {  	v63 =	vmul.f32 v29, v10;
	v7 =	vmul.f32 v21, v7;
	v23 =	vld.idx.msk [tilespmem:v53+s14+$0x0], $0xffff;
	v21 =	vadd.f32 v62, v58  }
0x240: {  	v18 =	vadd.f32 v20, v18;
	v20 =	vmul.f32 v25, v1;
	v25 =	vor.u32 v37, v60  }
0x241: {  	v6 =	vor.u32 v6, v59;
	v21 =	vadd.f32 v63, v21;
	v27 =	vmul.f32 v27, v17;
	v19 =	vld.idx.msk [tilespmem:v19+s14+$0x0], $0xffff  }
0x242: {  	v5 =	vld.idx.msk [tilespmem:v5+s14+$0x0], $0xffff;
	v30 =	vor.u32 v56, v60;
	v18 =	vadd.f32 v20, v18;
	v20 =	vmul.f32 v61, v4  }
0x243: {  	v9 =	vor.u32 v9, v59;
	v7 =	vadd.f32 v7, v24;
	v21 =	vadd.f32 v27, v21;
	v24 =	vld.idx.msk [tilespmem:v26+s14+$0x0], $0xffff  }
0x244: {  	v31 =	vor.u32 v38, v60;
	v3 =	vld.idx.msk [tilespmem:v3+s14+$0x0], $0xffff;
	v18 =	vadd.f32 v20, v18;
	v20 =	vmul.f32 v23, v8  }
0x245: {  	v35 =	vor.u32 v13, v59;
	v33 =	vor.u32 v54, v59;
	v21 =	vsub.f32 $0.0e+00, v21;
	v25 =	vld.idx.msk [tilespmem:v25+s14+$0x0], $0xffff;
	v26 =	vpop (erf)  }
0x246: {  	v6 =	vld.idx.msk [tilespmem:v6+s14+$0x0], $0xffff;
	v18 =	vadd.f32 v20, v18;
	v19 =	vmul.f32 v19, v12;
	v20 =	vadd.f32 $1.000000000e+00, v26  }
0x247: {  	v2 =	vmul.f32 v5, v2;
	v34 =	vor.u32 v15, v59;
	v15 =	vld.idx.msk [tilespmem:v30+s14+$0x0], $0xffff;
	v21 =	vmul.f32 $1.442695020e+00, v21  }
0x248: {  	v9 =	vld.idx.msk [tilespmem:v9+s14+$0x0], $0xffff;
	v18 =	vadd.f32 v19, v18;
	(erf) = vrcp.f32 v20;
	v19 =	vmul.f32 v24, v14  }
0x249: {  	v2 =	vadd.f32 v2, v7;
	v0 =	vmul.f32 v3, v0;
	v13 =	vld.idx.msk [tilespmem:v31+s14+$0x0], $0xffff;
	(erf) = vpow2.f32 v21  }
0x24a: {  	v5 =	vld.idx.msk [tilespmem:v33+s14+$0x0], $0xffff;
	v18 =	vadd.f32 v19, v18;
	v19 =	vmul.f32 v25, v16  }
0x24b: {  	v40 =	vor.u32 v55, v59;
	v36 =	vmul.f32 v6, v11;
	v0 =	vadd.f32 v0, v2  }
0x24c: {  	v7 =	vld.idx.msk [tilespmem:v34+s14+$0x0], $0xffff;
	v15 =	vmul.f32 v15, v10;
	v11 =	vadd.f32 v19, v18  }
0x24d: {  	v41 =	vor.u32 v37, v59;
	v0 =	vadd.f32 v36, v0;
	v1 =	vmul.f32 v9, v1  }
0x24e: {  	v3 =	vld.idx.msk [tilespmem:v35+s14+$0x0], $0xffff;
	v9 =	vadd.f32 v15, v11;
	v11 =	vmul.f32 v13, v17  }
0x24f: {  	v43 =	vor.u32 v56, v59;
	v42 =	vmul.f32 v5, v4;
	v0 =	vadd.f32 v1, v0  }
0x250: {  	v6 =	vld.idx.msk [tilespmem:v40+s14+$0x0], $0xffff;
	v44 =	vadd.f32 v11, v9  }
0x251: {  	v46 =	vor.u32 v38, v59;
	v45 =	vmul.f32 v7, v8;
	v0 =	vadd.f32 v42, v0;
	v8 =	vpop (erf)  }
0x252: {  	v2 =	vld.idx.msk [tilespmem:v41+s14+$0x0], $0xffff;
	v9 =	vpop (erf);
	v5 =	vsub.f32 $0.0e+00, v44  }
0x253: {  	v47 =	vmul.f32 v3, v12;
	v0 =	vadd.f32 v45, v0;
	v48 =	vadd.f32 $1.000000000e+00, v9  }
0x254: {  	v4 =	vld.idx.msk [tilespmem:v43+s14+$0x0], $0xffff;
	v5 =	vmul.f32 $1.442695020e+00, v5  }
0x255: {  	v49 =	vmul.f32 v6, v14;
	v0 =	vadd.f32 v47, v0;
	(erf) = vrcp.f32 v48  }
0x256: {  	v50 =	vld.idx.msk [tilespmem:v46+s14+$0x0], $0xffff;
	(erf) = vpow2.f32 v5  }
0x257: {  	v51 =	vmul.f32 v2, v16;
	v0 =	vadd.f32 v49, v0;
	_ =	sdelay $0x1  }
0x258: {  	v52 =	vmul.f32 v4, v10;
	v0 =	vadd.f32 v51, v0;
	_ =	sdelay $0x1  }
0x259: {  	v53 =	vmul.f32 v50, v17;
	v0 =	vadd.f32 v52, v0;
	_ =	sdelay $0x1  }
0x25a: {  	v0 =	vadd.f32 v53, v0  }
0x25b: {  	v54 =	vpop (erf)  }
0x25c: {  	v0 =	vsub.f32 $0.0e+00, v0;
	v55 =	vpop (erf)  }
0x25d: {  	v2 =	vadd.f32 $1.000000000e+00, v55  }
0x25e: {  	v0 =	vmul.f32 $1.442695020e+00, v0  }
0x25f: {  	(erf) = vrcp.f32 v2  }
0x260: {  	(erf) = vpow2.f32 v0;
	_ =	sdelay $0x7  }
0x261: {  	v56 =	vpop (erf)  }
0x262: {  	v57 =	vpop (erf)  }
0x263: {  	v2 =	vadd.f32 $1.000000000e+00, v57  }
0x264: {  	v9 =	vlaneseq.u32  }
0x265: {  	v39 =	vld [tilespmem:$0x1FCC0];
	v58 =	vmov s30;
	v59 =	vmul.u32 $0x88, v9;
	(erf) = vrcp.f32 v2  }
0x266: {  	v32 =	vld [tilespmem:$0x1FCB0];
	v60 =	vand.u32 $0x7F, v58  }
0x267: {  	v26 =	vld [tilespmem:$0x1FCA0];
	v3 =	vadd.s32 v59, v60;
	v61 =	vadd.s32 $0x880, v59  }
0x268: {  	v12 =	vld [tilespmem:$0x1FC30];
	v62 =	vadd.s32 $0x1100, v59;
	v5 =	vadd.s32 v61, v60  }
0x269: {  	v24 =	vld [tilespmem:$0x1FC80];
	v4 =	vadd.s32 $0x1980, v59;
	v6 =	vadd.s32 v62, v60  }
0x26a: {  	p1 =	seq.s32 s31, $0x15E;
	v14 =	vld [tilespmem:$0x1FC50];
	v2 =	vadd.s32 v4, v60  }
.Ltmp1:
0x26b: {  	v11 =	vld [tilespmem:$0x1FC20];
	(pc) =	sbr.rel @!p1 .LBB2_6-.Ltmp1, $4  }
0x26c: {  	v25 =	vld [tilespmem:$0x1FC90];
	[tilespmem:v3+s23+$0x0] =	vst.idx.msk $0xffff, v8  }
0x26d: {  	v19 =	vld [tilespmem:$0x1FC70];
	[tilespmem:v5+s23+$0x0] =	vst.idx.msk $0xffff, v54  }
0x26e: {  	v18 =	vld [tilespmem:$0x1FC60];
	[tilespmem:v6+s23+$0x0] =	vst.idx.msk $0xffff, v56;
	v63 =	vpop (erf)  }
0x26f: {  	s31 =	sadd.s32 $0x32, s31;
	s29 =	sadd.s32 $0x1, s29;
	s30 =	sadd.s32 $0x1, s30;
	v13 =	vld [tilespmem:$0x1FC40];
	[tilespmem:v2+s23+$0x0] =	vst.idx.msk $0x3, v63  }
0x270: {  	p1 =	seq.s32 s26, $0x10  }
.Ltmp2:
0x271: {  	_ = 	snop;
	(pc) =	sbr.rel @!p1 .LBB2_5-.Ltmp2, $2  }
0x272: {  	_ =	sdelay $0x2  }
0x273: {  	p0 =	por !p0, !p0;
	s25 =	sadd.s32 $0x8, s25  }
0x274: {  	s0 =	simm.s32 $0x12D80  }
0x275: {  	[hbm4b:s6+s2] =	stream.linear.scatter [tilespmem:s0], [sflag:$0x2], $0x80, $0x38;
	[tilespmem:$0x14810] =	vst v63  }
0x276: {  	s25 =	smov.u32 s6;
	s0 =	simm.s32 $0x220  }
.LBB2_8:
0x277: {  	p0 =	sne.s32 s0, $0x6820  }
.Ltmp3:
0x278: {  	_ = 	snop;
	(pc) =	sbr.rel @p0 .LBB2_8-.Ltmp3, $4  }
0x279: {  	_ = 	snop  }
0x27a: {  	s1 =	sshra.s32 s0, $0x2;
	s0 =	sadd.s32 $0x220, s0  }
0x27b: {  	s25 =	sadd.s32 $0x200, s25;
	s1 =	sadd.s32 $0x12D80, s1  }
0x27c: {  	[hbm4b:s25+s2] =	stream.linear.scatter [tilespmem:s1], [sflag:$0x2], $0x80, $0x38;
	[tilespmem:$0x14810] =	vst v63  }
0x27d: {  	s24 =	sadd.s32 $0x1, s24  }
0x27e: {  	p0 =	sne.s32 s24, s7  }
.Ltmp4:
0x27f: {  	_ = 	snop;
	(pc) =	sbr.rel @p0 .LBB2_1-.Ltmp4, $4  }
0x280: {  	_ =	swait.ge [sflag:s8], $0x1900  }
0x281: {  	v10 =	vld [tilespmem:$0x1FC10]  }
0x282: {  	[sflag:s8] =	ssyncset.done $0x0  }
0x283: {  	[sflag:s8] =	ssyncadd.s32 $0xFFFFE700  }
0x284: {  	_ =	sfence.sel $0x180000  }
0x285: {  	[bflag:$0x0] =	sbarrier.arrive $0xFFFF  }
0x286: {  	_ =	strace $0x90000047  }
0x287: {  	s0 =	stileid.u32;
	[bflag:$0x2] =	sbarrier.arrive $0xFFFF  }
0x288: {  	p0 =	sne.s32 s0, $0x0;
	s0 =	rddreg [dreg:$0x2]  }
0x289: {  	s0 =	sadd.s32 @!p0 $0x100000, s0  }
0x28a: {  	[sflag:s0] =	ssyncadd.tile.s32 @!p0 $0x1;
	_ =	shalt  }
.Lfunc_end2:
_tile_overlayer_lowered:
.L_overlay_start_2:
0x28b: {  	(tag) =	ssettag $0x2  }
0x28c: {  	s0 =	rddreg [dreg:$0x0];
	s2 =	stileid.u32  }
0x28d: {  	s1 =	rddreg [dreg:$0x1];
	p0 =	sne.s32 s2, $0x0  }
0x28e: {  	s3 =	rddreg [dreg:$0x2];
	[bflag:$0x3] =	sbarrier.arrive $0xFFFF;
	s2 =	simm.s32 @!p0 $0x1C02  }
0x28f: {  	[timem:s3], [sflag:s2] =	dma.local @!p0 [hbm:s0], s1  }
0x290: {  	s0 =	simm.s32 @!p0 $0x2  }
0x291: {  	_ =	swait.ge @!p0 [sflag:s0], s1  }
0x292: {  	s1 =	ssub.s32 @!p0 $0x0, s1;
	[sflag:s0] =	ssyncset.done @!p0 $0x0  }
0x293: {  	[sflag:s0] =	ssyncadd.s32 @!p0 s1  }
0x294: {  	[bflag:$0x3] =	sbarrier.arrive $0xFFFF  }
0x295: {  	_ =	shalt  }

</sc_bundles>
